<compile_context>
chip_gen: v7x
topology: tpu7x:2x2x1
jax: 0.10.2.dev20260603
libtpu: 0.0.44.dev20260713+nightly
codegen_flags: <defaults>
</compile_context>

<pallas_src>
import functools

import jax
import jax.numpy as jnp
import numpy as np
from jax import lax
from jax.experimental import pallas as pl
from jax.experimental.pallas import tpu as pltpu
from jax.experimental.pallas import tpu_sc as plsc

NC = 2
NS = 16
L = 16
K = 128
DH = 64
NIB = 6
NRB = 3
LA_I = 4
LA_G = 2
DRAIN = 2
UNROLL = 4


def _make_spmm(n_nodes, e1, e2p):
    e_pad = e1 + e2p
    edges_per_tile = e_pad // NS
    nchunk = edges_per_tile // K
    assert nchunk % NIB == 0 and nchunk >= 2 * NIB
    assert e1 % K == 0 and e2p % K == 0
    hb = ((n_nodes + (NS // 2) * 8 - 1) // ((NS // 2) * 8)) * ((NS // 2) * 8)
    acc_rows = 2 * hb
    rows_per_tile = acc_rows // NS
    mesh = plsc.VectorSubcoreMesh(core_axis_name="c", subcore_axis_name="s")

    @functools.partial(
        pl.kernel,
        mesh=mesh,
        out_type=jax.ShapeDtypeStruct((n_nodes, 4 * DH), jnp.float32),
        compiler_params=pltpu.CompilerParams(
            needs_layout_passes=False, use_tc_tiling_on_sc=False
        ),
        scratch_types=[
            pltpu.VMEM_SHARED((acc_rows, DH), jnp.float32),
            [pltpu.VMEM((K,), jnp.int32) for _ in range(NIB)],
            [pltpu.VMEM((K,), jnp.int32) for _ in range(NIB)],
            [pltpu.VMEM((K,), jnp.float32) for _ in range(NIB)],
            [pltpu.VMEM((K, DH), jnp.bfloat16) for _ in range(NRB)],
            [pltpu.VMEM((K, DH), jnp.float32) for _ in range(NRB)],
            [pltpu.SemaphoreType.DMA for _ in range(NIB)],
            [pltpu.SemaphoreType.DMA for _ in range(NRB)],
            [pltpu.SemaphoreType.DMA for _ in range(NRB)],
        ],
    )
    def spmm(xa, xb, d1, s1, w1, d2, s2, w2, out, acc, idx_s, idx_d, wv,
             rows_g, rows_s, isems, gsems, ssems):
        c = lax.axis_index("c")
        s = lax.axis_index("s")
        tbase = s * edges_per_tile
        zero = jnp.zeros((L,), jnp.float32)

        def zrow(k, carry):
            for j in range(DH // L):
                rows_s[0][k, pl.ds(j * L, L)] = zero
            return carry

        lax.fori_loop(0, K, zrow, 0)
        zfull, zrem = divmod(rows_per_tile, K)
        for t in range(zfull):
            pltpu.sync_copy(
                rows_s[0], acc.at[pl.ds(s * rows_per_tile + t * K, K)]
            )
        if zrem:
            pltpu.sync_copy(
                rows_s[0].at[pl.ds(0, zrem)],
                acc.at[pl.ds(s * rows_per_tile + zfull * K, zrem)],
            )
        plsc.subcore_barrier()

        def issue_idx(g, bi):
            base = tbase + g * K

            @pl.when(base < e1)
            def _():
                pltpu.async_copy(s1.at[pl.ds(base, K)], idx_s[bi], isems[bi])
                pltpu.async_copy(d1.at[pl.ds(base, K)], idx_d[bi], isems[bi])
                pltpu.async_copy(w1.at[pl.ds(base, K)], wv[bi], isems[bi])

            @pl.when(base >= e1)
            def _():
                b2 = base - e1
                pltpu.async_copy(s2.at[pl.ds(b2, K)], idx_s[bi], isems[bi])
                pltpu.async_copy(d2.at[pl.ds(b2, K)], idx_d[bi], isems[bi])
                pltpu.async_copy(w2.at[pl.ds(b2, K)], wv[bi], isems[bi])

        def wait_idx(bi):
            pltpu.make_async_copy(s1.at[pl.ds(0, K)], idx_s[bi], isems[bi]).wait()
            pltpu.make_async_copy(d1.at[pl.ds(0, K)], idx_d[bi], isems[bi]).wait()
            pltpu.make_async_copy(w1.at[pl.ds(0, K)], wv[bi], isems[bi]).wait()

        def issue_gather(bi, bg):
            @pl.when(c == 0)
            def _():
                pltpu.async_copy(xa.at[idx_s[bi]], rows_g[bg], gsems[bg])

            @pl.when(c == 1)
            def _():
                pltpu.async_copy(xb.at[idx_s[bi]], rows_g[bg], gsems[bg])

        def wait_gather(bi, bg):
            pltpu.make_async_copy(
                xa.at[idx_s[bi]], rows_g[bg], gsems[bg]
            ).wait()

        def issue_scatter(bi, bs):
            pltpu.async_copy(rows_s[bs], acc.at[idx_d[bi]], ssems[bs], add=True)

        def wait_scatter(bi, bs):
            pltpu.make_async_copy(
                rows_s[bs], acc.at[idx_d[bi]], ssems[bs]
            ).wait()

        def scale(bi, bg, bs):
            @plsc.parallel_loop(0, K, 1, unroll=UNROLL)
            def body(k):
                wk = plsc.load_gather(wv[bi], [jnp.broadcast_to(k, (L,))])
                for j in range(DH // 32):
                    v = rows_g[bg][k, pl.ds(j * 32, 32)]
                    va, vb = plsc.unpack(v, format=plsc.PackFormat.INTERLEAVED)
                    rows_s[bs][k, pl.ds(j * 32, L)] = va * wk
                    rows_s[bs][k, pl.ds(j * 32 + L, L)] = vb * wk

        for g in range(LA_I):
            issue_idx(g, g % NIB)
        for g in range(LA_G):
            wait_idx(g % NIB)
            issue_gather(g % NIB, g % NRB)

        def super_it(gg, carry):
            for b in range(NIB):
                g = gg * NIB + b

                @pl.when(g >= DRAIN)
                def _():
                    wait_scatter((b - DRAIN) % NIB, (b - DRAIN) % NRB)

                @pl.when(g + LA_I < nchunk)
                def _():
                    issue_idx(g + LA_I, (b + LA_I) % NIB)

                @pl.when(g + LA_G < nchunk)
                def _():
                    wait_idx((b + LA_G) % NIB)
                    issue_gather((b + LA_G) % NIB, (b + LA_G) % NRB)

                wait_gather(b % NIB, b % NRB)
                scale(b % NIB, b % NRB, b % NRB)
                issue_scatter(b % NIB, b % NRB)
            return carry

        lax.fori_loop(0, nchunk // NIB, super_it, 0)
        for g in range(nchunk - DRAIN, nchunk):
            wait_scatter(g % NIB, g % NRB)
        plsc.subcore_barrier()
        h = s // (NS // 2)
        r = s % (NS // 2)
        i0 = r * rows_per_tile
        col = (2 * h + c) * DH
        tail = n_nodes - (NS // 2 - 1) * rows_per_tile

        @pl.when(r < NS // 2 - 1)
        def _():
            pltpu.sync_copy(
                acc.at[pl.ds(h * hb + i0, rows_per_tile)],
                out.at[pl.ds(i0, rows_per_tile), pl.ds(col, DH)],
            )

        @pl.when(r == NS // 2 - 1)
        def _():
            pltpu.sync_copy(
                acc.at[pl.ds(h * hb + i0, tail)],
                out.at[pl.ds(i0, tail), pl.ds(col, DH)],
            )

    return spmm


def _unpack_perm():
    block = np.stack([np.arange(16), np.arange(16) + 16], axis=1).reshape(32)
    return np.concatenate([block + 32 * j for j in range(DH // 32)])


def kernel(x, edge_index, edge_weight, edge_index2, edge_weight2):
    x = x.astype(jnp.float32)
    n = x.shape[0]
    d1 = edge_index[0].astype(jnp.int32)
    s1 = edge_index[1].astype(jnp.int32)
    d2 = edge_index2[0].astype(jnp.int32)
    s2 = edge_index2[1].astype(jnp.int32)
    w1 = edge_weight.astype(jnp.float32)
    w2 = edge_weight2.astype(jnp.float32)
    hb = ((n + (NS // 2) * 8 - 1) // ((NS // 2) * 8)) * ((NS // 2) * 8)
    e1 = d1.shape[0]
    e2 = d2.shape[0]
    quantum = NS * K * NIB
    e_pad = ((e1 + e2 + quantum - 1) // quantum) * quantum
    pad = e_pad - e1 - e2
    d2 = jnp.pad(d2 + hb, (0, pad))
    s2 = jnp.pad(s2, (0, pad))
    w2 = jnp.pad(w2, (0, pad))
    xh = x.astype(jnp.bfloat16)
    perm = _unpack_perm()
    xa = xh[:, :DH][:, perm]
    xb = xh[:, DH:][:, perm]
    return _make_spmm(n, e1, e2 + pad)(xa, xb, d1, s1, w1, d2, s2, w2)

# --- scband reference (transcript-rebuilt; emitter-appended) ---
"""Pipeline reference for scband-h2-gcnconv-4501125726321 (READ-ONLY COPY).

The authoritative reference and input builder live on the scoring server;
editing this copy changes nothing except your own understanding.
"""

import jax, jax.numpy as jnp
import numpy as np


def setup_inputs(seed: int = 0) -> dict:
    key = jax.random.key(seed)
    k_x, k_ei, k_ew, k_ei2, k_ew2 = jax.random.split(key, 5)
    n_nodes = 10000
    d_feat = 128
    E1 = 320000
    E2 = 600000
    x = jax.random.normal(k_x, (n_nodes, d_feat), dtype=jnp.float32)
    edge_index = jax.random.randint(k_ei, (2, E1), 0, n_nodes, dtype=jnp.int64)
    edge_weight = jax.random.uniform(k_ew, (E1,), dtype=jnp.float32)
    edge_index2 = jax.random.randint(k_ei2, (2, E2), 0, n_nodes, dtype=jnp.int64)
    edge_weight2 = jax.random.uniform(k_ew2, (E2,), dtype=jnp.float32)
    return {
        "x": x,
        "edge_index": edge_index,
        "edge_weight": edge_weight,
        "edge_index2": edge_index2,
        "edge_weight2": edge_weight2,
    }


def _spmm(x, edge_index, edge_weight, num_nodes):
    # matmul(adj_t, x): row = dst (aggregating node), col = src (neighbor)
    dst = edge_index[0]
    src = edge_index[1]
    msgs = jnp.take(x, src, axis=0) * edge_weight[:, None]
    return jax.ops.segment_sum(msgs, dst, num_segments=num_nodes)


def reference(x, edge_index, edge_weight, edge_index2, edge_weight2):
    n = x.shape[0]
    x1 = _spmm(x, edge_index, edge_weight, n)
    x2 = _spmm(x, edge_index2, edge_weight2, n)
    return jnp.concatenate([x1, x2], axis=1)

if __name__ == "__main__":
    import jax
    _d = setup_inputs()
    print(jax.jit(kernel)(*tuple(_d.values())))

</pallas_src>

<mosaic_0001>
#map = affine_map<(d0, d1) -> (0, 0)>
#map1 = affine_map<(d0, d1) -> (0)>
module attributes {stable_mosaic.version = 14 : i64} {
  func.func @spmm(%arg0: i32, %arg1: i32, %arg2: memref<10000x64xbf16, #tpu.memory_space<hbm>>, %arg3: memref<10000x64xbf16, #tpu.memory_space<hbm>>, %arg4: memref<320000xi32, #tpu.memory_space<hbm>>, %arg5: memref<320000xi32, #tpu.memory_space<hbm>>, %arg6: memref<320000xf32, #tpu.memory_space<hbm>>, %arg7: memref<601600xi32, #tpu.memory_space<hbm>>, %arg8: memref<601600xi32, #tpu.memory_space<hbm>>, %arg9: memref<601600xf32, #tpu.memory_space<hbm>>, %arg10: memref<10000x256xf32, #tpu.memory_space<hbm>>, %arg11: memref<20096x64xf32, #tpu.memory_space<vmem_shared>>, %arg12: memref<128xi32, #tpu.memory_space<vmem>>, %arg13: memref<128xi32, #tpu.memory_space<vmem>>, %arg14: memref<128xi32, #tpu.memory_space<vmem>>, %arg15: memref<128xi32, #tpu.memory_space<vmem>>, %arg16: memref<128xi32, #tpu.memory_space<vmem>>, %arg17: memref<128xi32, #tpu.memory_space<vmem>>, %arg18: memref<128xi32, #tpu.memory_space<vmem>>, %arg19: memref<128xi32, #tpu.memory_space<vmem>>, %arg20: memref<128xi32, #tpu.memory_space<vmem>>, %arg21: memref<128xi32, #tpu.memory_space<vmem>>, %arg22: memref<128xi32, #tpu.memory_space<vmem>>, %arg23: memref<128xi32, #tpu.memory_space<vmem>>, %arg24: memref<128xf32, #tpu.memory_space<vmem>>, %arg25: memref<128xf32, #tpu.memory_space<vmem>>, %arg26: memref<128xf32, #tpu.memory_space<vmem>>, %arg27: memref<128xf32, #tpu.memory_space<vmem>>, %arg28: memref<128xf32, #tpu.memory_space<vmem>>, %arg29: memref<128xf32, #tpu.memory_space<vmem>>, %arg30: memref<128x64xbf16, #tpu.memory_space<vmem>>, %arg31: memref<128x64xbf16, #tpu.memory_space<vmem>>, %arg32: memref<128x64xbf16, #tpu.memory_space<vmem>>, %arg33: memref<128x64xf32, #tpu.memory_space<vmem>>, %arg34: memref<128x64xf32, #tpu.memory_space<vmem>>, %arg35: memref<128x64xf32, #tpu.memory_space<vmem>>, %arg36: memref<!tpu.dma_semaphore, #tpu.memory_space<semaphore_mem>>, %arg37: memref<!tpu.dma_semaphore, #tpu.memory_space<semaphore_mem>>, %arg38: memref<!tpu.dma_semaphore, #tpu.memory_space<semaphore_mem>>, %arg39: memref<!tpu.dma_semaphore, #tpu.memory_space<semaphore_mem>>, %arg40: memref<!tpu.dma_semaphore, #tpu.memory_space<semaphore_mem>>, %arg41: memref<!tpu.dma_semaphore, #tpu.memory_space<semaphore_mem>>, %arg42: memref<!tpu.dma_semaphore, #tpu.memory_space<semaphore_mem>>, %arg43: memref<!tpu.dma_semaphore, #tpu.memory_space<semaphore_mem>>, %arg44: memref<!tpu.dma_semaphore, #tpu.memory_space<semaphore_mem>>, %arg45: memref<!tpu.dma_semaphore, #tpu.memory_space<semaphore_mem>>, %arg46: memref<!tpu.dma_semaphore, #tpu.memory_space<semaphore_mem>>, %arg47: memref<!tpu.dma_semaphore, #tpu.memory_space<semaphore_mem>>) attributes {dimension_semantics = [#tpu.dimension_semantics<core_parallel>, #tpu.dimension_semantics<subcore_parallel>], iteration_bounds = array<i64: 2, 16>, scalar_prefetch = 0 : i64, scratch_operands = 37 : i64, tpu.core_type = #tpu.core_type<sc_vector_subcore>, window_params = [{transform_indices = #map}, {transform_indices = #map}, {transform_indices = #map1}, {transform_indices = #map1}, {transform_indices = #map1}, {transform_indices = #map1}, {transform_indices = #map1}, {transform_indices = #map1}, {transform_indices = #map}]} {
    %mul3A = arith.constant 57600 : i32
    %mul3A_0 = arith.muli %arg1, %mul3A : i32
    %broadcast_in_dim3A = arith.constant 0.000000e+00 : f32
    %broadcast_in_dim3A_1 = vector.broadcast %broadcast_in_dim3A : f32 to vector<16xf32>
    %scan3A = arith.constant 0 : i32
    %scan3A_2 = arith.constant 0 : i32
    %scan3A_3 = arith.constant 128 : i32
    %scan3A_4 = arith.addi %scan3A_2, %scan3A_3 : i32
    %scan3A_5 = arith.constant 1 : i32
    scf.for %scan3A_194 = %scan3A_2 to %scan3A_4 step %scan3A_5  : i32 {
      %swap3A = arith.index_cast %scan3A_194 : i32 to index
      %swap3A_195 = arith.constant 0 : index
      %swap3A_196 = tpu.vector_load %arg33[%swap3A, %swap3A_195] {strides = array<i32>} : memref<128x64xf32, #tpu.memory_space<vmem>>, vector<16xf32>,
      tpu.vector_store %arg33[%swap3A, %swap3A_195], %broadcast_in_dim3A_1 {strides = array<i32>} : memref<128x64xf32, #tpu.memory_space<vmem>>, vector<16xf32>,
      %swap3A_197 = arith.index_cast %scan3A_194 : i32 to index
      %swap3A_198 = arith.constant 16 : index
      %swap3A_199 = tpu.vector_load %arg33[%swap3A_197, %swap3A_198] {strides = array<i32>} : memref<128x64xf32, #tpu.memory_space<vmem>>, vector<16xf32>,
      tpu.vector_store %arg33[%swap3A_197, %swap3A_198], %broadcast_in_dim3A_1 {strides = array<i32>} : memref<128x64xf32, #tpu.memory_space<vmem>>, vector<16xf32>,
      %swap3A_200 = arith.index_cast %scan3A_194 : i32 to index
      %swap3A_201 = arith.constant 32 : index
      %swap3A_202 = tpu.vector_load %arg33[%swap3A_200, %swap3A_201] {strides = array<i32>} : memref<128x64xf32, #tpu.memory_space<vmem>>, vector<16xf32>,
      tpu.vector_store %arg33[%swap3A_200, %swap3A_201], %broadcast_in_dim3A_1 {strides = array<i32>} : memref<128x64xf32, #tpu.memory_space<vmem>>, vector<16xf32>,
      %swap3A_203 = arith.index_cast %scan3A_194 : i32 to index
      %swap3A_204 = arith.constant 48 : index
      %swap3A_205 = tpu.vector_load %arg33[%swap3A_203, %swap3A_204] {strides = array<i32>} : memref<128x64xf32, #tpu.memory_space<vmem>>, vector<16xf32>,
      tpu.vector_store %arg33[%swap3A_203, %swap3A_204], %broadcast_in_dim3A_1 {strides = array<i32>} : memref<128x64xf32, #tpu.memory_space<vmem>>, vector<16xf32>,
    }
    %scan3A_6 = arith.constant 128 : i32
    %mul3A_7 = arith.constant 1256 : i32
    %mul3A_8 = arith.muli %arg1, %mul3A_7 : i32
    %add3A = arith.constant 0 : i32
    %add3A_9 = arith.addi %mul3A_8, %add3A : i32
    "tpu.region"() ({
      %run_scoped3A = tpu.sem_alloc : memref<!tpu.dma_semaphore, #tpu.memory_space<semaphore_mem>>
      %dma_start3A = arith.constant 0 : i32
      %dma_start3A_194 = tpu.memref_slice %arg11[%add3A_9, %dma_start3A] : memref<20096x64xf32, #tpu.memory_space<vmem_shared>> -> memref<128x64xf32, #tpu.memory_space<vmem_shared>>
      %dma_start3A_195 = arith.constant 0 : i32
      %dma_start3A_196 = tpu.memref_slice %arg11[%add3A_9, %dma_start3A_195] : memref<20096x64xf32, #tpu.memory_space<vmem_shared>> -> memref<128x64xf32, #tpu.memory_space<vmem_shared>>
      tpu.enqueue_dma source(%arg33 : memref<128x64xf32, #tpu.memory_space<vmem>>) target(%dma_start3A_196 : memref<128x64xf32, #tpu.memory_space<vmem_shared>>) target_semaphore(%run_scoped3A : memref<!tpu.dma_semaphore, #tpu.memory_space<semaphore_mem>>)
      %dma_wait3A_197 = arith.constant 0 : i32
      %dma_wait3A_198 = tpu.memref_slice %arg11[%add3A_9, %dma_wait3A_197] : memref<20096x64xf32, #tpu.memory_space<vmem_shared>> -> memref<128x64xf32, #tpu.memory_space<vmem_shared>>
      %dma_wait3A_199 = arith.constant 0 : i32
      %dma_wait3A_200 = tpu.memref_slice %arg11[%add3A_9, %dma_wait3A_199] : memref<20096x64xf32, #tpu.memory_space<vmem_shared>> -> memref<128x64xf32, #tpu.memory_space<vmem_shared>>
      tpu.wait_dma2 semaphore(%run_scoped3A : memref<!tpu.dma_semaphore, #tpu.memory_space<semaphore_mem>>) src(%arg33 : memref<128x64xf32, #tpu.memory_space<vmem>>) dst(%dma_wait3A_200 : memref<128x64xf32, #tpu.memory_space<vmem_shared>>)
      tpu.yield
    }) : () -> ()
    %mul3A_10 = arith.constant 1256 : i32
    %mul3A_11 = arith.muli %arg1, %mul3A_10 : i32
    %add3A_12 = arith.constant 128 : i32
    %add3A_13 = arith.addi %mul3A_11, %add3A_12 : i32
    "tpu.region"() ({
      %run_scoped3A = tpu.sem_alloc : memref<!tpu.dma_semaphore, #tpu.memory_space<semaphore_mem>>
      %dma_start3A = arith.constant 0 : i32
      %dma_start3A_194 = tpu.memref_slice %arg11[%add3A_13, %dma_start3A] : memref<20096x64xf32, #tpu.memory_space<vmem_shared>> -> memref<128x64xf32, #tpu.memory_space<vmem_shared>>
      %dma_start3A_195 = arith.constant 0 : i32
      %dma_start3A_196 = tpu.memref_slice %arg11[%add3A_13, %dma_start3A_195] : memref<20096x64xf32, #tpu.memory_space<vmem_shared>> -> memref<128x64xf32, #tpu.memory_space<vmem_shared>>
      tpu.enqueue_dma source(%arg33 : memref<128x64xf32, #tpu.memory_space<vmem>>) target(%dma_start3A_196 : memref<128x64xf32, #tpu.memory_space<vmem_shared>>) target_semaphore(%run_scoped3A : memref<!tpu.dma_semaphore, #tpu.memory_space<semaphore_mem>>)
      %dma_wait3A_197 = arith.constant 0 : i32
      %dma_wait3A_198 = tpu.memref_slice %arg11[%add3A_13, %dma_wait3A_197] : memref<20096x64xf32, #tpu.memory_space<vmem_shared>> -> memref<128x64xf32, #tpu.memory_space<vmem_shared>>
      %dma_wait3A_199 = arith.constant 0 : i32
      %dma_wait3A_200 = tpu.memref_slice %arg11[%add3A_13, %dma_wait3A_199] : memref<20096x64xf32, #tpu.memory_space<vmem_shared>> -> memref<128x64xf32, #tpu.memory_space<vmem_shared>>
      tpu.wait_dma2 semaphore(%run_scoped3A : memref<!tpu.dma_semaphore, #tpu.memory_space<semaphore_mem>>) src(%arg33 : memref<128x64xf32, #tpu.memory_space<vmem>>) dst(%dma_wait3A_200 : memref<128x64xf32, #tpu.memory_space<vmem_shared>>)
      tpu.yield
    }) : () -> ()
    %mul3A_14 = arith.constant 1256 : i32
    %mul3A_15 = arith.muli %arg1, %mul3A_14 : i32
    %add3A_16 = arith.constant 256 : i32
    %add3A_17 = arith.addi %mul3A_15, %add3A_16 : i32
    "tpu.region"() ({
      %run_scoped3A = tpu.sem_alloc : memref<!tpu.dma_semaphore, #tpu.memory_space<semaphore_mem>>
      %dma_start3A = arith.constant 0 : i32
      %dma_start3A_194 = tpu.memref_slice %arg11[%add3A_17, %dma_start3A] : memref<20096x64xf32, #tpu.memory_space<vmem_shared>> -> memref<128x64xf32, #tpu.memory_space<vmem_shared>>
      %dma_start3A_195 = arith.constant 0 : i32
      %dma_start3A_196 = tpu.memref_slice %arg11[%add3A_17, %dma_start3A_195] : memref<20096x64xf32, #tpu.memory_space<vmem_shared>> -> memref<128x64xf32, #tpu.memory_space<vmem_shared>>
      tpu.enqueue_dma source(%arg33 : memref<128x64xf32, #tpu.memory_space<vmem>>) target(%dma_start3A_196 : memref<128x64xf32, #tpu.memory_space<vmem_shared>>) target_semaphore(%run_scoped3A : memref<!tpu.dma_semaphore, #tpu.memory_space<semaphore_mem>>)
      %dma_wait3A_197 = arith.constant 0 : i32
      %dma_wait3A_198 = tpu.memref_slice %arg11[%add3A_17, %dma_wait3A_197] : memref<20096x64xf32, #tpu.memory_space<vmem_shared>> -> memref<128x64xf32, #tpu.memory_space<vmem_shared>>
      %dma_wait3A_199 = arith.constant 0 : i32
      %dma_wait3A_200 = tpu.memref_slice %arg11[%add3A_17, %dma_wait3A_199] : memref<20096x64xf32, #tpu.memory_space<vmem_shared>> -> memref<128x64xf32, #tpu.memory_space<vmem_shared>>
      tpu.wait_dma2 semaphore(%run_scoped3A : memref<!tpu.dma_semaphore, #tpu.memory_space<semaphore_mem>>) src(%arg33 : memref<128x64xf32, #tpu.memory_space<vmem>>) dst(%dma_wait3A_200 : memref<128x64xf32, #tpu.memory_space<vmem_shared>>)
      tpu.yield
    }) : () -> ()
    %mul3A_18 = arith.constant 1256 : i32
    %mul3A_19 = arith.muli %arg1, %mul3A_18 : i32
    %add3A_20 = arith.constant 384 : i32
    %add3A_21 = arith.addi %mul3A_19, %add3A_20 : i32
    "tpu.region"() ({
      %run_scoped3A = tpu.sem_alloc : memref<!tpu.dma_semaphore, #tpu.memory_space<semaphore_mem>>
      %dma_start3A = arith.constant 0 : i32
      %dma_start3A_194 = tpu.memref_slice %arg11[%add3A_21, %dma_start3A] : memref<20096x64xf32, #tpu.memory_space<vmem_shared>> -> memref<128x64xf32, #tpu.memory_space<vmem_shared>>
      %dma_start3A_195 = arith.constant 0 : i32
      %dma_start3A_196 = tpu.memref_slice %arg11[%add3A_21, %dma_start3A_195] : memref<20096x64xf32, #tpu.memory_space<vmem_shared>> -> memref<128x64xf32, #tpu.memory_space<vmem_shared>>
      tpu.enqueue_dma source(%arg33 : memref<128x64xf32, #tpu.memory_space<vmem>>) target(%dma_start3A_196 : memref<128x64xf32, #tpu.memory_space<vmem_shared>>) target_semaphore(%run_scoped3A : memref<!tpu.dma_semaphore, #tpu.memory_space<semaphore_mem>>)
      %dma_wait3A_197 = arith.constant 0 : i32
      %dma_wait3A_198 = tpu.memref_slice %arg11[%add3A_21, %dma_wait3A_197] : memref<20096x64xf32, #tpu.memory_space<vmem_shared>> -> memref<128x64xf32, #tpu.memory_space<vmem_shared>>
      %dma_wait3A_199 = arith.constant 0 : i32
      %dma_wait3A_200 = tpu.memref_slice %arg11[%add3A_21, %dma_wait3A_199] : memref<20096x64xf32, #tpu.memory_space<vmem_shared>> -> memref<128x64xf32, #tpu.memory_space<vmem_shared>>
      tpu.wait_dma2 semaphore(%run_scoped3A : memref<!tpu.dma_semaphore, #tpu.memory_space<semaphore_mem>>) src(%arg33 : memref<128x64xf32, #tpu.memory_space<vmem>>) dst(%dma_wait3A_200 : memref<128x64xf32, #tpu.memory_space<vmem_shared>>)
      tpu.yield
    }) : () -> ()
    %mul3A_22 = arith.constant 1256 : i32
    %mul3A_23 = arith.muli %arg1, %mul3A_22 : i32
    %add3A_24 = arith.constant 512 : i32
    %add3A_25 = arith.addi %mul3A_23, %add3A_24 : i32
    "tpu.region"() ({
      %run_scoped3A = tpu.sem_alloc : memref<!tpu.dma_semaphore, #tpu.memory_space<semaphore_mem>>
      %dma_start3A = arith.constant 0 : i32
      %dma_start3A_194 = tpu.memref_slice %arg11[%add3A_25, %dma_start3A] : memref<20096x64xf32, #tpu.memory_space<vmem_shared>> -> memref<128x64xf32, #tpu.memory_space<vmem_shared>>
      %dma_start3A_195 = arith.constant 0 : i32
      %dma_start3A_196 = tpu.memref_slice %arg11[%add3A_25, %dma_start3A_195] : memref<20096x64xf32, #tpu.memory_space<vmem_shared>> -> memref<128x64xf32, #tpu.memory_space<vmem_shared>>
      tpu.enqueue_dma source(%arg33 : memref<128x64xf32, #tpu.memory_space<vmem>>) target(%dma_start3A_196 : memref<128x64xf32, #tpu.memory_space<vmem_shared>>) target_semaphore(%run_scoped3A : memref<!tpu.dma_semaphore, #tpu.memory_space<semaphore_mem>>)
      %dma_wait3A_197 = arith.constant 0 : i32
      %dma_wait3A_198 = tpu.memref_slice %arg11[%add3A_25, %dma_wait3A_197] : memref<20096x64xf32, #tpu.memory_space<vmem_shared>> -> memref<128x64xf32, #tpu.memory_space<vmem_shared>>
      %dma_wait3A_199 = arith.constant 0 : i32
      %dma_wait3A_200 = tpu.memref_slice %arg11[%add3A_25, %dma_wait3A_199] : memref<20096x64xf32, #tpu.memory_space<vmem_shared>> -> memref<128x64xf32, #tpu.memory_space<vmem_shared>>
      tpu.wait_dma2 semaphore(%run_scoped3A : memref<!tpu.dma_semaphore, #tpu.memory_space<semaphore_mem>>) src(%arg33 : memref<128x64xf32, #tpu.memory_space<vmem>>) dst(%dma_wait3A_200 : memref<128x64xf32, #tpu.memory_space<vmem_shared>>)
      tpu.yield
    }) : () -> ()
    %mul3A_26 = arith.constant 1256 : i32
    %mul3A_27 = arith.muli %arg1, %mul3A_26 : i32
    %add3A_28 = arith.constant 640 : i32
    %add3A_29 = arith.addi %mul3A_27, %add3A_28 : i32
    "tpu.region"() ({
      %run_scoped3A = tpu.sem_alloc : memref<!tpu.dma_semaphore, #tpu.memory_space<semaphore_mem>>
      %dma_start3A = arith.constant 0 : i32
      %dma_start3A_194 = tpu.memref_slice %arg11[%add3A_29, %dma_start3A] : memref<20096x64xf32, #tpu.memory_space<vmem_shared>> -> memref<128x64xf32, #tpu.memory_space<vmem_shared>>
      %dma_start3A_195 = arith.constant 0 : i32
      %dma_start3A_196 = tpu.memref_slice %arg11[%add3A_29, %dma_start3A_195] : memref<20096x64xf32, #tpu.memory_space<vmem_shared>> -> memref<128x64xf32, #tpu.memory_space<vmem_shared>>
      tpu.enqueue_dma source(%arg33 : memref<128x64xf32, #tpu.memory_space<vmem>>) target(%dma_start3A_196 : memref<128x64xf32, #tpu.memory_space<vmem_shared>>) target_semaphore(%run_scoped3A : memref<!tpu.dma_semaphore, #tpu.memory_space<semaphore_mem>>)
      %dma_wait3A_197 = arith.constant 0 : i32
      %dma_wait3A_198 = tpu.memref_slice %arg11[%add3A_29, %dma_wait3A_197] : memref<20096x64xf32, #tpu.memory_space<vmem_shared>> -> memref<128x64xf32, #tpu.memory_space<vmem_shared>>
      %dma_wait3A_199 = arith.constant 0 : i32
      %dma_wait3A_200 = tpu.memref_slice %arg11[%add3A_29, %dma_wait3A_199] : memref<20096x64xf32, #tpu.memory_space<vmem_shared>> -> memref<128x64xf32, #tpu.memory_space<vmem_shared>>
      tpu.wait_dma2 semaphore(%run_scoped3A : memref<!tpu.dma_semaphore, #tpu.memory_space<semaphore_mem>>) src(%arg33 : memref<128x64xf32, #tpu.memory_space<vmem>>) dst(%dma_wait3A_200 : memref<128x64xf32, #tpu.memory_space<vmem_shared>>)
      tpu.yield
    }) : () -> ()
    %mul3A_30 = arith.constant 1256 : i32
    %mul3A_31 = arith.muli %arg1, %mul3A_30 : i32
    %add3A_32 = arith.constant 768 : i32
    %add3A_33 = arith.addi %mul3A_31, %add3A_32 : i32
    "tpu.region"() ({
      %run_scoped3A = tpu.sem_alloc : memref<!tpu.dma_semaphore, #tpu.memory_space<semaphore_mem>>
      %dma_start3A = arith.constant 0 : i32
      %dma_start3A_194 = tpu.memref_slice %arg11[%add3A_33, %dma_start3A] : memref<20096x64xf32, #tpu.memory_space<vmem_shared>> -> memref<128x64xf32, #tpu.memory_space<vmem_shared>>
      %dma_start3A_195 = arith.constant 0 : i32
      %dma_start3A_196 = tpu.memref_slice %arg11[%add3A_33, %dma_start3A_195] : memref<20096x64xf32, #tpu.memory_space<vmem_shared>> -> memref<128x64xf32, #tpu.memory_space<vmem_shared>>
      tpu.enqueue_dma source(%arg33 : memref<128x64xf32, #tpu.memory_space<vmem>>) target(%dma_start3A_196 : memref<128x64xf32, #tpu.memory_space<vmem_shared>>) target_semaphore(%run_scoped3A : memref<!tpu.dma_semaphore, #tpu.memory_space<semaphore_mem>>)
      %dma_wait3A_197 = arith.constant 0 : i32
      %dma_wait3A_198 = tpu.memref_slice %arg11[%add3A_33, %dma_wait3A_197] : memref<20096x64xf32, #tpu.memory_space<vmem_shared>> -> memref<128x64xf32, #tpu.memory_space<vmem_shared>>
      %dma_wait3A_199 = arith.constant 0 : i32
      %dma_wait3A_200 = tpu.memref_slice %arg11[%add3A_33, %dma_wait3A_199] : memref<20096x64xf32, #tpu.memory_space<vmem_shared>> -> memref<128x64xf32, #tpu.memory_space<vmem_shared>>
      tpu.wait_dma2 semaphore(%run_scoped3A : memref<!tpu.dma_semaphore, #tpu.memory_space<semaphore_mem>>) src(%arg33 : memref<128x64xf32, #tpu.memory_space<vmem>>) dst(%dma_wait3A_200 : memref<128x64xf32, #tpu.memory_space<vmem_shared>>)
      tpu.yield
    }) : () -> ()
    %mul3A_34 = arith.constant 1256 : i32
    %mul3A_35 = arith.muli %arg1, %mul3A_34 : i32
    %add3A_36 = arith.constant 896 : i32
    %add3A_37 = arith.addi %mul3A_35, %add3A_36 : i32
    "tpu.region"() ({
      %run_scoped3A = tpu.sem_alloc : memref<!tpu.dma_semaphore, #tpu.memory_space<semaphore_mem>>
      %dma_start3A = arith.constant 0 : i32
      %dma_start3A_194 = tpu.memref_slice %arg11[%add3A_37, %dma_start3A] : memref<20096x64xf32, #tpu.memory_space<vmem_shared>> -> memref<128x64xf32, #tpu.memory_space<vmem_shared>>
      %dma_start3A_195 = arith.constant 0 : i32
      %dma_start3A_196 = tpu.memref_slice %arg11[%add3A_37, %dma_start3A_195] : memref<20096x64xf32, #tpu.memory_space<vmem_shared>> -> memref<128x64xf32, #tpu.memory_space<vmem_shared>>
      tpu.enqueue_dma source(%arg33 : memref<128x64xf32, #tpu.memory_space<vmem>>) target(%dma_start3A_196 : memref<128x64xf32, #tpu.memory_space<vmem_shared>>) target_semaphore(%run_scoped3A : memref<!tpu.dma_semaphore, #tpu.memory_space<semaphore_mem>>)
      %dma_wait3A_197 = arith.constant 0 : i32
      %dma_wait3A_198 = tpu.memref_slice %arg11[%add3A_37, %dma_wait3A_197] : memref<20096x64xf32, #tpu.memory_space<vmem_shared>> -> memref<128x64xf32, #tpu.memory_space<vmem_shared>>
      %dma_wait3A_199 = arith.constant 0 : i32
      %dma_wait3A_200 = tpu.memref_slice %arg11[%add3A_37, %dma_wait3A_199] : memref<20096x64xf32, #tpu.memory_space<vmem_shared>> -> memref<128x64xf32, #tpu.memory_space<vmem_shared>>
      tpu.wait_dma2 semaphore(%run_scoped3A : memref<!tpu.dma_semaphore, #tpu.memory_space<semaphore_mem>>) src(%arg33 : memref<128x64xf32, #tpu.memory_space<vmem>>) dst(%dma_wait3A_200 : memref<128x64xf32, #tpu.memory_space<vmem_shared>>)
      tpu.yield
    }) : () -> ()
    %mul3A_38 = arith.constant 1256 : i32
    %mul3A_39 = arith.muli %arg1, %mul3A_38 : i32
    %add3A_40 = arith.constant 1024 : i32
    %add3A_41 = arith.addi %mul3A_39, %add3A_40 : i32
    "tpu.region"() ({
      %run_scoped3A = tpu.sem_alloc : memref<!tpu.dma_semaphore, #tpu.memory_space<semaphore_mem>>
      %dma_start3A = arith.constant 0 : i32
      %dma_start3A_194 = tpu.memref_slice %arg11[%add3A_41, %dma_start3A] : memref<20096x64xf32, #tpu.memory_space<vmem_shared>> -> memref<128x64xf32, #tpu.memory_space<vmem_shared>>
      %dma_start3A_195 = arith.constant 0 : i32
      %dma_start3A_196 = tpu.memref_slice %arg11[%add3A_41, %dma_start3A_195] : memref<20096x64xf32, #tpu.memory_space<vmem_shared>> -> memref<128x64xf32, #tpu.memory_space<vmem_shared>>
      tpu.enqueue_dma source(%arg33 : memref<128x64xf32, #tpu.memory_space<vmem>>) target(%dma_start3A_196 : memref<128x64xf32, #tpu.memory_space<vmem_shared>>) target_semaphore(%run_scoped3A : memref<!tpu.dma_semaphore, #tpu.memory_space<semaphore_mem>>)
      %dma_wait3A_197 = arith.constant 0 : i32
      %dma_wait3A_198 = tpu.memref_slice %arg11[%add3A_41, %dma_wait3A_197] : memref<20096x64xf32, #tpu.memory_space<vmem_shared>> -> memref<128x64xf32, #tpu.memory_space<vmem_shared>>
      %dma_wait3A_199 = arith.constant 0 : i32
      %dma_wait3A_200 = tpu.memref_slice %arg11[%add3A_41, %dma_wait3A_199] : memref<20096x64xf32, #tpu.memory_space<vmem_shared>> -> memref<128x64xf32, #tpu.memory_space<vmem_shared>>
      tpu.wait_dma2 semaphore(%run_scoped3A : memref<!tpu.dma_semaphore, #tpu.memory_space<semaphore_mem>>) src(%arg33 : memref<128x64xf32, #tpu.memory_space<vmem>>) dst(%dma_wait3A_200 : memref<128x64xf32, #tpu.memory_space<vmem_shared>>)
      tpu.yield
    }) : () -> ()
    %mul3A_42 = arith.constant 1256 : i32
    %mul3A_43 = arith.muli %arg1, %mul3A_42 : i32
    %add3A_44 = arith.constant 1152 : i32
    %add3A_45 = arith.addi %mul3A_43, %add3A_44 : i32
    "tpu.region"() ({
      %run_scoped3A = tpu.sem_alloc : memref<!tpu.dma_semaphore, #tpu.memory_space<semaphore_mem>>
      %dma_start3A = arith.constant 0 : i32
      %dma_start3A_194 = arith.constant 0 : i32
      %dma_start3A_195 = tpu.memref_slice %arg33[%dma_start3A, %dma_start3A_194] : memref<128x64xf32, #tpu.memory_space<vmem>> -> memref<104x64xf32, #tpu.memory_space<vmem>>
      %dma_start3A_196 = arith.constant 0 : i32
      %dma_start3A_197 = tpu.memref_slice %arg11[%add3A_45, %dma_start3A_196] : memref<20096x64xf32, #tpu.memory_space<vmem_shared>> -> memref<104x64xf32, #tpu.memory_space<vmem_shared>>
      %dma_start3A_198 = arith.constant 0 : i32
      %dma_start3A_199 = tpu.memref_slice %arg11[%add3A_45, %dma_start3A_198] : memref<20096x64xf32, #tpu.memory_space<vmem_shared>> -> memref<104x64xf32, #tpu.memory_space<vmem_shared>>
      %dma_start3A_200 = arith.constant 0 : i32
      %dma_start3A_201 = arith.constant 0 : i32
      %dma_start3A_202 = tpu.memref_slice %arg33[%dma_start3A_200, %dma_start3A_201] : memref<128x64xf32, #tpu.memory_space<vmem>> -> memref<104x64xf32, #tpu.memory_space<vmem>>
      tpu.enqueue_dma source(%dma_start3A_202 : memref<104x64xf32, #tpu.memory_space<vmem>>) target(%dma_start3A_199 : memref<104x64xf32, #tpu.memory_space<vmem_shared>>) target_semaphore(%run_scoped3A : memref<!tpu.dma_semaphore, #tpu.memory_space<semaphore_mem>>)
      %dma_wait3A_203 = arith.constant 0 : i32
      %dma_wait3A_204 = arith.constant 0 : i32
      %dma_wait3A_205 = tpu.memref_slice %arg33[%dma_wait3A_203, %dma_wait3A_204] : memref<128x64xf32, #tpu.memory_space<vmem>> -> memref<104x64xf32, #tpu.memory_space<vmem>>
      %dma_wait3A_206 = arith.constant 0 : i32
      %dma_wait3A_207 = tpu.memref_slice %arg11[%add3A_45, %dma_wait3A_206] : memref<20096x64xf32, #tpu.memory_space<vmem_shared>> -> memref<104x64xf32, #tpu.memory_space<vmem_shared>>
      %dma_wait3A_208 = arith.constant 0 : i32
      %dma_wait3A_209 = tpu.memref_slice %arg11[%add3A_45, %dma_wait3A_208] : memref<20096x64xf32, #tpu.memory_space<vmem_shared>> -> memref<104x64xf32, #tpu.memory_space<vmem_shared>>
      %dma_wait3A_210 = arith.constant 0 : i32
      %dma_wait3A_211 = arith.constant 0 : i32
      %dma_wait3A_212 = tpu.memref_slice %arg33[%dma_wait3A_210, %dma_wait3A_211] : memref<128x64xf32, #tpu.memory_space<vmem>> -> memref<104x64xf32, #tpu.memory_space<vmem>>
      tpu.wait_dma2 semaphore(%run_scoped3A : memref<!tpu.dma_semaphore, #tpu.memory_space<semaphore_mem>>) src(%dma_wait3A_212 : memref<104x64xf32, #tpu.memory_space<vmem>>) dst(%dma_wait3A_209 : memref<104x64xf32, #tpu.memory_space<vmem_shared>>)
      tpu.yield
    }) : () -> ()
    %barrier3A = arith.constant 0 : index
    tpu.barrier barrier_id(%barrier3A)
    %add3A_46 = arith.constant 0 : i32
    %add3A_47 = arith.addi %mul3A_0, %add3A_46 : i32
    %lt3A = arith.constant 320000 : i32
    %lt3A_48 = arith.cmpi slt, %add3A_47, %lt3A : i32
    %convert_element_type3A = arith.extui %lt3A_48 : i1 to i32
    %cond3A = arith.constant 0 : i32
    %cond3A_49 = arith.cmpi ne, %convert_element_type3A, %cond3A : i32
    scf.if %cond3A_49 {
      %dma_start3A = tpu.memref_slice %arg5[%add3A_47] : memref<320000xi32, #tpu.memory_space<hbm>> -> memref<128xi32, #tpu.memory_space<hbm>>
      %dma_start3A_194 = tpu.memref_slice %arg5[%add3A_47] : memref<320000xi32, #tpu.memory_space<hbm>> -> memref<128xi32, #tpu.memory_space<hbm>>
      tpu.enqueue_dma source(%dma_start3A_194 : memref<128xi32, #tpu.memory_space<hbm>>) target(%arg12 : memref<128xi32, #tpu.memory_space<vmem>>) target_semaphore(%arg36 : memref<!tpu.dma_semaphore, #tpu.memory_space<semaphore_mem>>)
      %dma_start3A_195 = tpu.memref_slice %arg4[%add3A_47] : memref<320000xi32, #tpu.memory_space<hbm>> -> memref<128xi32, #tpu.memory_space<hbm>>
      %dma_start3A_196 = tpu.memref_slice %arg4[%add3A_47] : memref<320000xi32, #tpu.memory_space<hbm>> -> memref<128xi32, #tpu.memory_space<hbm>>
      tpu.enqueue_dma source(%dma_start3A_196 : memref<128xi32, #tpu.memory_space<hbm>>) target(%arg18 : memref<128xi32, #tpu.memory_space<vmem>>) target_semaphore(%arg36 : memref<!tpu.dma_semaphore, #tpu.memory_space<semaphore_mem>>)
      %dma_start3A_197 = tpu.memref_slice %arg6[%add3A_47] : memref<320000xf32, #tpu.memory_space<hbm>> -> memref<128xf32, #tpu.memory_space<hbm>>
      %dma_start3A_198 = tpu.memref_slice %arg6[%add3A_47] : memref<320000xf32, #tpu.memory_space<hbm>> -> memref<128xf32, #tpu.memory_space<hbm>>
      tpu.enqueue_dma source(%dma_start3A_198 : memref<128xf32, #tpu.memory_space<hbm>>) target(%arg24 : memref<128xf32, #tpu.memory_space<vmem>>) target_semaphore(%arg36 : memref<!tpu.dma_semaphore, #tpu.memory_space<semaphore_mem>>)
    } else {
    }
    %ge3A = arith.constant 320000 : i32
    %ge3A_50 = arith.cmpi sge, %add3A_47, %ge3A : i32
    %convert_element_type3A_51 = arith.extui %ge3A_50 : i1 to i32
    %cond3A_52 = arith.constant 0 : i32
    %cond3A_53 = arith.cmpi ne, %convert_element_type3A_51, %cond3A_52 : i32
    scf.if %cond3A_53 {
      %sub3A_194 = arith.constant 320000 : i32
      %sub3A_195 = arith.subi %add3A_47, %sub3A_194 : i32
      %dma_start3A = tpu.memref_slice %arg8[%sub3A_195] : memref<601600xi32, #tpu.memory_space<hbm>> -> memref<128xi32, #tpu.memory_space<hbm>>
      %dma_start3A_196 = tpu.memref_slice %arg8[%sub3A_195] : memref<601600xi32, #tpu.memory_space<hbm>> -> memref<128xi32, #tpu.memory_space<hbm>>
      tpu.enqueue_dma source(%dma_start3A_196 : memref<128xi32, #tpu.memory_space<hbm>>) target(%arg12 : memref<128xi32, #tpu.memory_space<vmem>>) target_semaphore(%arg36 : memref<!tpu.dma_semaphore, #tpu.memory_space<semaphore_mem>>)
      %dma_start3A_197 = tpu.memref_slice %arg7[%sub3A_195] : memref<601600xi32, #tpu.memory_space<hbm>> -> memref<128xi32, #tpu.memory_space<hbm>>
      %dma_start3A_198 = tpu.memref_slice %arg7[%sub3A_195] : memref<601600xi32, #tpu.memory_space<hbm>> -> memref<128xi32, #tpu.memory_space<hbm>>
      tpu.enqueue_dma source(%dma_start3A_198 : memref<128xi32, #tpu.memory_space<hbm>>) target(%arg18 : memref<128xi32, #tpu.memory_space<vmem>>) target_semaphore(%arg36 : memref<!tpu.dma_semaphore, #tpu.memory_space<semaphore_mem>>)
      %dma_start3A_199 = tpu.memref_slice %arg9[%sub3A_195] : memref<601600xf32, #tpu.memory_space<hbm>> -> memref<128xf32, #tpu.memory_space<hbm>>
      %dma_start3A_200 = tpu.memref_slice %arg9[%sub3A_195] : memref<601600xf32, #tpu.memory_space<hbm>> -> memref<128xf32, #tpu.memory_space<hbm>>
      tpu.enqueue_dma source(%dma_start3A_200 : memref<128xf32, #tpu.memory_space<hbm>>) target(%arg24 : memref<128xf32, #tpu.memory_space<vmem>>) target_semaphore(%arg36 : memref<!tpu.dma_semaphore, #tpu.memory_space<semaphore_mem>>)
    } else {
    }
    %add3A_54 = arith.constant 128 : i32
    %add3A_55 = arith.addi %mul3A_0, %add3A_54 : i32
    %lt3A_56 = arith.constant 320000 : i32
    %lt3A_57 = arith.cmpi slt, %add3A_55, %lt3A_56 : i32
    %convert_element_type3A_58 = arith.extui %lt3A_57 : i1 to i32
    %cond3A_59 = arith.constant 0 : i32
    %cond3A_60 = arith.cmpi ne, %convert_element_type3A_58, %cond3A_59 : i32
    scf.if %cond3A_60 {
      %dma_start3A = tpu.memref_slice %arg5[%add3A_55] : memref<320000xi32, #tpu.memory_space<hbm>> -> memref<128xi32, #tpu.memory_space<hbm>>
      %dma_start3A_194 = tpu.memref_slice %arg5[%add3A_55] : memref<320000xi32, #tpu.memory_space<hbm>> -> memref<128xi32, #tpu.memory_space<hbm>>
      tpu.enqueue_dma source(%dma_start3A_194 : memref<128xi32, #tpu.memory_space<hbm>>) target(%arg13 : memref<128xi32, #tpu.memory_space<vmem>>) target_semaphore(%arg37 : memref<!tpu.dma_semaphore, #tpu.memory_space<semaphore_mem>>)
      %dma_start3A_195 = tpu.memref_slice %arg4[%add3A_55] : memref<320000xi32, #tpu.memory_space<hbm>> -> memref<128xi32, #tpu.memory_space<hbm>>
      %dma_start3A_196 = tpu.memref_slice %arg4[%add3A_55] : memref<320000xi32, #tpu.memory_space<hbm>> -> memref<128xi32, #tpu.memory_space<hbm>>
      tpu.enqueue_dma source(%dma_start3A_196 : memref<128xi32, #tpu.memory_space<hbm>>) target(%arg19 : memref<128xi32, #tpu.memory_space<vmem>>) target_semaphore(%arg37 : memref<!tpu.dma_semaphore, #tpu.memory_space<semaphore_mem>>)
      %dma_start3A_197 = tpu.memref_slice %arg6[%add3A_55] : memref<320000xf32, #tpu.memory_space<hbm>> -> memref<128xf32, #tpu.memory_space<hbm>>
      %dma_start3A_198 = tpu.memref_slice %arg6[%add3A_55] : memref<320000xf32, #tpu.memory_space<hbm>> -> memref<128xf32, #tpu.memory_space<hbm>>
      tpu.enqueue_dma source(%dma_start3A_198 : memref<128xf32, #tpu.memory_space<hbm>>) target(%arg25 : memref<128xf32, #tpu.memory_space<vmem>>) target_semaphore(%arg37 : memref<!tpu.dma_semaphore, #tpu.memory_space<semaphore_mem>>)
    } else {
    }
    %ge3A_61 = arith.constant 320000 : i32
    %ge3A_62 = arith.cmpi sge, %add3A_55, %ge3A_61 : i32
    %convert_element_type3A_63 = arith.extui %ge3A_62 : i1 to i32
    %cond3A_64 = arith.constant 0 : i32
    %cond3A_65 = arith.cmpi ne, %convert_element_type3A_63, %cond3A_64 : i32
    scf.if %cond3A_65 {
      %sub3A_194 = arith.constant 320000 : i32
      %sub3A_195 = arith.subi %add3A_55, %sub3A_194 : i32
      %dma_start3A = tpu.memref_slice %arg8[%sub3A_195] : memref<601600xi32, #tpu.memory_space<hbm>> -> memref<128xi32, #tpu.memory_space<hbm>>
      %dma_start3A_196 = tpu.memref_slice %arg8[%sub3A_195] : memref<601600xi32, #tpu.memory_space<hbm>> -> memref<128xi32, #tpu.memory_space<hbm>>
      tpu.enqueue_dma source(%dma_start3A_196 : memref<128xi32, #tpu.memory_space<hbm>>) target(%arg13 : memref<128xi32, #tpu.memory_space<vmem>>) target_semaphore(%arg37 : memref<!tpu.dma_semaphore, #tpu.memory_space<semaphore_mem>>)
      %dma_start3A_197 = tpu.memref_slice %arg7[%sub3A_195] : memref<601600xi32, #tpu.memory_space<hbm>> -> memref<128xi32, #tpu.memory_space<hbm>>
      %dma_start3A_198 = tpu.memref_slice %arg7[%sub3A_195] : memref<601600xi32, #tpu.memory_space<hbm>> -> memref<128xi32, #tpu.memory_space<hbm>>
      tpu.enqueue_dma source(%dma_start3A_198 : memref<128xi32, #tpu.memory_space<hbm>>) target(%arg19 : memref<128xi32, #tpu.memory_space<vmem>>) target_semaphore(%arg37 : memref<!tpu.dma_semaphore, #tpu.memory_space<semaphore_mem>>)
      %dma_start3A_199 = tpu.memref_slice %arg9[%sub3A_195] : memref<601600xf32, #tpu.memory_space<hbm>> -> memref<128xf32, #tpu.memory_space<hbm>>
      %dma_start3A_200 = tpu.memref_slice %arg9[%sub3A_195] : memref<601600xf32, #tpu.memory_space<hbm>> -> memref<128xf32, #tpu.memory_space<hbm>>
      tpu.enqueue_dma source(%dma_start3A_200 : memref<128xf32, #tpu.memory_space<hbm>>) target(%arg25 : memref<128xf32, #tpu.memory_space<vmem>>) target_semaphore(%arg37 : memref<!tpu.dma_semaphore, #tpu.memory_space<semaphore_mem>>)
    } else {
    }
    %add3A_66 = arith.constant 256 : i32
    %add3A_67 = arith.addi %mul3A_0, %add3A_66 : i32
    %lt3A_68 = arith.constant 320000 : i32
    %lt3A_69 = arith.cmpi slt, %add3A_67, %lt3A_68 : i32
    %convert_element_type3A_70 = arith.extui %lt3A_69 : i1 to i32
    %cond3A_71 = arith.constant 0 : i32
    %cond3A_72 = arith.cmpi ne, %convert_element_type3A_70, %cond3A_71 : i32
    scf.if %cond3A_72 {
      %dma_start3A = tpu.memref_slice %arg5[%add3A_67] : memref<320000xi32, #tpu.memory_space<hbm>> -> memref<128xi32, #tpu.memory_space<hbm>>
      %dma_start3A_194 = tpu.memref_slice %arg5[%add3A_67] : memref<320000xi32, #tpu.memory_space<hbm>> -> memref<128xi32, #tpu.memory_space<hbm>>
      tpu.enqueue_dma source(%dma_start3A_194 : memref<128xi32, #tpu.memory_space<hbm>>) target(%arg14 : memref<128xi32, #tpu.memory_space<vmem>>) target_semaphore(%arg38 : memref<!tpu.dma_semaphore, #tpu.memory_space<semaphore_mem>>)
      %dma_start3A_195 = tpu.memref_slice %arg4[%add3A_67] : memref<320000xi32, #tpu.memory_space<hbm>> -> memref<128xi32, #tpu.memory_space<hbm>>
      %dma_start3A_196 = tpu.memref_slice %arg4[%add3A_67] : memref<320000xi32, #tpu.memory_space<hbm>> -> memref<128xi32, #tpu.memory_space<hbm>>
      tpu.enqueue_dma source(%dma_start3A_196 : memref<128xi32, #tpu.memory_space<hbm>>) target(%arg20 : memref<128xi32, #tpu.memory_space<vmem>>) target_semaphore(%arg38 : memref<!tpu.dma_semaphore, #tpu.memory_space<semaphore_mem>>)
      %dma_start3A_197 = tpu.memref_slice %arg6[%add3A_67] : memref<320000xf32, #tpu.memory_space<hbm>> -> memref<128xf32, #tpu.memory_space<hbm>>
      %dma_start3A_198 = tpu.memref_slice %arg6[%add3A_67] : memref<320000xf32, #tpu.memory_space<hbm>> -> memref<128xf32, #tpu.memory_space<hbm>>
      tpu.enqueue_dma source(%dma_start3A_198 : memref<128xf32, #tpu.memory_space<hbm>>) target(%arg26 : memref<128xf32, #tpu.memory_space<vmem>>) target_semaphore(%arg38 : memref<!tpu.dma_semaphore, #tpu.memory_space<semaphore_mem>>)
    } else {
    }
    %ge3A_73 = arith.constant 320000 : i32
    %ge3A_74 = arith.cmpi sge, %add3A_67, %ge3A_73 : i32
    %convert_element_type3A_75 = arith.extui %ge3A_74 : i1 to i32
    %cond3A_76 = arith.constant 0 : i32
    %cond3A_77 = arith.cmpi ne, %convert_element_type3A_75, %cond3A_76 : i32
    scf.if %cond3A_77 {
      %sub3A_194 = arith.constant 320000 : i32
      %sub3A_195 = arith.subi %add3A_67, %sub3A_194 : i32
      %dma_start3A = tpu.memref_slice %arg8[%sub3A_195] : memref<601600xi32, #tpu.memory_space<hbm>> -> memref<128xi32, #tpu.memory_space<hbm>>
      %dma_start3A_196 = tpu.memref_slice %arg8[%sub3A_195] : memref<601600xi32, #tpu.memory_space<hbm>> -> memref<128xi32, #tpu.memory_space<hbm>>
      tpu.enqueue_dma source(%dma_start3A_196 : memref<128xi32, #tpu.memory_space<hbm>>) target(%arg14 : memref<128xi32, #tpu.memory_space<vmem>>) target_semaphore(%arg38 : memref<!tpu.dma_semaphore, #tpu.memory_space<semaphore_mem>>)
      %dma_start3A_197 = tpu.memref_slice %arg7[%sub3A_195] : memref<601600xi32, #tpu.memory_space<hbm>> -> memref<128xi32, #tpu.memory_space<hbm>>
      %dma_start3A_198 = tpu.memref_slice %arg7[%sub3A_195] : memref<601600xi32, #tpu.memory_space<hbm>> -> memref<128xi32, #tpu.memory_space<hbm>>
      tpu.enqueue_dma source(%dma_start3A_198 : memref<128xi32, #tpu.memory_space<hbm>>) target(%arg20 : memref<128xi32, #tpu.memory_space<vmem>>) target_semaphore(%arg38 : memref<!tpu.dma_semaphore, #tpu.memory_space<semaphore_mem>>)
      %dma_start3A_199 = tpu.memref_slice %arg9[%sub3A_195] : memref<601600xf32, #tpu.memory_space<hbm>> -> memref<128xf32, #tpu.memory_space<hbm>>
      %dma_start3A_200 = tpu.memref_slice %arg9[%sub3A_195] : memref<601600xf32, #tpu.memory_space<hbm>> -> memref<128xf32, #tpu.memory_space<hbm>>
      tpu.enqueue_dma source(%dma_start3A_200 : memref<128xf32, #tpu.memory_space<hbm>>) target(%arg26 : memref<128xf32, #tpu.memory_space<vmem>>) target_semaphore(%arg38 : memref<!tpu.dma_semaphore, #tpu.memory_space<semaphore_mem>>)
    } else {
    }
    %add3A_78 = arith.constant 384 : i32
    %add3A_79 = arith.addi %mul3A_0, %add3A_78 : i32
    %lt3A_80 = arith.constant 320000 : i32
    %lt3A_81 = arith.cmpi slt, %add3A_79, %lt3A_80 : i32
    %convert_element_type3A_82 = arith.extui %lt3A_81 : i1 to i32
    %cond3A_83 = arith.constant 0 : i32
    %cond3A_84 = arith.cmpi ne, %convert_element_type3A_82, %cond3A_83 : i32
    scf.if %cond3A_84 {
      %dma_start3A = tpu.memref_slice %arg5[%add3A_79] : memref<320000xi32, #tpu.memory_space<hbm>> -> memref<128xi32, #tpu.memory_space<hbm>>
      %dma_start3A_194 = tpu.memref_slice %arg5[%add3A_79] : memref<320000xi32, #tpu.memory_space<hbm>> -> memref<128xi32, #tpu.memory_space<hbm>>
      tpu.enqueue_dma source(%dma_start3A_194 : memref<128xi32, #tpu.memory_space<hbm>>) target(%arg15 : memref<128xi32, #tpu.memory_space<vmem>>) target_semaphore(%arg39 : memref<!tpu.dma_semaphore, #tpu.memory_space<semaphore_mem>>)
      %dma_start3A_195 = tpu.memref_slice %arg4[%add3A_79] : memref<320000xi32, #tpu.memory_space<hbm>> -> memref<128xi32, #tpu.memory_space<hbm>>
      %dma_start3A_196 = tpu.memref_slice %arg4[%add3A_79] : memref<320000xi32, #tpu.memory_space<hbm>> -> memref<128xi32, #tpu.memory_space<hbm>>
      tpu.enqueue_dma source(%dma_start3A_196 : memref<128xi32, #tpu.memory_space<hbm>>) target(%arg21 : memref<128xi32, #tpu.memory_space<vmem>>) target_semaphore(%arg39 : memref<!tpu.dma_semaphore, #tpu.memory_space<semaphore_mem>>)
      %dma_start3A_197 = tpu.memref_slice %arg6[%add3A_79] : memref<320000xf32, #tpu.memory_space<hbm>> -> memref<128xf32, #tpu.memory_space<hbm>>
      %dma_start3A_198 = tpu.memref_slice %arg6[%add3A_79] : memref<320000xf32, #tpu.memory_space<hbm>> -> memref<128xf32, #tpu.memory_space<hbm>>
      tpu.enqueue_dma source(%dma_start3A_198 : memref<128xf32, #tpu.memory_space<hbm>>) target(%arg27 : memref<128xf32, #tpu.memory_space<vmem>>) target_semaphore(%arg39 : memref<!tpu.dma_semaphore, #tpu.memory_space<semaphore_mem>>)
    } else {
    }
    %ge3A_85 = arith.constant 320000 : i32
    %ge3A_86 = arith.cmpi sge, %add3A_79, %ge3A_85 : i32
    %convert_element_type3A_87 = arith.extui %ge3A_86 : i1 to i32
    %cond3A_88 = arith.constant 0 : i32
    %cond3A_89 = arith.cmpi ne, %convert_element_type3A_87, %cond3A_88 : i32
    scf.if %cond3A_89 {
      %sub3A_194 = arith.constant 320000 : i32
      %sub3A_195 = arith.subi %add3A_79, %sub3A_194 : i32
      %dma_start3A = tpu.memref_slice %arg8[%sub3A_195] : memref<601600xi32, #tpu.memory_space<hbm>> -> memref<128xi32, #tpu.memory_space<hbm>>
      %dma_start3A_196 = tpu.memref_slice %arg8[%sub3A_195] : memref<601600xi32, #tpu.memory_space<hbm>> -> memref<128xi32, #tpu.memory_space<hbm>>
      tpu.enqueue_dma source(%dma_start3A_196 : memref<128xi32, #tpu.memory_space<hbm>>) target(%arg15 : memref<128xi32, #tpu.memory_space<vmem>>) target_semaphore(%arg39 : memref<!tpu.dma_semaphore, #tpu.memory_space<semaphore_mem>>)
      %dma_start3A_197 = tpu.memref_slice %arg7[%sub3A_195] : memref<601600xi32, #tpu.memory_space<hbm>> -> memref<128xi32, #tpu.memory_space<hbm>>
      %dma_start3A_198 = tpu.memref_slice %arg7[%sub3A_195] : memref<601600xi32, #tpu.memory_space<hbm>> -> memref<128xi32, #tpu.memory_space<hbm>>
      tpu.enqueue_dma source(%dma_start3A_198 : memref<128xi32, #tpu.memory_space<hbm>>) target(%arg21 : memref<128xi32, #tpu.memory_space<vmem>>) target_semaphore(%arg39 : memref<!tpu.dma_semaphore, #tpu.memory_space<semaphore_mem>>)
      %dma_start3A_199 = tpu.memref_slice %arg9[%sub3A_195] : memref<601600xf32, #tpu.memory_space<hbm>> -> memref<128xf32, #tpu.memory_space<hbm>>
      %dma_start3A_200 = tpu.memref_slice %arg9[%sub3A_195] : memref<601600xf32, #tpu.memory_space<hbm>> -> memref<128xf32, #tpu.memory_space<hbm>>
      tpu.enqueue_dma source(%dma_start3A_200 : memref<128xf32, #tpu.memory_space<hbm>>) target(%arg27 : memref<128xf32, #tpu.memory_space<vmem>>) target_semaphore(%arg39 : memref<!tpu.dma_semaphore, #tpu.memory_space<semaphore_mem>>)
    } else {
    }
    %dma_wait3A = arith.constant 0 : i32
    %dma_wait3A_90 = tpu.memref_slice %arg5[%dma_wait3A] : memref<320000xi32, #tpu.memory_space<hbm>> -> memref<128xi32, #tpu.memory_space<hbm>>
    %dma_wait3A_91 = arith.constant 0 : i32
    %dma_wait3A_92 = tpu.memref_slice %arg5[%dma_wait3A_91] : memref<320000xi32, #tpu.memory_space<hbm>> -> memref<128xi32, #tpu.memory_space<hbm>>
    tpu.wait_dma2 semaphore(%arg36 : memref<!tpu.dma_semaphore, #tpu.memory_space<semaphore_mem>>) src(%dma_wait3A_92 : memref<128xi32, #tpu.memory_space<hbm>>) dst(%arg12 : memref<128xi32, #tpu.memory_space<vmem>>)
    %dma_wait3A_93 = arith.constant 0 : i32
    %dma_wait3A_94 = tpu.memref_slice %arg4[%dma_wait3A_93] : memref<320000xi32, #tpu.memory_space<hbm>> -> memref<128xi32, #tpu.memory_space<hbm>>
    %dma_wait3A_95 = arith.constant 0 : i32
    %dma_wait3A_96 = tpu.memref_slice %arg4[%dma_wait3A_95] : memref<320000xi32, #tpu.memory_space<hbm>> -> memref<128xi32, #tpu.memory_space<hbm>>
    tpu.wait_dma2 semaphore(%arg36 : memref<!tpu.dma_semaphore, #tpu.memory_space<semaphore_mem>>) src(%dma_wait3A_96 : memref<128xi32, #tpu.memory_space<hbm>>) dst(%arg18 : memref<128xi32, #tpu.memory_space<vmem>>)
    %dma_wait3A_97 = arith.constant 0 : i32
    %dma_wait3A_98 = tpu.memref_slice %arg6[%dma_wait3A_97] : memref<320000xf32, #tpu.memory_space<hbm>> -> memref<128xf32, #tpu.memory_space<hbm>>
    %dma_wait3A_99 = arith.constant 0 : i32
    %dma_wait3A_100 = tpu.memref_slice %arg6[%dma_wait3A_99] : memref<320000xf32, #tpu.memory_space<hbm>> -> memref<128xf32, #tpu.memory_space<hbm>>
    tpu.wait_dma2 semaphore(%arg36 : memref<!tpu.dma_semaphore, #tpu.memory_space<semaphore_mem>>) src(%dma_wait3A_100 : memref<128xf32, #tpu.memory_space<hbm>>) dst(%arg24 : memref<128xf32, #tpu.memory_space<vmem>>)
    %eq3A = arith.constant 0 : i32
    %eq3A_101 = arith.cmpi eq, %arg0, %eq3A : i32
    %convert_element_type3A_102 = arith.extui %eq3A_101 : i1 to i32
    %cond3A_103 = arith.constant 0 : i32
    %cond3A_104 = arith.cmpi ne, %convert_element_type3A_102, %cond3A_103 : i32
    scf.if %cond3A_104 {
      %dma_start3A = arith.constant 0 : i32
      %dma_start3A_194 = arith.constant 0 : i32
      %dma_start3A_195 = tpu.memref_slice %arg2[%dma_start3A, %dma_start3A_194] : memref<10000x64xbf16, #tpu.memory_space<hbm>> -> memref<10000x64xbf16, #tpu.memory_space<hbm>>
      tpu.enqueue_indirect_dma source(%dma_start3A_195 : memref<10000x64xbf16, #tpu.memory_space<hbm>>) target(%arg30 : memref<128x64xbf16, #tpu.memory_space<vmem>>) offsets(%arg12 : memref<128xi32, #tpu.memory_space<vmem>>) semaphore(%arg42 : memref<!tpu.dma_semaphore, #tpu.memory_space<semaphore_mem>>)
    } else {
    }
    %eq3A_105 = arith.constant 1 : i32
    %eq3A_106 = arith.cmpi eq, %arg0, %eq3A_105 : i32
    %convert_element_type3A_107 = arith.extui %eq3A_106 : i1 to i32
    %cond3A_108 = arith.constant 0 : i32
    %cond3A_109 = arith.cmpi ne, %convert_element_type3A_107, %cond3A_108 : i32
    scf.if %cond3A_109 {
      %dma_start3A = arith.constant 0 : i32
      %dma_start3A_194 = arith.constant 0 : i32
      %dma_start3A_195 = tpu.memref_slice %arg3[%dma_start3A, %dma_start3A_194] : memref<10000x64xbf16, #tpu.memory_space<hbm>> -> memref<10000x64xbf16, #tpu.memory_space<hbm>>
      tpu.enqueue_indirect_dma source(%dma_start3A_195 : memref<10000x64xbf16, #tpu.memory_space<hbm>>) target(%arg30 : memref<128x64xbf16, #tpu.memory_space<vmem>>) offsets(%arg12 : memref<128xi32, #tpu.memory_space<vmem>>) semaphore(%arg42 : memref<!tpu.dma_semaphore, #tpu.memory_space<semaphore_mem>>)
    } else {
    }
    %dma_wait3A_110 = arith.constant 0 : i32
    %dma_wait3A_111 = tpu.memref_slice %arg5[%dma_wait3A_110] : memref<320000xi32, #tpu.memory_space<hbm>> -> memref<128xi32, #tpu.memory_space<hbm>>
    %dma_wait3A_112 = arith.constant 0 : i32
    %dma_wait3A_113 = tpu.memref_slice %arg5[%dma_wait3A_112] : memref<320000xi32, #tpu.memory_space<hbm>> -> memref<128xi32, #tpu.memory_space<hbm>>
    tpu.wait_dma2 semaphore(%arg37 : memref<!tpu.dma_semaphore, #tpu.memory_space<semaphore_mem>>) src(%dma_wait3A_113 : memref<128xi32, #tpu.memory_space<hbm>>) dst(%arg13 : memref<128xi32, #tpu.memory_space<vmem>>)
    %dma_wait3A_114 = arith.constant 0 : i32
    %dma_wait3A_115 = tpu.memref_slice %arg4[%dma_wait3A_114] : memref<320000xi32, #tpu.memory_space<hbm>> -> memref<128xi32, #tpu.memory_space<hbm>>
    %dma_wait3A_116 = arith.constant 0 : i32
    %dma_wait3A_117 = tpu.memref_slice %arg4[%dma_wait3A_116] : memref<320000xi32, #tpu.memory_space<hbm>> -> memref<128xi32, #tpu.memory_space<hbm>>
    tpu.wait_dma2 semaphore(%arg37 : memref<!tpu.dma_semaphore, #tpu.memory_space<semaphore_mem>>) src(%dma_wait3A_117 : memref<128xi32, #tpu.memory_space<hbm>>) dst(%arg19 : memref<128xi32, #tpu.memory_space<vmem>>)
    %dma_wait3A_118 = arith.constant 0 : i32
    %dma_wait3A_119 = tpu.memref_slice %arg6[%dma_wait3A_118] : memref<320000xf32, #tpu.memory_space<hbm>> -> memref<128xf32, #tpu.memory_space<hbm>>
    %dma_wait3A_120 = arith.constant 0 : i32
    %dma_wait3A_121 = tpu.memref_slice %arg6[%dma_wait3A_120] : memref<320000xf32, #tpu.memory_space<hbm>> -> memref<128xf32, #tpu.memory_space<hbm>>
    tpu.wait_dma2 semaphore(%arg37 : memref<!tpu.dma_semaphore, #tpu.memory_space<semaphore_mem>>) src(%dma_wait3A_121 : memref<128xf32, #tpu.memory_space<hbm>>) dst(%arg25 : memref<128xf32, #tpu.memory_space<vmem>>)
    %eq3A_122 = arith.constant 0 : i32
    %eq3A_123 = arith.cmpi eq, %arg0, %eq3A_122 : i32
    %convert_element_type3A_124 = arith.extui %eq3A_123 : i1 to i32
    %cond3A_125 = arith.constant 0 : i32
    %cond3A_126 = arith.cmpi ne, %convert_element_type3A_124, %cond3A_125 : i32
    scf.if %cond3A_126 {
      %dma_start3A = arith.constant 0 : i32
      %dma_start3A_194 = arith.constant 0 : i32
      %dma_start3A_195 = tpu.memref_slice %arg2[%dma_start3A, %dma_start3A_194] : memref<10000x64xbf16, #tpu.memory_space<hbm>> -> memref<10000x64xbf16, #tpu.memory_space<hbm>>
      tpu.enqueue_indirect_dma source(%dma_start3A_195 : memref<10000x64xbf16, #tpu.memory_space<hbm>>) target(%arg31 : memref<128x64xbf16, #tpu.memory_space<vmem>>) offsets(%arg13 : memref<128xi32, #tpu.memory_space<vmem>>) semaphore(%arg43 : memref<!tpu.dma_semaphore, #tpu.memory_space<semaphore_mem>>)
    } else {
    }
    %eq3A_127 = arith.constant 1 : i32
    %eq3A_128 = arith.cmpi eq, %arg0, %eq3A_127 : i32
    %convert_element_type3A_129 = arith.extui %eq3A_128 : i1 to i32
    %cond3A_130 = arith.constant 0 : i32
    %cond3A_131 = arith.cmpi ne, %convert_element_type3A_129, %cond3A_130 : i32
    scf.if %cond3A_131 {
      %dma_start3A = arith.constant 0 : i32
      %dma_start3A_194 = arith.constant 0 : i32
      %dma_start3A_195 = tpu.memref_slice %arg3[%dma_start3A, %dma_start3A_194] : memref<10000x64xbf16, #tpu.memory_space<hbm>> -> memref<10000x64xbf16, #tpu.memory_space<hbm>>
      tpu.enqueue_indirect_dma source(%dma_start3A_195 : memref<10000x64xbf16, #tpu.memory_space<hbm>>) target(%arg31 : memref<128x64xbf16, #tpu.memory_space<vmem>>) offsets(%arg13 : memref<128xi32, #tpu.memory_space<vmem>>) semaphore(%arg43 : memref<!tpu.dma_semaphore, #tpu.memory_space<semaphore_mem>>)
    } else {
    }
    %scan3A_132 = arith.constant 0 : i32
    %scan3A_133 = arith.constant 0 : i32
    %scan3A_134 = arith.constant 75 : i32
    %scan3A_135 = arith.addi %scan3A_133, %scan3A_134 : i32
    %scan3A_136 = arith.constant 1 : i32
    scf.for %scan3A_194 = %scan3A_133 to %scan3A_135 step %scan3A_136  : i32 {
      %mul3A_195 = arith.constant 6 : i32
      %mul3A_196 = arith.muli %scan3A_194, %mul3A_195 : i32
      %add3A_197 = arith.constant 0 : i32
      %add3A_198 = arith.addi %mul3A_196, %add3A_197 : i32
      %ge3A_199 = arith.constant 2 : i32
      %ge3A_200 = arith.cmpi sge, %add3A_198, %ge3A_199 : i32
      %convert_element_type3A_201 = arith.extui %ge3A_200 : i1 to i32
      %cond3A_202 = arith.constant 0 : i32
      %cond3A_203 = arith.cmpi ne, %convert_element_type3A_201, %cond3A_202 : i32
      scf.if %cond3A_203 {
        %dma_wait3A_385 = arith.constant 0 : i32
        %dma_wait3A_386 = arith.constant 0 : i32
        %dma_wait3A_387 = tpu.memref_slice %arg11[%dma_wait3A_385, %dma_wait3A_386] : memref<20096x64xf32, #tpu.memory_space<vmem_shared>> -> memref<20096x64xf32, #tpu.memory_space<vmem_shared>>
        tpu.wait_indirect_dma semaphore(%arg46 : memref<!tpu.dma_semaphore, #tpu.memory_space<semaphore_mem>>) src(%arg34 : memref<128x64xf32, #tpu.memory_space<vmem>>) dst(%dma_wait3A_387 : memref<20096x64xf32, #tpu.memory_space<vmem_shared>>)
      } else {
      }
      %add3A_204 = arith.constant 4 : i32
      %add3A_205 = arith.addi %add3A_198, %add3A_204 : i32
      %lt3A_206 = arith.constant 450 : i32
      %lt3A_207 = arith.cmpi slt, %add3A_205, %lt3A_206 : i32
      %convert_element_type3A_208 = arith.extui %lt3A_207 : i1 to i32
      %cond3A_209 = arith.constant 0 : i32
      %cond3A_210 = arith.cmpi ne, %convert_element_type3A_208, %cond3A_209 : i32
      scf.if %cond3A_210 {
        %add3A_385 = arith.constant 4 : i32
        %add3A_386 = arith.addi %add3A_198, %add3A_385 : i32
        %mul3A_387 = arith.constant 128 : i32
        %mul3A_388 = arith.muli %add3A_386, %mul3A_387 : i32
        %add3A_389 = arith.addi %mul3A_0, %mul3A_388 : i32
        %lt3A_390 = arith.constant 320000 : i32
        %lt3A_391 = arith.cmpi slt, %add3A_389, %lt3A_390 : i32
        %convert_element_type3A_392 = arith.extui %lt3A_391 : i1 to i32
        %cond3A_393 = arith.constant 0 : i32
        %cond3A_394 = arith.cmpi ne, %convert_element_type3A_392, %cond3A_393 : i32
        scf.if %cond3A_394 {
          %dma_start3A_400 = tpu.memref_slice %arg5[%add3A_389] : memref<320000xi32, #tpu.memory_space<hbm>> -> memref<128xi32, #tpu.memory_space<hbm>>
          %dma_start3A_401 = tpu.memref_slice %arg5[%add3A_389] : memref<320000xi32, #tpu.memory_space<hbm>> -> memref<128xi32, #tpu.memory_space<hbm>>
          tpu.enqueue_dma source(%dma_start3A_401 : memref<128xi32, #tpu.memory_space<hbm>>) target(%arg16 : memref<128xi32, #tpu.memory_space<vmem>>) target_semaphore(%arg40 : memref<!tpu.dma_semaphore, #tpu.memory_space<semaphore_mem>>)
          %dma_start3A_402 = tpu.memref_slice %arg4[%add3A_389] : memref<320000xi32, #tpu.memory_space<hbm>> -> memref<128xi32, #tpu.memory_space<hbm>>
          %dma_start3A_403 = tpu.memref_slice %arg4[%add3A_389] : memref<320000xi32, #tpu.memory_space<hbm>> -> memref<128xi32, #tpu.memory_space<hbm>>
          tpu.enqueue_dma source(%dma_start3A_403 : memref<128xi32, #tpu.memory_space<hbm>>) target(%arg22 : memref<128xi32, #tpu.memory_space<vmem>>) target_semaphore(%arg40 : memref<!tpu.dma_semaphore, #tpu.memory_space<semaphore_mem>>)
          %dma_start3A_404 = tpu.memref_slice %arg6[%add3A_389] : memref<320000xf32, #tpu.memory_space<hbm>> -> memref<128xf32, #tpu.memory_space<hbm>>
          %dma_start3A_405 = tpu.memref_slice %arg6[%add3A_389] : memref<320000xf32, #tpu.memory_space<hbm>> -> memref<128xf32, #tpu.memory_space<hbm>>
          tpu.enqueue_dma source(%dma_start3A_405 : memref<128xf32, #tpu.memory_space<hbm>>) target(%arg28 : memref<128xf32, #tpu.memory_space<vmem>>) target_semaphore(%arg40 : memref<!tpu.dma_semaphore, #tpu.memory_space<semaphore_mem>>)
        } else {
        }
        %ge3A_395 = arith.constant 320000 : i32
        %ge3A_396 = arith.cmpi sge, %add3A_389, %ge3A_395 : i32
        %convert_element_type3A_397 = arith.extui %ge3A_396 : i1 to i32
        %cond3A_398 = arith.constant 0 : i32
        %cond3A_399 = arith.cmpi ne, %convert_element_type3A_397, %cond3A_398 : i32
        scf.if %cond3A_399 {
          %sub3A_400 = arith.constant 320000 : i32
          %sub3A_401 = arith.subi %add3A_389, %sub3A_400 : i32
          %dma_start3A_402 = tpu.memref_slice %arg8[%sub3A_401] : memref<601600xi32, #tpu.memory_space<hbm>> -> memref<128xi32, #tpu.memory_space<hbm>>
          %dma_start3A_403 = tpu.memref_slice %arg8[%sub3A_401] : memref<601600xi32, #tpu.memory_space<hbm>> -> memref<128xi32, #tpu.memory_space<hbm>>
          tpu.enqueue_dma source(%dma_start3A_403 : memref<128xi32, #tpu.memory_space<hbm>>) target(%arg16 : memref<128xi32, #tpu.memory_space<vmem>>) target_semaphore(%arg40 : memref<!tpu.dma_semaphore, #tpu.memory_space<semaphore_mem>>)
          %dma_start3A_404 = tpu.memref_slice %arg7[%sub3A_401] : memref<601600xi32, #tpu.memory_space<hbm>> -> memref<128xi32, #tpu.memory_space<hbm>>
          %dma_start3A_405 = tpu.memref_slice %arg7[%sub3A_401] : memref<601600xi32, #tpu.memory_space<hbm>> -> memref<128xi32, #tpu.memory_space<hbm>>
          tpu.enqueue_dma source(%dma_start3A_405 : memref<128xi32, #tpu.memory_space<hbm>>) target(%arg22 : memref<128xi32, #tpu.memory_space<vmem>>) target_semaphore(%arg40 : memref<!tpu.dma_semaphore, #tpu.memory_space<semaphore_mem>>)
          %dma_start3A_406 = tpu.memref_slice %arg9[%sub3A_401] : memref<601600xf32, #tpu.memory_space<hbm>> -> memref<128xf32, #tpu.memory_space<hbm>>
          %dma_start3A_407 = tpu.memref_slice %arg9[%sub3A_401] : memref<601600xf32, #tpu.memory_space<hbm>> -> memref<128xf32, #tpu.memory_space<hbm>>
          tpu.enqueue_dma source(%dma_start3A_407 : memref<128xf32, #tpu.memory_space<hbm>>) target(%arg28 : memref<128xf32, #tpu.memory_space<vmem>>) target_semaphore(%arg40 : memref<!tpu.dma_semaphore, #tpu.memory_space<semaphore_mem>>)
        } else {
        }
      } else {
      }
      %add3A_211 = arith.constant 2 : i32
      %add3A_212 = arith.addi %add3A_198, %add3A_211 : i32
      %lt3A_213 = arith.constant 450 : i32
      %lt3A_214 = arith.cmpi slt, %add3A_212, %lt3A_213 : i32
      %convert_element_type3A_215 = arith.extui %lt3A_214 : i1 to i32
      %cond3A_216 = arith.constant 0 : i32
      %cond3A_217 = arith.cmpi ne, %convert_element_type3A_215, %cond3A_216 : i32
      scf.if %cond3A_217 {
        %dma_wait3A_385 = arith.constant 0 : i32
        %dma_wait3A_386 = tpu.memref_slice %arg5[%dma_wait3A_385] : memref<320000xi32, #tpu.memory_space<hbm>> -> memref<128xi32, #tpu.memory_space<hbm>>
        %dma_wait3A_387 = arith.constant 0 : i32
        %dma_wait3A_388 = tpu.memref_slice %arg5[%dma_wait3A_387] : memref<320000xi32, #tpu.memory_space<hbm>> -> memref<128xi32, #tpu.memory_space<hbm>>
        tpu.wait_dma2 semaphore(%arg38 : memref<!tpu.dma_semaphore, #tpu.memory_space<semaphore_mem>>) src(%dma_wait3A_388 : memref<128xi32, #tpu.memory_space<hbm>>) dst(%arg14 : memref<128xi32, #tpu.memory_space<vmem>>)
        %dma_wait3A_389 = arith.constant 0 : i32
        %dma_wait3A_390 = tpu.memref_slice %arg4[%dma_wait3A_389] : memref<320000xi32, #tpu.memory_space<hbm>> -> memref<128xi32, #tpu.memory_space<hbm>>
        %dma_wait3A_391 = arith.constant 0 : i32
        %dma_wait3A_392 = tpu.memref_slice %arg4[%dma_wait3A_391] : memref<320000xi32, #tpu.memory_space<hbm>> -> memref<128xi32, #tpu.memory_space<hbm>>
        tpu.wait_dma2 semaphore(%arg38 : memref<!tpu.dma_semaphore, #tpu.memory_space<semaphore_mem>>) src(%dma_wait3A_392 : memref<128xi32, #tpu.memory_space<hbm>>) dst(%arg20 : memref<128xi32, #tpu.memory_space<vmem>>)
        %dma_wait3A_393 = arith.constant 0 : i32
        %dma_wait3A_394 = tpu.memref_slice %arg6[%dma_wait3A_393] : memref<320000xf32, #tpu.memory_space<hbm>> -> memref<128xf32, #tpu.memory_space<hbm>>
        %dma_wait3A_395 = arith.constant 0 : i32
        %dma_wait3A_396 = tpu.memref_slice %arg6[%dma_wait3A_395] : memref<320000xf32, #tpu.memory_space<hbm>> -> memref<128xf32, #tpu.memory_space<hbm>>
        tpu.wait_dma2 semaphore(%arg38 : memref<!tpu.dma_semaphore, #tpu.memory_space<semaphore_mem>>) src(%dma_wait3A_396 : memref<128xf32, #tpu.memory_space<hbm>>) dst(%arg26 : memref<128xf32, #tpu.memory_space<vmem>>)
        %eq3A_397 = arith.constant 0 : i32
        %eq3A_398 = arith.cmpi eq, %arg0, %eq3A_397 : i32
        %convert_element_type3A_399 = arith.extui %eq3A_398 : i1 to i32
        %cond3A_400 = arith.constant 0 : i32
        %cond3A_401 = arith.cmpi ne, %convert_element_type3A_399, %cond3A_400 : i32
        scf.if %cond3A_401 {
          %dma_start3A_407 = arith.constant 0 : i32
          %dma_start3A_408 = arith.constant 0 : i32
          %dma_start3A_409 = tpu.memref_slice %arg2[%dma_start3A_407, %dma_start3A_408] : memref<10000x64xbf16, #tpu.memory_space<hbm>> -> memref<10000x64xbf16, #tpu.memory_space<hbm>>
          tpu.enqueue_indirect_dma source(%dma_start3A_409 : memref<10000x64xbf16, #tpu.memory_space<hbm>>) target(%arg32 : memref<128x64xbf16, #tpu.memory_space<vmem>>) offsets(%arg14 : memref<128xi32, #tpu.memory_space<vmem>>) semaphore(%arg44 : memref<!tpu.dma_semaphore, #tpu.memory_space<semaphore_mem>>)
        } else {
        }
        %eq3A_402 = arith.constant 1 : i32
        %eq3A_403 = arith.cmpi eq, %arg0, %eq3A_402 : i32
        %convert_element_type3A_404 = arith.extui %eq3A_403 : i1 to i32
        %cond3A_405 = arith.constant 0 : i32
        %cond3A_406 = arith.cmpi ne, %convert_element_type3A_404, %cond3A_405 : i32
        scf.if %cond3A_406 {
          %dma_start3A_407 = arith.constant 0 : i32
          %dma_start3A_408 = arith.constant 0 : i32
          %dma_start3A_409 = tpu.memref_slice %arg3[%dma_start3A_407, %dma_start3A_408] : memref<10000x64xbf16, #tpu.memory_space<hbm>> -> memref<10000x64xbf16, #tpu.memory_space<hbm>>
          tpu.enqueue_indirect_dma source(%dma_start3A_409 : memref<10000x64xbf16, #tpu.memory_space<hbm>>) target(%arg32 : memref<128x64xbf16, #tpu.memory_space<vmem>>) offsets(%arg14 : memref<128xi32, #tpu.memory_space<vmem>>) semaphore(%arg44 : memref<!tpu.dma_semaphore, #tpu.memory_space<semaphore_mem>>)
        } else {
        }
      } else {
      }
      %dma_wait3A_218 = arith.constant 0 : i32
      %dma_wait3A_219 = arith.constant 0 : i32
      %dma_wait3A_220 = tpu.memref_slice %arg2[%dma_wait3A_218, %dma_wait3A_219] : memref<10000x64xbf16, #tpu.memory_space<hbm>> -> memref<10000x64xbf16, #tpu.memory_space<hbm>>
      tpu.wait_indirect_dma semaphore(%arg42 : memref<!tpu.dma_semaphore, #tpu.memory_space<semaphore_mem>>) src(%dma_wait3A_220 : memref<10000x64xbf16, #tpu.memory_space<hbm>>) dst(%arg30 : memref<128x64xbf16, #tpu.memory_space<vmem>>)
      %parallel_loop3A = arith.constant 0 : i32
      %parallel_loop3A_221 = arith.constant 128 : i32
      %parallel_loop3A_222 = arith.constant 1 : i32
      scf.for %parallel_loop3A_385 = %parallel_loop3A to %parallel_loop3A_221 step %parallel_loop3A_222  : i32 {
        %parallel_loop3A_386 = vector.broadcast %parallel_loop3A_385 : i32 to vector<16xi32>
        %parallel_loop3A_387 = tpu.vector_load_idx %arg24[%parallel_loop3A_386] : memref<128xf32, #tpu.memory_space<vmem>>[vector<16xi32>], vector<16xf32>,
        %parallel_loop3A_388 = arith.index_cast %parallel_loop3A_385 : i32 to index
        %parallel_loop3A_389 = arith.constant 0 : index
        %parallel_loop3A_390 = tpu.vector_load %arg30[%parallel_loop3A_388, %parallel_loop3A_389] {strides = array<i32>} : memref<128x64xbf16, #tpu.memory_space<vmem>>, vector<32xbf16>,
        %parallel_loop3A_391 = tpu.unpack_subelements %parallel_loop3A_390, 0 {pack_format = #tpu.pack_format<interleaved>} : vector<32xbf16> -> vector<16xf32>
        %parallel_loop3A_392 = tpu.unpack_subelements %parallel_loop3A_390, 1 {pack_format = #tpu.pack_format<interleaved>} : vector<32xbf16> -> vector<16xf32>
        %parallel_loop3A_393 = arith.mulf %parallel_loop3A_391, %parallel_loop3A_387 : vector<16xf32>
        %parallel_loop3A_394 = arith.index_cast %parallel_loop3A_385 : i32 to index
        %parallel_loop3A_395 = arith.constant 0 : index
        %parallel_loop3A_396 = tpu.vector_load %arg33[%parallel_loop3A_394, %parallel_loop3A_395] {strides = array<i32>} : memref<128x64xf32, #tpu.memory_space<vmem>>, vector<16xf32>,
        tpu.vector_store %arg33[%parallel_loop3A_394, %parallel_loop3A_395], %parallel_loop3A_393 {strides = array<i32>} : memref<128x64xf32, #tpu.memory_space<vmem>>, vector<16xf32>,
        %parallel_loop3A_397 = arith.mulf %parallel_loop3A_392, %parallel_loop3A_387 : vector<16xf32>
        %parallel_loop3A_398 = arith.index_cast %parallel_loop3A_385 : i32 to index
        %parallel_loop3A_399 = arith.constant 16 : index
        %parallel_loop3A_400 = tpu.vector_load %arg33[%parallel_loop3A_398, %parallel_loop3A_399] {strides = array<i32>} : memref<128x64xf32, #tpu.memory_space<vmem>>, vector<16xf32>,
        tpu.vector_store %arg33[%parallel_loop3A_398, %parallel_loop3A_399], %parallel_loop3A_397 {strides = array<i32>} : memref<128x64xf32, #tpu.memory_space<vmem>>, vector<16xf32>,
        %parallel_loop3A_401 = arith.index_cast %parallel_loop3A_385 : i32 to index
        %parallel_loop3A_402 = arith.constant 32 : index
        %parallel_loop3A_403 = tpu.vector_load %arg30[%parallel_loop3A_401, %parallel_loop3A_402] {strides = array<i32>} : memref<128x64xbf16, #tpu.memory_space<vmem>>, vector<32xbf16>,
        %parallel_loop3A_404 = tpu.unpack_subelements %parallel_loop3A_403, 0 {pack_format = #tpu.pack_format<interleaved>} : vector<32xbf16> -> vector<16xf32>
        %parallel_loop3A_405 = tpu.unpack_subelements %parallel_loop3A_403, 1 {pack_format = #tpu.pack_format<interleaved>} : vector<32xbf16> -> vector<16xf32>
        %parallel_loop3A_406 = arith.mulf %parallel_loop3A_404, %parallel_loop3A_387 : vector<16xf32>
        %parallel_loop3A_407 = arith.index_cast %parallel_loop3A_385 : i32 to index
        %parallel_loop3A_408 = arith.constant 32 : index
        %parallel_loop3A_409 = tpu.vector_load %arg33[%parallel_loop3A_407, %parallel_loop3A_408] {strides = array<i32>} : memref<128x64xf32, #tpu.memory_space<vmem>>, vector<16xf32>,
        tpu.vector_store %arg33[%parallel_loop3A_407, %parallel_loop3A_408], %parallel_loop3A_406 {strides = array<i32>} : memref<128x64xf32, #tpu.memory_space<vmem>>, vector<16xf32>,
        %parallel_loop3A_410 = arith.mulf %parallel_loop3A_405, %parallel_loop3A_387 : vector<16xf32>
        %parallel_loop3A_411 = arith.index_cast %parallel_loop3A_385 : i32 to index
        %parallel_loop3A_412 = arith.constant 48 : index
        %parallel_loop3A_413 = tpu.vector_load %arg33[%parallel_loop3A_411, %parallel_loop3A_412] {strides = array<i32>} : memref<128x64xf32, #tpu.memory_space<vmem>>, vector<16xf32>,
        tpu.vector_store %arg33[%parallel_loop3A_411, %parallel_loop3A_412], %parallel_loop3A_410 {strides = array<i32>} : memref<128x64xf32, #tpu.memory_space<vmem>>, vector<16xf32>,
      } {sc.loop_unroll_factor = 4 : i64, sc.parallel_access}
      %dma_start3A = arith.constant 0 : i32
      %dma_start3A_223 = arith.constant 0 : i32
      %dma_start3A_224 = tpu.memref_slice %arg11[%dma_start3A, %dma_start3A_223] : memref<20096x64xf32, #tpu.memory_space<vmem_shared>> -> memref<20096x64xf32, #tpu.memory_space<vmem_shared>>
      tpu.enqueue_indirect_dma source(%arg33 : memref<128x64xf32, #tpu.memory_space<vmem>>) target(%dma_start3A_224 : memref<20096x64xf32, #tpu.memory_space<vmem_shared>>) offsets(%arg18 : memref<128xi32, #tpu.memory_space<vmem>>) semaphore(%arg45 : memref<!tpu.dma_semaphore, #tpu.memory_space<semaphore_mem>>) {add = true}
      %mul3A_225 = arith.constant 6 : i32
      %mul3A_226 = arith.muli %scan3A_194, %mul3A_225 : i32
      %add3A_227 = arith.constant 1 : i32
      %add3A_228 = arith.addi %mul3A_226, %add3A_227 : i32
      %ge3A_229 = arith.constant 2 : i32
      %ge3A_230 = arith.cmpi sge, %add3A_228, %ge3A_229 : i32
      %convert_element_type3A_231 = arith.extui %ge3A_230 : i1 to i32
      %cond3A_232 = arith.constant 0 : i32
      %cond3A_233 = arith.cmpi ne, %convert_element_type3A_231, %cond3A_232 : i32
      scf.if %cond3A_233 {
        %dma_wait3A_385 = arith.constant 0 : i32
        %dma_wait3A_386 = arith.constant 0 : i32
        %dma_wait3A_387 = tpu.memref_slice %arg11[%dma_wait3A_385, %dma_wait3A_386] : memref<20096x64xf32, #tpu.memory_space<vmem_shared>> -> memref<20096x64xf32, #tpu.memory_space<vmem_shared>>
        tpu.wait_indirect_dma semaphore(%arg47 : memref<!tpu.dma_semaphore, #tpu.memory_space<semaphore_mem>>) src(%arg35 : memref<128x64xf32, #tpu.memory_space<vmem>>) dst(%dma_wait3A_387 : memref<20096x64xf32, #tpu.memory_space<vmem_shared>>)
      } else {
      }
      %add3A_234 = arith.constant 4 : i32
      %add3A_235 = arith.addi %add3A_228, %add3A_234 : i32
      %lt3A_236 = arith.constant 450 : i32
      %lt3A_237 = arith.cmpi slt, %add3A_235, %lt3A_236 : i32
      %convert_element_type3A_238 = arith.extui %lt3A_237 : i1 to i32
      %cond3A_239 = arith.constant 0 : i32
      %cond3A_240 = arith.cmpi ne, %convert_element_type3A_238, %cond3A_239 : i32
      scf.if %cond3A_240 {
        %add3A_385 = arith.constant 4 : i32
        %add3A_386 = arith.addi %add3A_228, %add3A_385 : i32
        %mul3A_387 = arith.constant 128 : i32
        %mul3A_388 = arith.muli %add3A_386, %mul3A_387 : i32
        %add3A_389 = arith.addi %mul3A_0, %mul3A_388 : i32
        %lt3A_390 = arith.constant 320000 : i32
        %lt3A_391 = arith.cmpi slt, %add3A_389, %lt3A_390 : i32
        %convert_element_type3A_392 = arith.extui %lt3A_391 : i1 to i32
        %cond3A_393 = arith.constant 0 : i32
        %cond3A_394 = arith.cmpi ne, %convert_element_type3A_392, %cond3A_393 : i32
        scf.if %cond3A_394 {
          %dma_start3A_400 = tpu.memref_slice %arg5[%add3A_389] : memref<320000xi32, #tpu.memory_space<hbm>> -> memref<128xi32, #tpu.memory_space<hbm>>
          %dma_start3A_401 = tpu.memref_slice %arg5[%add3A_389] : memref<320000xi32, #tpu.memory_space<hbm>> -> memref<128xi32, #tpu.memory_space<hbm>>
          tpu.enqueue_dma source(%dma_start3A_401 : memref<128xi32, #tpu.memory_space<hbm>>) target(%arg17 : memref<128xi32, #tpu.memory_space<vmem>>) target_semaphore(%arg41 : memref<!tpu.dma_semaphore, #tpu.memory_space<semaphore_mem>>)
          %dma_start3A_402 = tpu.memref_slice %arg4[%add3A_389] : memref<320000xi32, #tpu.memory_space<hbm>> -> memref<128xi32, #tpu.memory_space<hbm>>
          %dma_start3A_403 = tpu.memref_slice %arg4[%add3A_389] : memref<320000xi32, #tpu.memory_space<hbm>> -> memref<128xi32, #tpu.memory_space<hbm>>
          tpu.enqueue_dma source(%dma_start3A_403 : memref<128xi32, #tpu.memory_space<hbm>>) target(%arg23 : memref<128xi32, #tpu.memory_space<vmem>>) target_semaphore(%arg41 : memref<!tpu.dma_semaphore, #tpu.memory_space<semaphore_mem>>)
          %dma_start3A_404 = tpu.memref_slice %arg6[%add3A_389] : memref<320000xf32, #tpu.memory_space<hbm>> -> memref<128xf32, #tpu.memory_space<hbm>>
          %dma_start3A_405 = tpu.memref_slice %arg6[%add3A_389] : memref<320000xf32, #tpu.memory_space<hbm>> -> memref<128xf32, #tpu.memory_space<hbm>>
          tpu.enqueue_dma source(%dma_start3A_405 : memref<128xf32, #tpu.memory_space<hbm>>) target(%arg29 : memref<128xf32, #tpu.memory_space<vmem>>) target_semaphore(%arg41 : memref<!tpu.dma_semaphore, #tpu.memory_space<semaphore_mem>>)
        } else {
        }
        %ge3A_395 = arith.constant 320000 : i32
        %ge3A_396 = arith.cmpi sge, %add3A_389, %ge3A_395 : i32
        %convert_element_type3A_397 = arith.extui %ge3A_396 : i1 to i32
        %cond3A_398 = arith.constant 0 : i32
        %cond3A_399 = arith.cmpi ne, %convert_element_type3A_397, %cond3A_398 : i32
        scf.if %cond3A_399 {
          %sub3A_400 = arith.constant 320000 : i32
          %sub3A_401 = arith.subi %add3A_389, %sub3A_400 : i32
          %dma_start3A_402 = tpu.memref_slice %arg8[%sub3A_401] : memref<601600xi32, #tpu.memory_space<hbm>> -> memref<128xi32, #tpu.memory_space<hbm>>
          %dma_start3A_403 = tpu.memref_slice %arg8[%sub3A_401] : memref<601600xi32, #tpu.memory_space<hbm>> -> memref<128xi32, #tpu.memory_space<hbm>>
          tpu.enqueue_dma source(%dma_start3A_403 : memref<128xi32, #tpu.memory_space<hbm>>) target(%arg17 : memref<128xi32, #tpu.memory_space<vmem>>) target_semaphore(%arg41 : memref<!tpu.dma_semaphore, #tpu.memory_space<semaphore_mem>>)
          %dma_start3A_404 = tpu.memref_slice %arg7[%sub3A_401] : memref<601600xi32, #tpu.memory_space<hbm>> -> memref<128xi32, #tpu.memory_space<hbm>>
          %dma_start3A_405 = tpu.memref_slice %arg7[%sub3A_401] : memref<601600xi32, #tpu.memory_space<hbm>> -> memref<128xi32, #tpu.memory_space<hbm>>
          tpu.enqueue_dma source(%dma_start3A_405 : memref<128xi32, #tpu.memory_space<hbm>>) target(%arg23 : memref<128xi32, #tpu.memory_space<vmem>>) target_semaphore(%arg41 : memref<!tpu.dma_semaphore, #tpu.memory_space<semaphore_mem>>)
          %dma_start3A_406 = tpu.memref_slice %arg9[%sub3A_401] : memref<601600xf32, #tpu.memory_space<hbm>> -> memref<128xf32, #tpu.memory_space<hbm>>
          %dma_start3A_407 = tpu.memref_slice %arg9[%sub3A_401] : memref<601600xf32, #tpu.memory_space<hbm>> -> memref<128xf32, #tpu.memory_space<hbm>>
          tpu.enqueue_dma source(%dma_start3A_407 : memref<128xf32, #tpu.memory_space<hbm>>) target(%arg29 : memref<128xf32, #tpu.memory_space<vmem>>) target_semaphore(%arg41 : memref<!tpu.dma_semaphore, #tpu.memory_space<semaphore_mem>>)
        } else {
        }
      } else {
      }
      %add3A_241 = arith.constant 2 : i32
      %add3A_242 = arith.addi %add3A_228, %add3A_241 : i32
      %lt3A_243 = arith.constant 450 : i32
      %lt3A_244 = arith.cmpi slt, %add3A_242, %lt3A_243 : i32
      %convert_element_type3A_245 = arith.extui %lt3A_244 : i1 to i32
      %cond3A_246 = arith.constant 0 : i32
      %cond3A_247 = arith.cmpi ne, %convert_element_type3A_245, %cond3A_246 : i32
      scf.if %cond3A_247 {
        %dma_wait3A_385 = arith.constant 0 : i32
        %dma_wait3A_386 = tpu.memref_slice %arg5[%dma_wait3A_385] : memref<320000xi32, #tpu.memory_space<hbm>> -> memref<128xi32, #tpu.memory_space<hbm>>
        %dma_wait3A_387 = arith.constant 0 : i32
        %dma_wait3A_388 = tpu.memref_slice %arg5[%dma_wait3A_387] : memref<320000xi32, #tpu.memory_space<hbm>> -> memref<128xi32, #tpu.memory_space<hbm>>
        tpu.wait_dma2 semaphore(%arg39 : memref<!tpu.dma_semaphore, #tpu.memory_space<semaphore_mem>>) src(%dma_wait3A_388 : memref<128xi32, #tpu.memory_space<hbm>>) dst(%arg15 : memref<128xi32, #tpu.memory_space<vmem>>)
        %dma_wait3A_389 = arith.constant 0 : i32
        %dma_wait3A_390 = tpu.memref_slice %arg4[%dma_wait3A_389] : memref<320000xi32, #tpu.memory_space<hbm>> -> memref<128xi32, #tpu.memory_space<hbm>>
        %dma_wait3A_391 = arith.constant 0 : i32
        %dma_wait3A_392 = tpu.memref_slice %arg4[%dma_wait3A_391] : memref<320000xi32, #tpu.memory_space<hbm>> -> memref<128xi32, #tpu.memory_space<hbm>>
        tpu.wait_dma2 semaphore(%arg39 : memref<!tpu.dma_semaphore, #tpu.memory_space<semaphore_mem>>) src(%dma_wait3A_392 : memref<128xi32, #tpu.memory_space<hbm>>) dst(%arg21 : memref<128xi32, #tpu.memory_space<vmem>>)
        %dma_wait3A_393 = arith.constant 0 : i32
        %dma_wait3A_394 = tpu.memref_slice %arg6[%dma_wait3A_393] : memref<320000xf32, #tpu.memory_space<hbm>> -> memref<128xf32, #tpu.memory_space<hbm>>
        %dma_wait3A_395 = arith.constant 0 : i32
        %dma_wait3A_396 = tpu.memref_slice %arg6[%dma_wait3A_395] : memref<320000xf32, #tpu.memory_space<hbm>> -> memref<128xf32, #tpu.memory_space<hbm>>
        tpu.wait_dma2 semaphore(%arg39 : memref<!tpu.dma_semaphore, #tpu.memory_space<semaphore_mem>>) src(%dma_wait3A_396 : memref<128xf32, #tpu.memory_space<hbm>>) dst(%arg27 : memref<128xf32, #tpu.memory_space<vmem>>)
        %eq3A_397 = arith.constant 0 : i32
        %eq3A_398 = arith.cmpi eq, %arg0, %eq3A_397 : i32
        %convert_element_type3A_399 = arith.extui %eq3A_398 : i1 to i32
        %cond3A_400 = arith.constant 0 : i32
        %cond3A_401 = arith.cmpi ne, %convert_element_type3A_399, %cond3A_400 : i32
        scf.if %cond3A_401 {
          %dma_start3A_407 = arith.constant 0 : i32
          %dma_start3A_408 = arith.constant 0 : i32
          %dma_start3A_409 = tpu.memref_slice %arg2[%dma_start3A_407, %dma_start3A_408] : memref<10000x64xbf16, #tpu.memory_space<hbm>> -> memref<10000x64xbf16, #tpu.memory_space<hbm>>
          tpu.enqueue_indirect_dma source(%dma_start3A_409 : memref<10000x64xbf16, #tpu.memory_space<hbm>>) target(%arg30 : memref<128x64xbf16, #tpu.memory_space<vmem>>) offsets(%arg15 : memref<128xi32, #tpu.memory_space<vmem>>) semaphore(%arg42 : memref<!tpu.dma_semaphore, #tpu.memory_space<semaphore_mem>>)
        } else {
        }
        %eq3A_402 = arith.constant 1 : i32
        %eq3A_403 = arith.cmpi eq, %arg0, %eq3A_402 : i32
        %convert_element_type3A_404 = arith.extui %eq3A_403 : i1 to i32
        %cond3A_405 = arith.constant 0 : i32
        %cond3A_406 = arith.cmpi ne, %convert_element_type3A_404, %cond3A_405 : i32
        scf.if %cond3A_406 {
          %dma_start3A_407 = arith.constant 0 : i32
          %dma_start3A_408 = arith.constant 0 : i32
          %dma_start3A_409 = tpu.memref_slice %arg3[%dma_start3A_407, %dma_start3A_408] : memref<10000x64xbf16, #tpu.memory_space<hbm>> -> memref<10000x64xbf16, #tpu.memory_space<hbm>>
          tpu.enqueue_indirect_dma source(%dma_start3A_409 : memref<10000x64xbf16, #tpu.memory_space<hbm>>) target(%arg30 : memref<128x64xbf16, #tpu.memory_space<vmem>>) offsets(%arg15 : memref<128xi32, #tpu.memory_space<vmem>>) semaphore(%arg42 : memref<!tpu.dma_semaphore, #tpu.memory_space<semaphore_mem>>)
        } else {
        }
      } else {
      }
      %dma_wait3A_248 = arith.constant 0 : i32
      %dma_wait3A_249 = arith.constant 0 : i32
      %dma_wait3A_250 = tpu.memref_slice %arg2[%dma_wait3A_248, %dma_wait3A_249] : memref<10000x64xbf16, #tpu.memory_space<hbm>> -> memref<10000x64xbf16, #tpu.memory_space<hbm>>
      tpu.wait_indirect_dma semaphore(%arg43 : memref<!tpu.dma_semaphore, #tpu.memory_space<semaphore_mem>>) src(%dma_wait3A_250 : memref<10000x64xbf16, #tpu.memory_space<hbm>>) dst(%arg31 : memref<128x64xbf16, #tpu.memory_space<vmem>>)
      %parallel_loop3A_251 = arith.constant 0 : i32
      %parallel_loop3A_252 = arith.constant 128 : i32
      %parallel_loop3A_253 = arith.constant 1 : i32
      scf.for %parallel_loop3A_385 = %parallel_loop3A_251 to %parallel_loop3A_252 step %parallel_loop3A_253  : i32 {
        %parallel_loop3A_386 = vector.broadcast %parallel_loop3A_385 : i32 to vector<16xi32>
        %parallel_loop3A_387 = tpu.vector_load_idx %arg25[%parallel_loop3A_386] : memref<128xf32, #tpu.memory_space<vmem>>[vector<16xi32>], vector<16xf32>,
        %parallel_loop3A_388 = arith.index_cast %parallel_loop3A_385 : i32 to index
        %parallel_loop3A_389 = arith.constant 0 : index
        %parallel_loop3A_390 = tpu.vector_load %arg31[%parallel_loop3A_388, %parallel_loop3A_389] {strides = array<i32>} : memref<128x64xbf16, #tpu.memory_space<vmem>>, vector<32xbf16>,
        %parallel_loop3A_391 = tpu.unpack_subelements %parallel_loop3A_390, 0 {pack_format = #tpu.pack_format<interleaved>} : vector<32xbf16> -> vector<16xf32>
        %parallel_loop3A_392 = tpu.unpack_subelements %parallel_loop3A_390, 1 {pack_format = #tpu.pack_format<interleaved>} : vector<32xbf16> -> vector<16xf32>
        %parallel_loop3A_393 = arith.mulf %parallel_loop3A_391, %parallel_loop3A_387 : vector<16xf32>
        %parallel_loop3A_394 = arith.index_cast %parallel_loop3A_385 : i32 to index
        %parallel_loop3A_395 = arith.constant 0 : index
        %parallel_loop3A_396 = tpu.vector_load %arg34[%parallel_loop3A_394, %parallel_loop3A_395] {strides = array<i32>} : memref<128x64xf32, #tpu.memory_space<vmem>>, vector<16xf32>,
        tpu.vector_store %arg34[%parallel_loop3A_394, %parallel_loop3A_395], %parallel_loop3A_393 {strides = array<i32>} : memref<128x64xf32, #tpu.memory_space<vmem>>, vector<16xf32>,
        %parallel_loop3A_397 = arith.mulf %parallel_loop3A_392, %parallel_loop3A_387 : vector<16xf32>
        %parallel_loop3A_398 = arith.index_cast %parallel_loop3A_385 : i32 to index
        %parallel_loop3A_399 = arith.constant 16 : index
        %parallel_loop3A_400 = tpu.vector_load %arg34[%parallel_loop3A_398, %parallel_loop3A_399] {strides = array<i32>} : memref<128x64xf32, #tpu.memory_space<vmem>>, vector<16xf32>,
        tpu.vector_store %arg34[%parallel_loop3A_398, %parallel_loop3A_399], %parallel_loop3A_397 {strides = array<i32>} : memref<128x64xf32, #tpu.memory_space<vmem>>, vector<16xf32>,
        %parallel_loop3A_401 = arith.index_cast %parallel_loop3A_385 : i32 to index
        %parallel_loop3A_402 = arith.constant 32 : index
        %parallel_loop3A_403 = tpu.vector_load %arg31[%parallel_loop3A_401, %parallel_loop3A_402] {strides = array<i32>} : memref<128x64xbf16, #tpu.memory_space<vmem>>, vector<32xbf16>,
        %parallel_loop3A_404 = tpu.unpack_subelements %parallel_loop3A_403, 0 {pack_format = #tpu.pack_format<interleaved>} : vector<32xbf16> -> vector<16xf32>
        %parallel_loop3A_405 = tpu.unpack_subelements %parallel_loop3A_403, 1 {pack_format = #tpu.pack_format<interleaved>} : vector<32xbf16> -> vector<16xf32>
        %parallel_loop3A_406 = arith.mulf %parallel_loop3A_404, %parallel_loop3A_387 : vector<16xf32>
        %parallel_loop3A_407 = arith.index_cast %parallel_loop3A_385 : i32 to index
        %parallel_loop3A_408 = arith.constant 32 : index
        %parallel_loop3A_409 = tpu.vector_load %arg34[%parallel_loop3A_407, %parallel_loop3A_408] {strides = array<i32>} : memref<128x64xf32, #tpu.memory_space<vmem>>, vector<16xf32>,
        tpu.vector_store %arg34[%parallel_loop3A_407, %parallel_loop3A_408], %parallel_loop3A_406 {strides = array<i32>} : memref<128x64xf32, #tpu.memory_space<vmem>>, vector<16xf32>,
        %parallel_loop3A_410 = arith.mulf %parallel_loop3A_405, %parallel_loop3A_387 : vector<16xf32>
        %parallel_loop3A_411 = arith.index_cast %parallel_loop3A_385 : i32 to index
        %parallel_loop3A_412 = arith.constant 48 : index
        %parallel_loop3A_413 = tpu.vector_load %arg34[%parallel_loop3A_411, %parallel_loop3A_412] {strides = array<i32>} : memref<128x64xf32, #tpu.memory_space<vmem>>, vector<16xf32>,
        tpu.vector_store %arg34[%parallel_loop3A_411, %parallel_loop3A_412], %parallel_loop3A_410 {strides = array<i32>} : memref<128x64xf32, #tpu.memory_space<vmem>>, vector<16xf32>,
      } {sc.loop_unroll_factor = 4 : i64, sc.parallel_access}
      %dma_start3A_254 = arith.constant 0 : i32
      %dma_start3A_255 = arith.constant 0 : i32
      %dma_start3A_256 = tpu.memref_slice %arg11[%dma_start3A_254, %dma_start3A_255] : memref<20096x64xf32, #tpu.memory_space<vmem_shared>> -> memref<20096x64xf32, #tpu.memory_space<vmem_shared>>
      tpu.enqueue_indirect_dma source(%arg34 : memref<128x64xf32, #tpu.memory_space<vmem>>) target(%dma_start3A_256 : memref<20096x64xf32, #tpu.memory_space<vmem_shared>>) offsets(%arg19 : memref<128xi32, #tpu.memory_space<vmem>>) semaphore(%arg46 : memref<!tpu.dma_semaphore, #tpu.memory_space<semaphore_mem>>) {add = true}
      %mul3A_257 = arith.constant 6 : i32
      %mul3A_258 = arith.muli %scan3A_194, %mul3A_257 : i32
      %add3A_259 = arith.constant 2 : i32
      %add3A_260 = arith.addi %mul3A_258, %add3A_259 : i32
      %ge3A_261 = arith.constant 2 : i32
      %ge3A_262 = arith.cmpi sge, %add3A_260, %ge3A_261 : i32
      %convert_element_type3A_263 = arith.extui %ge3A_262 : i1 to i32
      %cond3A_264 = arith.constant 0 : i32
      %cond3A_265 = arith.cmpi ne, %convert_element_type3A_263, %cond3A_264 : i32
      scf.if %cond3A_265 {
        %dma_wait3A_385 = arith.constant 0 : i32
        %dma_wait3A_386 = arith.constant 0 : i32
        %dma_wait3A_387 = tpu.memref_slice %arg11[%dma_wait3A_385, %dma_wait3A_386] : memref<20096x64xf32, #tpu.memory_space<vmem_shared>> -> memref<20096x64xf32, #tpu.memory_space<vmem_shared>>
        tpu.wait_indirect_dma semaphore(%arg45 : memref<!tpu.dma_semaphore, #tpu.memory_space<semaphore_mem>>) src(%arg33 : memref<128x64xf32, #tpu.memory_space<vmem>>) dst(%dma_wait3A_387 : memref<20096x64xf32, #tpu.memory_space<vmem_shared>>)
      } else {
      }
      %add3A_266 = arith.constant 4 : i32
      %add3A_267 = arith.addi %add3A_260, %add3A_266 : i32
      %lt3A_268 = arith.constant 450 : i32
      %lt3A_269 = arith.cmpi slt, %add3A_267, %lt3A_268 : i32
      %convert_element_type3A_270 = arith.extui %lt3A_269 : i1 to i32
      %cond3A_271 = arith.constant 0 : i32
      %cond3A_272 = arith.cmpi ne, %convert_element_type3A_270, %cond3A_271 : i32
      scf.if %cond3A_272 {
        %add3A_385 = arith.constant 4 : i32
        %add3A_386 = arith.addi %add3A_260, %add3A_385 : i32
        %mul3A_387 = arith.constant 128 : i32
        %mul3A_388 = arith.muli %add3A_386, %mul3A_387 : i32
        %add3A_389 = arith.addi %mul3A_0, %mul3A_388 : i32
        %lt3A_390 = arith.constant 320000 : i32
        %lt3A_391 = arith.cmpi slt, %add3A_389, %lt3A_390 : i32
        %convert_element_type3A_392 = arith.extui %lt3A_391 : i1 to i32
        %cond3A_393 = arith.constant 0 : i32
        %cond3A_394 = arith.cmpi ne, %convert_element_type3A_392, %cond3A_393 : i32
        scf.if %cond3A_394 {
          %dma_start3A_400 = tpu.memref_slice %arg5[%add3A_389] : memref<320000xi32, #tpu.memory_space<hbm>> -> memref<128xi32, #tpu.memory_space<hbm>>
          %dma_start3A_401 = tpu.memref_slice %arg5[%add3A_389] : memref<320000xi32, #tpu.memory_space<hbm>> -> memref<128xi32, #tpu.memory_space<hbm>>
          tpu.enqueue_dma source(%dma_start3A_401 : memref<128xi32, #tpu.memory_space<hbm>>) target(%arg12 : memref<128xi32, #tpu.memory_space<vmem>>) target_semaphore(%arg36 : memref<!tpu.dma_semaphore, #tpu.memory_space<semaphore_mem>>)
          %dma_start3A_402 = tpu.memref_slice %arg4[%add3A_389] : memref<320000xi32, #tpu.memory_space<hbm>> -> memref<128xi32, #tpu.memory_space<hbm>>
          %dma_start3A_403 = tpu.memref_slice %arg4[%add3A_389] : memref<320000xi32, #tpu.memory_space<hbm>> -> memref<128xi32, #tpu.memory_space<hbm>>
          tpu.enqueue_dma source(%dma_start3A_403 : memref<128xi32, #tpu.memory_space<hbm>>) target(%arg18 : memref<128xi32, #tpu.memory_space<vmem>>) target_semaphore(%arg36 : memref<!tpu.dma_semaphore, #tpu.memory_space<semaphore_mem>>)
          %dma_start3A_404 = tpu.memref_slice %arg6[%add3A_389] : memref<320000xf32, #tpu.memory_space<hbm>> -> memref<128xf32, #tpu.memory_space<hbm>>
          %dma_start3A_405 = tpu.memref_slice %arg6[%add3A_389] : memref<320000xf32, #tpu.memory_space<hbm>> -> memref<128xf32, #tpu.memory_space<hbm>>
          tpu.enqueue_dma source(%dma_start3A_405 : memref<128xf32, #tpu.memory_space<hbm>>) target(%arg24 : memref<128xf32, #tpu.memory_space<vmem>>) target_semaphore(%arg36 : memref<!tpu.dma_semaphore, #tpu.memory_space<semaphore_mem>>)
        } else {
        }
        %ge3A_395 = arith.constant 320000 : i32
        %ge3A_396 = arith.cmpi sge, %add3A_389, %ge3A_395 : i32
        %convert_element_type3A_397 = arith.extui %ge3A_396 : i1 to i32
        %cond3A_398 = arith.constant 0 : i32
        %cond3A_399 = arith.cmpi ne, %convert_element_type3A_397, %cond3A_398 : i32
        scf.if %cond3A_399 {
          %sub3A_400 = arith.constant 320000 : i32
          %sub3A_401 = arith.subi %add3A_389, %sub3A_400 : i32
          %dma_start3A_402 = tpu.memref_slice %arg8[%sub3A_401] : memref<601600xi32, #tpu.memory_space<hbm>> -> memref<128xi32, #tpu.memory_space<hbm>>
          %dma_start3A_403 = tpu.memref_slice %arg8[%sub3A_401] : memref<601600xi32, #tpu.memory_space<hbm>> -> memref<128xi32, #tpu.memory_space<hbm>>
          tpu.enqueue_dma source(%dma_start3A_403 : memref<128xi32, #tpu.memory_space<hbm>>) target(%arg12 : memref<128xi32, #tpu.memory_space<vmem>>) target_semaphore(%arg36 : memref<!tpu.dma_semaphore, #tpu.memory_space<semaphore_mem>>)
          %dma_start3A_404 = tpu.memref_slice %arg7[%sub3A_401] : memref<601600xi32, #tpu.memory_space<hbm>> -> memref<128xi32, #tpu.memory_space<hbm>>
          %dma_start3A_405 = tpu.memref_slice %arg7[%sub3A_401] : memref<601600xi32, #tpu.memory_space<hbm>> -> memref<128xi32, #tpu.memory_space<hbm>>
          tpu.enqueue_dma source(%dma_start3A_405 : memref<128xi32, #tpu.memory_space<hbm>>) target(%arg18 : memref<128xi32, #tpu.memory_space<vmem>>) target_semaphore(%arg36 : memref<!tpu.dma_semaphore, #tpu.memory_space<semaphore_mem>>)
          %dma_start3A_406 = tpu.memref_slice %arg9[%sub3A_401] : memref<601600xf32, #tpu.memory_space<hbm>> -> memref<128xf32, #tpu.memory_space<hbm>>
          %dma_start3A_407 = tpu.memref_slice %arg9[%sub3A_401] : memref<601600xf32, #tpu.memory_space<hbm>> -> memref<128xf32, #tpu.memory_space<hbm>>
          tpu.enqueue_dma source(%dma_start3A_407 : memref<128xf32, #tpu.memory_space<hbm>>) target(%arg24 : memref<128xf32, #tpu.memory_space<vmem>>) target_semaphore(%arg36 : memref<!tpu.dma_semaphore, #tpu.memory_space<semaphore_mem>>)
        } else {
        }
      } else {
      }
      %add3A_273 = arith.constant 2 : i32
      %add3A_274 = arith.addi %add3A_260, %add3A_273 : i32
      %lt3A_275 = arith.constant 450 : i32
      %lt3A_276 = arith.cmpi slt, %add3A_274, %lt3A_275 : i32
      %convert_element_type3A_277 = arith.extui %lt3A_276 : i1 to i32
      %cond3A_278 = arith.constant 0 : i32
      %cond3A_279 = arith.cmpi ne, %convert_element_type3A_277, %cond3A_278 : i32
      scf.if %cond3A_279 {
        %dma_wait3A_385 = arith.constant 0 : i32
        %dma_wait3A_386 = tpu.memref_slice %arg5[%dma_wait3A_385] : memref<320000xi32, #tpu.memory_space<hbm>> -> memref<128xi32, #tpu.memory_space<hbm>>
        %dma_wait3A_387 = arith.constant 0 : i32
        %dma_wait3A_388 = tpu.memref_slice %arg5[%dma_wait3A_387] : memref<320000xi32, #tpu.memory_space<hbm>> -> memref<128xi32, #tpu.memory_space<hbm>>
        tpu.wait_dma2 semaphore(%arg40 : memref<!tpu.dma_semaphore, #tpu.memory_space<semaphore_mem>>) src(%dma_wait3A_388 : memref<128xi32, #tpu.memory_space<hbm>>) dst(%arg16 : memref<128xi32, #tpu.memory_space<vmem>>)
        %dma_wait3A_389 = arith.constant 0 : i32
        %dma_wait3A_390 = tpu.memref_slice %arg4[%dma_wait3A_389] : memref<320000xi32, #tpu.memory_space<hbm>> -> memref<128xi32, #tpu.memory_space<hbm>>
        %dma_wait3A_391 = arith.constant 0 : i32
        %dma_wait3A_392 = tpu.memref_slice %arg4[%dma_wait3A_391] : memref<320000xi32, #tpu.memory_space<hbm>> -> memref<128xi32, #tpu.memory_space<hbm>>
        tpu.wait_dma2 semaphore(%arg40 : memref<!tpu.dma_semaphore, #tpu.memory_space<semaphore_mem>>) src(%dma_wait3A_392 : memref<128xi32, #tpu.memory_space<hbm>>) dst(%arg22 : memref<128xi32, #tpu.memory_space<vmem>>)
        %dma_wait3A_393 = arith.constant 0 : i32
        %dma_wait3A_394 = tpu.memref_slice %arg6[%dma_wait3A_393] : memref<320000xf32, #tpu.memory_space<hbm>> -> memref<128xf32, #tpu.memory_space<hbm>>
        %dma_wait3A_395 = arith.constant 0 : i32
        %dma_wait3A_396 = tpu.memref_slice %arg6[%dma_wait3A_395] : memref<320000xf32, #tpu.memory_space<hbm>> -> memref<128xf32, #tpu.memory_space<hbm>>
        tpu.wait_dma2 semaphore(%arg40 : memref<!tpu.dma_semaphore, #tpu.memory_space<semaphore_mem>>) src(%dma_wait3A_396 : memref<128xf32, #tpu.memory_space<hbm>>) dst(%arg28 : memref<128xf32, #tpu.memory_space<vmem>>)
        %eq3A_397 = arith.constant 0 : i32
        %eq3A_398 = arith.cmpi eq, %arg0, %eq3A_397 : i32
        %convert_element_type3A_399 = arith.extui %eq3A_398 : i1 to i32
        %cond3A_400 = arith.constant 0 : i32
        %cond3A_401 = arith.cmpi ne, %convert_element_type3A_399, %cond3A_400 : i32
        scf.if %cond3A_401 {
          %dma_start3A_407 = arith.constant 0 : i32
          %dma_start3A_408 = arith.constant 0 : i32
          %dma_start3A_409 = tpu.memref_slice %arg2[%dma_start3A_407, %dma_start3A_408] : memref<10000x64xbf16, #tpu.memory_space<hbm>> -> memref<10000x64xbf16, #tpu.memory_space<hbm>>
          tpu.enqueue_indirect_dma source(%dma_start3A_409 : memref<10000x64xbf16, #tpu.memory_space<hbm>>) target(%arg31 : memref<128x64xbf16, #tpu.memory_space<vmem>>) offsets(%arg16 : memref<128xi32, #tpu.memory_space<vmem>>) semaphore(%arg43 : memref<!tpu.dma_semaphore, #tpu.memory_space<semaphore_mem>>)
        } else {
        }
        %eq3A_402 = arith.constant 1 : i32
        %eq3A_403 = arith.cmpi eq, %arg0, %eq3A_402 : i32
        %convert_element_type3A_404 = arith.extui %eq3A_403 : i1 to i32
        %cond3A_405 = arith.constant 0 : i32
        %cond3A_406 = arith.cmpi ne, %convert_element_type3A_404, %cond3A_405 : i32
        scf.if %cond3A_406 {
          %dma_start3A_407 = arith.constant 0 : i32
          %dma_start3A_408 = arith.constant 0 : i32
          %dma_start3A_409 = tpu.memref_slice %arg3[%dma_start3A_407, %dma_start3A_408] : memref<10000x64xbf16, #tpu.memory_space<hbm>> -> memref<10000x64xbf16, #tpu.memory_space<hbm>>
          tpu.enqueue_indirect_dma source(%dma_start3A_409 : memref<10000x64xbf16, #tpu.memory_space<hbm>>) target(%arg31 : memref<128x64xbf16, #tpu.memory_space<vmem>>) offsets(%arg16 : memref<128xi32, #tpu.memory_space<vmem>>) semaphore(%arg43 : memref<!tpu.dma_semaphore, #tpu.memory_space<semaphore_mem>>)
        } else {
        }
      } else {
      }
      %dma_wait3A_280 = arith.constant 0 : i32
      %dma_wait3A_281 = arith.constant 0 : i32
      %dma_wait3A_282 = tpu.memref_slice %arg2[%dma_wait3A_280, %dma_wait3A_281] : memref<10000x64xbf16, #tpu.memory_space<hbm>> -> memref<10000x64xbf16, #tpu.memory_space<hbm>>
      tpu.wait_indirect_dma semaphore(%arg44 : memref<!tpu.dma_semaphore, #tpu.memory_space<semaphore_mem>>) src(%dma_wait3A_282 : memref<10000x64xbf16, #tpu.memory_space<hbm>>) dst(%arg32 : memref<128x64xbf16, #tpu.memory_space<vmem>>)
      %parallel_loop3A_283 = arith.constant 0 : i32
      %parallel_loop3A_284 = arith.constant 128 : i32
      %parallel_loop3A_285 = arith.constant 1 : i32
      scf.for %parallel_loop3A_385 = %parallel_loop3A_283 to %parallel_loop3A_284 step %parallel_loop3A_285  : i32 {
        %parallel_loop3A_386 = vector.broadcast %parallel_loop3A_385 : i32 to vector<16xi32>
        %parallel_loop3A_387 = tpu.vector_load_idx %arg26[%parallel_loop3A_386] : memref<128xf32, #tpu.memory_space<vmem>>[vector<16xi32>], vector<16xf32>,
        %parallel_loop3A_388 = arith.index_cast %parallel_loop3A_385 : i32 to index
        %parallel_loop3A_389 = arith.constant 0 : index
        %parallel_loop3A_390 = tpu.vector_load %arg32[%parallel_loop3A_388, %parallel_loop3A_389] {strides = array<i32>} : memref<128x64xbf16, #tpu.memory_space<vmem>>, vector<32xbf16>,
        %parallel_loop3A_391 = tpu.unpack_subelements %parallel_loop3A_390, 0 {pack_format = #tpu.pack_format<interleaved>} : vector<32xbf16> -> vector<16xf32>
        %parallel_loop3A_392 = tpu.unpack_subelements %parallel_loop3A_390, 1 {pack_format = #tpu.pack_format<interleaved>} : vector<32xbf16> -> vector<16xf32>
        %parallel_loop3A_393 = arith.mulf %parallel_loop3A_391, %parallel_loop3A_387 : vector<16xf32>
        %parallel_loop3A_394 = arith.index_cast %parallel_loop3A_385 : i32 to index
        %parallel_loop3A_395 = arith.constant 0 : index
        %parallel_loop3A_396 = tpu.vector_load %arg35[%parallel_loop3A_394, %parallel_loop3A_395] {strides = array<i32>} : memref<128x64xf32, #tpu.memory_space<vmem>>, vector<16xf32>,
        tpu.vector_store %arg35[%parallel_loop3A_394, %parallel_loop3A_395], %parallel_loop3A_393 {strides = array<i32>} : memref<128x64xf32, #tpu.memory_space<vmem>>, vector<16xf32>,
        %parallel_loop3A_397 = arith.mulf %parallel_loop3A_392, %parallel_loop3A_387 : vector<16xf32>
        %parallel_loop3A_398 = arith.index_cast %parallel_loop3A_385 : i32 to index
        %parallel_loop3A_399 = arith.constant 16 : index
        %parallel_loop3A_400 = tpu.vector_load %arg35[%parallel_loop3A_398, %parallel_loop3A_399] {strides = array<i32>} : memref<128x64xf32, #tpu.memory_space<vmem>>, vector<16xf32>,
        tpu.vector_store %arg35[%parallel_loop3A_398, %parallel_loop3A_399], %parallel_loop3A_397 {strides = array<i32>} : memref<128x64xf32, #tpu.memory_space<vmem>>, vector<16xf32>,
        %parallel_loop3A_401 = arith.index_cast %parallel_loop3A_385 : i32 to index
        %parallel_loop3A_402 = arith.constant 32 : index
        %parallel_loop3A_403 = tpu.vector_load %arg32[%parallel_loop3A_401, %parallel_loop3A_402] {strides = array<i32>} : memref<128x64xbf16, #tpu.memory_space<vmem>>, vector<32xbf16>,
        %parallel_loop3A_404 = tpu.unpack_subelements %parallel_loop3A_403, 0 {pack_format = #tpu.pack_format<interleaved>} : vector<32xbf16> -> vector<16xf32>
        %parallel_loop3A_405 = tpu.unpack_subelements %parallel_loop3A_403, 1 {pack_format = #tpu.pack_format<interleaved>} : vector<32xbf16> -> vector<16xf32>
        %parallel_loop3A_406 = arith.mulf %parallel_loop3A_404, %parallel_loop3A_387 : vector<16xf32>
        %parallel_loop3A_407 = arith.index_cast %parallel_loop3A_385 : i32 to index
        %parallel_loop3A_408 = arith.constant 32 : index
        %parallel_loop3A_409 = tpu.vector_load %arg35[%parallel_loop3A_407, %parallel_loop3A_408] {strides = array<i32>} : memref<128x64xf32, #tpu.memory_space<vmem>>, vector<16xf32>,
        tpu.vector_store %arg35[%parallel_loop3A_407, %parallel_loop3A_408], %parallel_loop3A_406 {strides = array<i32>} : memref<128x64xf32, #tpu.memory_space<vmem>>, vector<16xf32>,
        %parallel_loop3A_410 = arith.mulf %parallel_loop3A_405, %parallel_loop3A_387 : vector<16xf32>
        %parallel_loop3A_411 = arith.index_cast %parallel_loop3A_385 : i32 to index
        %parallel_loop3A_412 = arith.constant 48 : index
        %parallel_loop3A_413 = tpu.vector_load %arg35[%parallel_loop3A_411, %parallel_loop3A_412] {strides = array<i32>} : memref<128x64xf32, #tpu.memory_space<vmem>>, vector<16xf32>,
        tpu.vector_store %arg35[%parallel_loop3A_411, %parallel_loop3A_412], %parallel_loop3A_410 {strides = array<i32>} : memref<128x64xf32, #tpu.memory_space<vmem>>, vector<16xf32>,
      } {sc.loop_unroll_factor = 4 : i64, sc.parallel_access}
      %dma_start3A_286 = arith.constant 0 : i32
      %dma_start3A_287 = arith.constant 0 : i32
      %dma_start3A_288 = tpu.memref_slice %arg11[%dma_start3A_286, %dma_start3A_287] : memref<20096x64xf32, #tpu.memory_space<vmem_shared>> -> memref<20096x64xf32, #tpu.memory_space<vmem_shared>>
      tpu.enqueue_indirect_dma source(%arg35 : memref<128x64xf32, #tpu.memory_space<vmem>>) target(%dma_start3A_288 : memref<20096x64xf32, #tpu.memory_space<vmem_shared>>) offsets(%arg20 : memref<128xi32, #tpu.memory_space<vmem>>) semaphore(%arg47 : memref<!tpu.dma_semaphore, #tpu.memory_space<semaphore_mem>>) {add = true}
      %mul3A_289 = arith.constant 6 : i32
      %mul3A_290 = arith.muli %scan3A_194, %mul3A_289 : i32
      %add3A_291 = arith.constant 3 : i32
      %add3A_292 = arith.addi %mul3A_290, %add3A_291 : i32
      %ge3A_293 = arith.constant 2 : i32
      %ge3A_294 = arith.cmpi sge, %add3A_292, %ge3A_293 : i32
      %convert_element_type3A_295 = arith.extui %ge3A_294 : i1 to i32
      %cond3A_296 = arith.constant 0 : i32
      %cond3A_297 = arith.cmpi ne, %convert_element_type3A_295, %cond3A_296 : i32
      scf.if %cond3A_297 {
        %dma_wait3A_385 = arith.constant 0 : i32
        %dma_wait3A_386 = arith.constant 0 : i32
        %dma_wait3A_387 = tpu.memref_slice %arg11[%dma_wait3A_385, %dma_wait3A_386] : memref<20096x64xf32, #tpu.memory_space<vmem_shared>> -> memref<20096x64xf32, #tpu.memory_space<vmem_shared>>
        tpu.wait_indirect_dma semaphore(%arg46 : memref<!tpu.dma_semaphore, #tpu.memory_space<semaphore_mem>>) src(%arg34 : memref<128x64xf32, #tpu.memory_space<vmem>>) dst(%dma_wait3A_387 : memref<20096x64xf32, #tpu.memory_space<vmem_shared>>)
      } else {
      }
      %add3A_298 = arith.constant 4 : i32
      %add3A_299 = arith.addi %add3A_292, %add3A_298 : i32
      %lt3A_300 = arith.constant 450 : i32
      %lt3A_301 = arith.cmpi slt, %add3A_299, %lt3A_300 : i32
      %convert_element_type3A_302 = arith.extui %lt3A_301 : i1 to i32
      %cond3A_303 = arith.constant 0 : i32
      %cond3A_304 = arith.cmpi ne, %convert_element_type3A_302, %cond3A_303 : i32
      scf.if %cond3A_304 {
        %add3A_385 = arith.constant 4 : i32
        %add3A_386 = arith.addi %add3A_292, %add3A_385 : i32
        %mul3A_387 = arith.constant 128 : i32
        %mul3A_388 = arith.muli %add3A_386, %mul3A_387 : i32
        %add3A_389 = arith.addi %mul3A_0, %mul3A_388 : i32
        %lt3A_390 = arith.constant 320000 : i32
        %lt3A_391 = arith.cmpi slt, %add3A_389, %lt3A_390 : i32
        %convert_element_type3A_392 = arith.extui %lt3A_391 : i1 to i32
        %cond3A_393 = arith.constant 0 : i32
        %cond3A_394 = arith.cmpi ne, %convert_element_type3A_392, %cond3A_393 : i32
        scf.if %cond3A_394 {
          %dma_start3A_400 = tpu.memref_slice %arg5[%add3A_389] : memref<320000xi32, #tpu.memory_space<hbm>> -> memref<128xi32, #tpu.memory_space<hbm>>
          %dma_start3A_401 = tpu.memref_slice %arg5[%add3A_389] : memref<320000xi32, #tpu.memory_space<hbm>> -> memref<128xi32, #tpu.memory_space<hbm>>
          tpu.enqueue_dma source(%dma_start3A_401 : memref<128xi32, #tpu.memory_space<hbm>>) target(%arg13 : memref<128xi32, #tpu.memory_space<vmem>>) target_semaphore(%arg37 : memref<!tpu.dma_semaphore, #tpu.memory_space<semaphore_mem>>)
          %dma_start3A_402 = tpu.memref_slice %arg4[%add3A_389] : memref<320000xi32, #tpu.memory_space<hbm>> -> memref<128xi32, #tpu.memory_space<hbm>>
          %dma_start3A_403 = tpu.memref_slice %arg4[%add3A_389] : memref<320000xi32, #tpu.memory_space<hbm>> -> memref<128xi32, #tpu.memory_space<hbm>>
          tpu.enqueue_dma source(%dma_start3A_403 : memref<128xi32, #tpu.memory_space<hbm>>) target(%arg19 : memref<128xi32, #tpu.memory_space<vmem>>) target_semaphore(%arg37 : memref<!tpu.dma_semaphore, #tpu.memory_space<semaphore_mem>>)
          %dma_start3A_404 = tpu.memref_slice %arg6[%add3A_389] : memref<320000xf32, #tpu.memory_space<hbm>> -> memref<128xf32, #tpu.memory_space<hbm>>
          %dma_start3A_405 = tpu.memref_slice %arg6[%add3A_389] : memref<320000xf32, #tpu.memory_space<hbm>> -> memref<128xf32, #tpu.memory_space<hbm>>
          tpu.enqueue_dma source(%dma_start3A_405 : memref<128xf32, #tpu.memory_space<hbm>>) target(%arg25 : memref<128xf32, #tpu.memory_space<vmem>>) target_semaphore(%arg37 : memref<!tpu.dma_semaphore, #tpu.memory_space<semaphore_mem>>)
        } else {
        }
        %ge3A_395 = arith.constant 320000 : i32
        %ge3A_396 = arith.cmpi sge, %add3A_389, %ge3A_395 : i32
        %convert_element_type3A_397 = arith.extui %ge3A_396 : i1 to i32
        %cond3A_398 = arith.constant 0 : i32
        %cond3A_399 = arith.cmpi ne, %convert_element_type3A_397, %cond3A_398 : i32
        scf.if %cond3A_399 {
          %sub3A_400 = arith.constant 320000 : i32
          %sub3A_401 = arith.subi %add3A_389, %sub3A_400 : i32
          %dma_start3A_402 = tpu.memref_slice %arg8[%sub3A_401] : memref<601600xi32, #tpu.memory_space<hbm>> -> memref<128xi32, #tpu.memory_space<hbm>>
          %dma_start3A_403 = tpu.memref_slice %arg8[%sub3A_401] : memref<601600xi32, #tpu.memory_space<hbm>> -> memref<128xi32, #tpu.memory_space<hbm>>
          tpu.enqueue_dma source(%dma_start3A_403 : memref<128xi32, #tpu.memory_space<hbm>>) target(%arg13 : memref<128xi32, #tpu.memory_space<vmem>>) target_semaphore(%arg37 : memref<!tpu.dma_semaphore, #tpu.memory_space<semaphore_mem>>)
          %dma_start3A_404 = tpu.memref_slice %arg7[%sub3A_401] : memref<601600xi32, #tpu.memory_space<hbm>> -> memref<128xi32, #tpu.memory_space<hbm>>
          %dma_start3A_405 = tpu.memref_slice %arg7[%sub3A_401] : memref<601600xi32, #tpu.memory_space<hbm>> -> memref<128xi32, #tpu.memory_space<hbm>>
          tpu.enqueue_dma source(%dma_start3A_405 : memref<128xi32, #tpu.memory_space<hbm>>) target(%arg19 : memref<128xi32, #tpu.memory_space<vmem>>) target_semaphore(%arg37 : memref<!tpu.dma_semaphore, #tpu.memory_space<semaphore_mem>>)
          %dma_start3A_406 = tpu.memref_slice %arg9[%sub3A_401] : memref<601600xf32, #tpu.memory_space<hbm>> -> memref<128xf32, #tpu.memory_space<hbm>>
          %dma_start3A_407 = tpu.memref_slice %arg9[%sub3A_401] : memref<601600xf32, #tpu.memory_space<hbm>> -> memref<128xf32, #tpu.memory_space<hbm>>
          tpu.enqueue_dma source(%dma_start3A_407 : memref<128xf32, #tpu.memory_space<hbm>>) target(%arg25 : memref<128xf32, #tpu.memory_space<vmem>>) target_semaphore(%arg37 : memref<!tpu.dma_semaphore, #tpu.memory_space<semaphore_mem>>)
        } else {
        }
      } else {
      }
      %add3A_305 = arith.constant 2 : i32
      %add3A_306 = arith.addi %add3A_292, %add3A_305 : i32
      %lt3A_307 = arith.constant 450 : i32
      %lt3A_308 = arith.cmpi slt, %add3A_306, %lt3A_307 : i32
      %convert_element_type3A_309 = arith.extui %lt3A_308 : i1 to i32
      %cond3A_310 = arith.constant 0 : i32
      %cond3A_311 = arith.cmpi ne, %convert_element_type3A_309, %cond3A_310 : i32
      scf.if %cond3A_311 {
        %dma_wait3A_385 = arith.constant 0 : i32
        %dma_wait3A_386 = tpu.memref_slice %arg5[%dma_wait3A_385] : memref<320000xi32, #tpu.memory_space<hbm>> -> memref<128xi32, #tpu.memory_space<hbm>>
        %dma_wait3A_387 = arith.constant 0 : i32
        %dma_wait3A_388 = tpu.memref_slice %arg5[%dma_wait3A_387] : memref<320000xi32, #tpu.memory_space<hbm>> -> memref<128xi32, #tpu.memory_space<hbm>>
        tpu.wait_dma2 semaphore(%arg41 : memref<!tpu.dma_semaphore, #tpu.memory_space<semaphore_mem>>) src(%dma_wait3A_388 : memref<128xi32, #tpu.memory_space<hbm>>) dst(%arg17 : memref<128xi32, #tpu.memory_space<vmem>>)
        %dma_wait3A_389 = arith.constant 0 : i32
        %dma_wait3A_390 = tpu.memref_slice %arg4[%dma_wait3A_389] : memref<320000xi32, #tpu.memory_space<hbm>> -> memref<128xi32, #tpu.memory_space<hbm>>
        %dma_wait3A_391 = arith.constant 0 : i32
        %dma_wait3A_392 = tpu.memref_slice %arg4[%dma_wait3A_391] : memref<320000xi32, #tpu.memory_space<hbm>> -> memref<128xi32, #tpu.memory_space<hbm>>
        tpu.wait_dma2 semaphore(%arg41 : memref<!tpu.dma_semaphore, #tpu.memory_space<semaphore_mem>>) src(%dma_wait3A_392 : memref<128xi32, #tpu.memory_space<hbm>>) dst(%arg23 : memref<128xi32, #tpu.memory_space<vmem>>)
        %dma_wait3A_393 = arith.constant 0 : i32
        %dma_wait3A_394 = tpu.memref_slice %arg6[%dma_wait3A_393] : memref<320000xf32, #tpu.memory_space<hbm>> -> memref<128xf32, #tpu.memory_space<hbm>>
        %dma_wait3A_395 = arith.constant 0 : i32
        %dma_wait3A_396 = tpu.memref_slice %arg6[%dma_wait3A_395] : memref<320000xf32, #tpu.memory_space<hbm>> -> memref<128xf32, #tpu.memory_space<hbm>>
        tpu.wait_dma2 semaphore(%arg41 : memref<!tpu.dma_semaphore, #tpu.memory_space<semaphore_mem>>) src(%dma_wait3A_396 : memref<128xf32, #tpu.memory_space<hbm>>) dst(%arg29 : memref<128xf32, #tpu.memory_space<vmem>>)
        %eq3A_397 = arith.constant 0 : i32
        %eq3A_398 = arith.cmpi eq, %arg0, %eq3A_397 : i32
        %convert_element_type3A_399 = arith.extui %eq3A_398 : i1 to i32
        %cond3A_400 = arith.constant 0 : i32
        %cond3A_401 = arith.cmpi ne, %convert_element_type3A_399, %cond3A_400 : i32
        scf.if %cond3A_401 {
          %dma_start3A_407 = arith.constant 0 : i32
          %dma_start3A_408 = arith.constant 0 : i32
          %dma_start3A_409 = tpu.memref_slice %arg2[%dma_start3A_407, %dma_start3A_408] : memref<10000x64xbf16, #tpu.memory_space<hbm>> -> memref<10000x64xbf16, #tpu.memory_space<hbm>>
          tpu.enqueue_indirect_dma source(%dma_start3A_409 : memref<10000x64xbf16, #tpu.memory_space<hbm>>) target(%arg32 : memref<128x64xbf16, #tpu.memory_space<vmem>>) offsets(%arg17 : memref<128xi32, #tpu.memory_space<vmem>>) semaphore(%arg44 : memref<!tpu.dma_semaphore, #tpu.memory_space<semaphore_mem>>)
        } else {
        }
        %eq3A_402 = arith.constant 1 : i32
        %eq3A_403 = arith.cmpi eq, %arg0, %eq3A_402 : i32
        %convert_element_type3A_404 = arith.extui %eq3A_403 : i1 to i32
        %cond3A_405 = arith.constant 0 : i32
        %cond3A_406 = arith.cmpi ne, %convert_element_type3A_404, %cond3A_405 : i32
        scf.if %cond3A_406 {
          %dma_start3A_407 = arith.constant 0 : i32
          %dma_start3A_408 = arith.constant 0 : i32
          %dma_start3A_409 = tpu.memref_slice %arg3[%dma_start3A_407, %dma_start3A_408] : memref<10000x64xbf16, #tpu.memory_space<hbm>> -> memref<10000x64xbf16, #tpu.memory_space<hbm>>
          tpu.enqueue_indirect_dma source(%dma_start3A_409 : memref<10000x64xbf16, #tpu.memory_space<hbm>>) target(%arg32 : memref<128x64xbf16, #tpu.memory_space<vmem>>) offsets(%arg17 : memref<128xi32, #tpu.memory_space<vmem>>) semaphore(%arg44 : memref<!tpu.dma_semaphore, #tpu.memory_space<semaphore_mem>>)
        } else {
        }
      } else {
      }
      %dma_wait3A_312 = arith.constant 0 : i32
      %dma_wait3A_313 = arith.constant 0 : i32
      %dma_wait3A_314 = tpu.memref_slice %arg2[%dma_wait3A_312, %dma_wait3A_313] : memref<10000x64xbf16, #tpu.memory_space<hbm>> -> memref<10000x64xbf16, #tpu.memory_space<hbm>>
      tpu.wait_indirect_dma semaphore(%arg42 : memref<!tpu.dma_semaphore, #tpu.memory_space<semaphore_mem>>) src(%dma_wait3A_314 : memref<10000x64xbf16, #tpu.memory_space<hbm>>) dst(%arg30 : memref<128x64xbf16, #tpu.memory_space<vmem>>)
      %parallel_loop3A_315 = arith.constant 0 : i32
      %parallel_loop3A_316 = arith.constant 128 : i32
      %parallel_loop3A_317 = arith.constant 1 : i32
      scf.for %parallel_loop3A_385 = %parallel_loop3A_315 to %parallel_loop3A_316 step %parallel_loop3A_317  : i32 {
        %parallel_loop3A_386 = vector.broadcast %parallel_loop3A_385 : i32 to vector<16xi32>
        %parallel_loop3A_387 = tpu.vector_load_idx %arg27[%parallel_loop3A_386] : memref<128xf32, #tpu.memory_space<vmem>>[vector<16xi32>], vector<16xf32>,
        %parallel_loop3A_388 = arith.index_cast %parallel_loop3A_385 : i32 to index
        %parallel_loop3A_389 = arith.constant 0 : index
        %parallel_loop3A_390 = tpu.vector_load %arg30[%parallel_loop3A_388, %parallel_loop3A_389] {strides = array<i32>} : memref<128x64xbf16, #tpu.memory_space<vmem>>, vector<32xbf16>,
        %parallel_loop3A_391 = tpu.unpack_subelements %parallel_loop3A_390, 0 {pack_format = #tpu.pack_format<interleaved>} : vector<32xbf16> -> vector<16xf32>
        %parallel_loop3A_392 = tpu.unpack_subelements %parallel_loop3A_390, 1 {pack_format = #tpu.pack_format<interleaved>} : vector<32xbf16> -> vector<16xf32>
        %parallel_loop3A_393 = arith.mulf %parallel_loop3A_391, %parallel_loop3A_387 : vector<16xf32>
        %parallel_loop3A_394 = arith.index_cast %parallel_loop3A_385 : i32 to index
        %parallel_loop3A_395 = arith.constant 0 : index
        %parallel_loop3A_396 = tpu.vector_load %arg33[%parallel_loop3A_394, %parallel_loop3A_395] {strides = array<i32>} : memref<128x64xf32, #tpu.memory_space<vmem>>, vector<16xf32>,
        tpu.vector_store %arg33[%parallel_loop3A_394, %parallel_loop3A_395], %parallel_loop3A_393 {strides = array<i32>} : memref<128x64xf32, #tpu.memory_space<vmem>>, vector<16xf32>,
        %parallel_loop3A_397 = arith.mulf %parallel_loop3A_392, %parallel_loop3A_387 : vector<16xf32>
        %parallel_loop3A_398 = arith.index_cast %parallel_loop3A_385 : i32 to index
        %parallel_loop3A_399 = arith.constant 16 : index
        %parallel_loop3A_400 = tpu.vector_load %arg33[%parallel_loop3A_398, %parallel_loop3A_399] {strides = array<i32>} : memref<128x64xf32, #tpu.memory_space<vmem>>, vector<16xf32>,
        tpu.vector_store %arg33[%parallel_loop3A_398, %parallel_loop3A_399], %parallel_loop3A_397 {strides = array<i32>} : memref<128x64xf32, #tpu.memory_space<vmem>>, vector<16xf32>,
        %parallel_loop3A_401 = arith.index_cast %parallel_loop3A_385 : i32 to index
        %parallel_loop3A_402 = arith.constant 32 : index
        %parallel_loop3A_403 = tpu.vector_load %arg30[%parallel_loop3A_401, %parallel_loop3A_402] {strides = array<i32>} : memref<128x64xbf16, #tpu.memory_space<vmem>>, vector<32xbf16>,
        %parallel_loop3A_404 = tpu.unpack_subelements %parallel_loop3A_403, 0 {pack_format = #tpu.pack_format<interleaved>} : vector<32xbf16> -> vector<16xf32>
        %parallel_loop3A_405 = tpu.unpack_subelements %parallel_loop3A_403, 1 {pack_format = #tpu.pack_format<interleaved>} : vector<32xbf16> -> vector<16xf32>
        %parallel_loop3A_406 = arith.mulf %parallel_loop3A_404, %parallel_loop3A_387 : vector<16xf32>
        %parallel_loop3A_407 = arith.index_cast %parallel_loop3A_385 : i32 to index
        %parallel_loop3A_408 = arith.constant 32 : index
        %parallel_loop3A_409 = tpu.vector_load %arg33[%parallel_loop3A_407, %parallel_loop3A_408] {strides = array<i32>} : memref<128x64xf32, #tpu.memory_space<vmem>>, vector<16xf32>,
        tpu.vector_store %arg33[%parallel_loop3A_407, %parallel_loop3A_408], %parallel_loop3A_406 {strides = array<i32>} : memref<128x64xf32, #tpu.memory_space<vmem>>, vector<16xf32>,
        %parallel_loop3A_410 = arith.mulf %parallel_loop3A_405, %parallel_loop3A_387 : vector<16xf32>
        %parallel_loop3A_411 = arith.index_cast %parallel_loop3A_385 : i32 to index
        %parallel_loop3A_412 = arith.constant 48 : index
        %parallel_loop3A_413 = tpu.vector_load %arg33[%parallel_loop3A_411, %parallel_loop3A_412] {strides = array<i32>} : memref<128x64xf32, #tpu.memory_space<vmem>>, vector<16xf32>,
        tpu.vector_store %arg33[%parallel_loop3A_411, %parallel_loop3A_412], %parallel_loop3A_410 {strides = array<i32>} : memref<128x64xf32, #tpu.memory_space<vmem>>, vector<16xf32>,
      } {sc.loop_unroll_factor = 4 : i64, sc.parallel_access}
      %dma_start3A_318 = arith.constant 0 : i32
      %dma_start3A_319 = arith.constant 0 : i32
      %dma_start3A_320 = tpu.memref_slice %arg11[%dma_start3A_318, %dma_start3A_319] : memref<20096x64xf32, #tpu.memory_space<vmem_shared>> -> memref<20096x64xf32, #tpu.memory_space<vmem_shared>>
      tpu.enqueue_indirect_dma source(%arg33 : memref<128x64xf32, #tpu.memory_space<vmem>>) target(%dma_start3A_320 : memref<20096x64xf32, #tpu.memory_space<vmem_shared>>) offsets(%arg21 : memref<128xi32, #tpu.memory_space<vmem>>) semaphore(%arg45 : memref<!tpu.dma_semaphore, #tpu.memory_space<semaphore_mem>>) {add = true}
      %mul3A_321 = arith.constant 6 : i32
      %mul3A_322 = arith.muli %scan3A_194, %mul3A_321 : i32
      %add3A_323 = arith.constant 4 : i32
      %add3A_324 = arith.addi %mul3A_322, %add3A_323 : i32
      %ge3A_325 = arith.constant 2 : i32
      %ge3A_326 = arith.cmpi sge, %add3A_324, %ge3A_325 : i32
      %convert_element_type3A_327 = arith.extui %ge3A_326 : i1 to i32
      %cond3A_328 = arith.constant 0 : i32
      %cond3A_329 = arith.cmpi ne, %convert_element_type3A_327, %cond3A_328 : i32
      scf.if %cond3A_329 {
        %dma_wait3A_385 = arith.constant 0 : i32
        %dma_wait3A_386 = arith.constant 0 : i32
        %dma_wait3A_387 = tpu.memref_slice %arg11[%dma_wait3A_385, %dma_wait3A_386] : memref<20096x64xf32, #tpu.memory_space<vmem_shared>> -> memref<20096x64xf32, #tpu.memory_space<vmem_shared>>
        tpu.wait_indirect_dma semaphore(%arg47 : memref<!tpu.dma_semaphore, #tpu.memory_space<semaphore_mem>>) src(%arg35 : memref<128x64xf32, #tpu.memory_space<vmem>>) dst(%dma_wait3A_387 : memref<20096x64xf32, #tpu.memory_space<vmem_shared>>)
      } else {
      }
      %add3A_330 = arith.constant 4 : i32
      %add3A_331 = arith.addi %add3A_324, %add3A_330 : i32
      %lt3A_332 = arith.constant 450 : i32
      %lt3A_333 = arith.cmpi slt, %add3A_331, %lt3A_332 : i32
      %convert_element_type3A_334 = arith.extui %lt3A_333 : i1 to i32
      %cond3A_335 = arith.constant 0 : i32
      %cond3A_336 = arith.cmpi ne, %convert_element_type3A_334, %cond3A_335 : i32
      scf.if %cond3A_336 {
        %add3A_385 = arith.constant 4 : i32
        %add3A_386 = arith.addi %add3A_324, %add3A_385 : i32
        %mul3A_387 = arith.constant 128 : i32
        %mul3A_388 = arith.muli %add3A_386, %mul3A_387 : i32
        %add3A_389 = arith.addi %mul3A_0, %mul3A_388 : i32
        %lt3A_390 = arith.constant 320000 : i32
        %lt3A_391 = arith.cmpi slt, %add3A_389, %lt3A_390 : i32
        %convert_element_type3A_392 = arith.extui %lt3A_391 : i1 to i32
        %cond3A_393 = arith.constant 0 : i32
        %cond3A_394 = arith.cmpi ne, %convert_element_type3A_392, %cond3A_393 : i32
        scf.if %cond3A_394 {
          %dma_start3A_400 = tpu.memref_slice %arg5[%add3A_389] : memref<320000xi32, #tpu.memory_space<hbm>> -> memref<128xi32, #tpu.memory_space<hbm>>
          %dma_start3A_401 = tpu.memref_slice %arg5[%add3A_389] : memref<320000xi32, #tpu.memory_space<hbm>> -> memref<128xi32, #tpu.memory_space<hbm>>
          tpu.enqueue_dma source(%dma_start3A_401 : memref<128xi32, #tpu.memory_space<hbm>>) target(%arg14 : memref<128xi32, #tpu.memory_space<vmem>>) target_semaphore(%arg38 : memref<!tpu.dma_semaphore, #tpu.memory_space<semaphore_mem>>)
          %dma_start3A_402 = tpu.memref_slice %arg4[%add3A_389] : memref<320000xi32, #tpu.memory_space<hbm>> -> memref<128xi32, #tpu.memory_space<hbm>>
          %dma_start3A_403 = tpu.memref_slice %arg4[%add3A_389] : memref<320000xi32, #tpu.memory_space<hbm>> -> memref<128xi32, #tpu.memory_space<hbm>>
          tpu.enqueue_dma source(%dma_start3A_403 : memref<128xi32, #tpu.memory_space<hbm>>) target(%arg20 : memref<128xi32, #tpu.memory_space<vmem>>) target_semaphore(%arg38 : memref<!tpu.dma_semaphore, #tpu.memory_space<semaphore_mem>>)
          %dma_start3A_404 = tpu.memref_slice %arg6[%add3A_389] : memref<320000xf32, #tpu.memory_space<hbm>> -> memref<128xf32, #tpu.memory_space<hbm>>
          %dma_start3A_405 = tpu.memref_slice %arg6[%add3A_389] : memref<320000xf32, #tpu.memory_space<hbm>> -> memref<128xf32, #tpu.memory_space<hbm>>
          tpu.enqueue_dma source(%dma_start3A_405 : memref<128xf32, #tpu.memory_space<hbm>>) target(%arg26 : memref<128xf32, #tpu.memory_space<vmem>>) target_semaphore(%arg38 : memref<!tpu.dma_semaphore, #tpu.memory_space<semaphore_mem>>)
        } else {
        }
        %ge3A_395 = arith.constant 320000 : i32
        %ge3A_396 = arith.cmpi sge, %add3A_389, %ge3A_395 : i32
        %convert_element_type3A_397 = arith.extui %ge3A_396 : i1 to i32
        %cond3A_398 = arith.constant 0 : i32
        %cond3A_399 = arith.cmpi ne, %convert_element_type3A_397, %cond3A_398 : i32
        scf.if %cond3A_399 {
          %sub3A_400 = arith.constant 320000 : i32
          %sub3A_401 = arith.subi %add3A_389, %sub3A_400 : i32
          %dma_start3A_402 = tpu.memref_slice %arg8[%sub3A_401] : memref<601600xi32, #tpu.memory_space<hbm>> -> memref<128xi32, #tpu.memory_space<hbm>>
          %dma_start3A_403 = tpu.memref_slice %arg8[%sub3A_401] : memref<601600xi32, #tpu.memory_space<hbm>> -> memref<128xi32, #tpu.memory_space<hbm>>
          tpu.enqueue_dma source(%dma_start3A_403 : memref<128xi32, #tpu.memory_space<hbm>>) target(%arg14 : memref<128xi32, #tpu.memory_space<vmem>>) target_semaphore(%arg38 : memref<!tpu.dma_semaphore, #tpu.memory_space<semaphore_mem>>)
          %dma_start3A_404 = tpu.memref_slice %arg7[%sub3A_401] : memref<601600xi32, #tpu.memory_space<hbm>> -> memref<128xi32, #tpu.memory_space<hbm>>
          %dma_start3A_405 = tpu.memref_slice %arg7[%sub3A_401] : memref<601600xi32, #tpu.memory_space<hbm>> -> memref<128xi32, #tpu.memory_space<hbm>>
          tpu.enqueue_dma source(%dma_start3A_405 : memref<128xi32, #tpu.memory_space<hbm>>) target(%arg20 : memref<128xi32, #tpu.memory_space<vmem>>) target_semaphore(%arg38 : memref<!tpu.dma_semaphore, #tpu.memory_space<semaphore_mem>>)
          %dma_start3A_406 = tpu.memref_slice %arg9[%sub3A_401] : memref<601600xf32, #tpu.memory_space<hbm>> -> memref<128xf32, #tpu.memory_space<hbm>>
          %dma_start3A_407 = tpu.memref_slice %arg9[%sub3A_401] : memref<601600xf32, #tpu.memory_space<hbm>> -> memref<128xf32, #tpu.memory_space<hbm>>
          tpu.enqueue_dma source(%dma_start3A_407 : memref<128xf32, #tpu.memory_space<hbm>>) target(%arg26 : memref<128xf32, #tpu.memory_space<vmem>>) target_semaphore(%arg38 : memref<!tpu.dma_semaphore, #tpu.memory_space<semaphore_mem>>)
        } else {
        }
      } else {
      }
      %add3A_337 = arith.constant 2 : i32
      %add3A_338 = arith.addi %add3A_324, %add3A_337 : i32
      %lt3A_339 = arith.constant 450 : i32
      %lt3A_340 = arith.cmpi slt, %add3A_338, %lt3A_339 : i32
      %convert_element_type3A_341 = arith.extui %lt3A_340 : i1 to i32
      %cond3A_342 = arith.constant 0 : i32
      %cond3A_343 = arith.cmpi ne, %convert_element_type3A_341, %cond3A_342 : i32
      scf.if %cond3A_343 {
        %dma_wait3A_385 = arith.constant 0 : i32
        %dma_wait3A_386 = tpu.memref_slice %arg5[%dma_wait3A_385] : memref<320000xi32, #tpu.memory_space<hbm>> -> memref<128xi32, #tpu.memory_space<hbm>>
        %dma_wait3A_387 = arith.constant 0 : i32
        %dma_wait3A_388 = tpu.memref_slice %arg5[%dma_wait3A_387] : memref<320000xi32, #tpu.memory_space<hbm>> -> memref<128xi32, #tpu.memory_space<hbm>>
        tpu.wait_dma2 semaphore(%arg36 : memref<!tpu.dma_semaphore, #tpu.memory_space<semaphore_mem>>) src(%dma_wait3A_388 : memref<128xi32, #tpu.memory_space<hbm>>) dst(%arg12 : memref<128xi32, #tpu.memory_space<vmem>>)
        %dma_wait3A_389 = arith.constant 0 : i32
        %dma_wait3A_390 = tpu.memref_slice %arg4[%dma_wait3A_389] : memref<320000xi32, #tpu.memory_space<hbm>> -> memref<128xi32, #tpu.memory_space<hbm>>
        %dma_wait3A_391 = arith.constant 0 : i32
        %dma_wait3A_392 = tpu.memref_slice %arg4[%dma_wait3A_391] : memref<320000xi32, #tpu.memory_space<hbm>> -> memref<128xi32, #tpu.memory_space<hbm>>
        tpu.wait_dma2 semaphore(%arg36 : memref<!tpu.dma_semaphore, #tpu.memory_space<semaphore_mem>>) src(%dma_wait3A_392 : memref<128xi32, #tpu.memory_space<hbm>>) dst(%arg18 : memref<128xi32, #tpu.memory_space<vmem>>)
        %dma_wait3A_393 = arith.constant 0 : i32
        %dma_wait3A_394 = tpu.memref_slice %arg6[%dma_wait3A_393] : memref<320000xf32, #tpu.memory_space<hbm>> -> memref<128xf32, #tpu.memory_space<hbm>>
        %dma_wait3A_395 = arith.constant 0 : i32
        %dma_wait3A_396 = tpu.memref_slice %arg6[%dma_wait3A_395] : memref<320000xf32, #tpu.memory_space<hbm>> -> memref<128xf32, #tpu.memory_space<hbm>>
        tpu.wait_dma2 semaphore(%arg36 : memref<!tpu.dma_semaphore, #tpu.memory_space<semaphore_mem>>) src(%dma_wait3A_396 : memref<128xf32, #tpu.memory_space<hbm>>) dst(%arg24 : memref<128xf32, #tpu.memory_space<vmem>>)
        %eq3A_397 = arith.constant 0 : i32
        %eq3A_398 = arith.cmpi eq, %arg0, %eq3A_397 : i32
        %convert_element_type3A_399 = arith.extui %eq3A_398 : i1 to i32
        %cond3A_400 = arith.constant 0 : i32
        %cond3A_401 = arith.cmpi ne, %convert_element_type3A_399, %cond3A_400 : i32
        scf.if %cond3A_401 {
          %dma_start3A_407 = arith.constant 0 : i32
          %dma_start3A_408 = arith.constant 0 : i32
          %dma_start3A_409 = tpu.memref_slice %arg2[%dma_start3A_407, %dma_start3A_408] : memref<10000x64xbf16, #tpu.memory_space<hbm>> -> memref<10000x64xbf16, #tpu.memory_space<hbm>>
          tpu.enqueue_indirect_dma source(%dma_start3A_409 : memref<10000x64xbf16, #tpu.memory_space<hbm>>) target(%arg30 : memref<128x64xbf16, #tpu.memory_space<vmem>>) offsets(%arg12 : memref<128xi32, #tpu.memory_space<vmem>>) semaphore(%arg42 : memref<!tpu.dma_semaphore, #tpu.memory_space<semaphore_mem>>)
        } else {
        }
        %eq3A_402 = arith.constant 1 : i32
        %eq3A_403 = arith.cmpi eq, %arg0, %eq3A_402 : i32
        %convert_element_type3A_404 = arith.extui %eq3A_403 : i1 to i32
        %cond3A_405 = arith.constant 0 : i32
        %cond3A_406 = arith.cmpi ne, %convert_element_type3A_404, %cond3A_405 : i32
        scf.if %cond3A_406 {
          %dma_start3A_407 = arith.constant 0 : i32
          %dma_start3A_408 = arith.constant 0 : i32
          %dma_start3A_409 = tpu.memref_slice %arg3[%dma_start3A_407, %dma_start3A_408] : memref<10000x64xbf16, #tpu.memory_space<hbm>> -> memref<10000x64xbf16, #tpu.memory_space<hbm>>
          tpu.enqueue_indirect_dma source(%dma_start3A_409 : memref<10000x64xbf16, #tpu.memory_space<hbm>>) target(%arg30 : memref<128x64xbf16, #tpu.memory_space<vmem>>) offsets(%arg12 : memref<128xi32, #tpu.memory_space<vmem>>) semaphore(%arg42 : memref<!tpu.dma_semaphore, #tpu.memory_space<semaphore_mem>>)
        } else {
        }
      } else {
      }
      %dma_wait3A_344 = arith.constant 0 : i32
      %dma_wait3A_345 = arith.constant 0 : i32
      %dma_wait3A_346 = tpu.memref_slice %arg2[%dma_wait3A_344, %dma_wait3A_345] : memref<10000x64xbf16, #tpu.memory_space<hbm>> -> memref<10000x64xbf16, #tpu.memory_space<hbm>>
      tpu.wait_indirect_dma semaphore(%arg43 : memref<!tpu.dma_semaphore, #tpu.memory_space<semaphore_mem>>) src(%dma_wait3A_346 : memref<10000x64xbf16, #tpu.memory_space<hbm>>) dst(%arg31 : memref<128x64xbf16, #tpu.memory_space<vmem>>)
      %parallel_loop3A_347 = arith.constant 0 : i32
      %parallel_loop3A_348 = arith.constant 128 : i32
      %parallel_loop3A_349 = arith.constant 1 : i32
      scf.for %parallel_loop3A_385 = %parallel_loop3A_347 to %parallel_loop3A_348 step %parallel_loop3A_349  : i32 {
        %parallel_loop3A_386 = vector.broadcast %parallel_loop3A_385 : i32 to vector<16xi32>
        %parallel_loop3A_387 = tpu.vector_load_idx %arg28[%parallel_loop3A_386] : memref<128xf32, #tpu.memory_space<vmem>>[vector<16xi32>], vector<16xf32>,
        %parallel_loop3A_388 = arith.index_cast %parallel_loop3A_385 : i32 to index
        %parallel_loop3A_389 = arith.constant 0 : index
        %parallel_loop3A_390 = tpu.vector_load %arg31[%parallel_loop3A_388, %parallel_loop3A_389] {strides = array<i32>} : memref<128x64xbf16, #tpu.memory_space<vmem>>, vector<32xbf16>,
        %parallel_loop3A_391 = tpu.unpack_subelements %parallel_loop3A_390, 0 {pack_format = #tpu.pack_format<interleaved>} : vector<32xbf16> -> vector<16xf32>
        %parallel_loop3A_392 = tpu.unpack_subelements %parallel_loop3A_390, 1 {pack_format = #tpu.pack_format<interleaved>} : vector<32xbf16> -> vector<16xf32>
        %parallel_loop3A_393 = arith.mulf %parallel_loop3A_391, %parallel_loop3A_387 : vector<16xf32>
        %parallel_loop3A_394 = arith.index_cast %parallel_loop3A_385 : i32 to index
        %parallel_loop3A_395 = arith.constant 0 : index
        %parallel_loop3A_396 = tpu.vector_load %arg34[%parallel_loop3A_394, %parallel_loop3A_395] {strides = array<i32>} : memref<128x64xf32, #tpu.memory_space<vmem>>, vector<16xf32>,
        tpu.vector_store %arg34[%parallel_loop3A_394, %parallel_loop3A_395], %parallel_loop3A_393 {strides = array<i32>} : memref<128x64xf32, #tpu.memory_space<vmem>>, vector<16xf32>,
        %parallel_loop3A_397 = arith.mulf %parallel_loop3A_392, %parallel_loop3A_387 : vector<16xf32>
        %parallel_loop3A_398 = arith.index_cast %parallel_loop3A_385 : i32 to index
        %parallel_loop3A_399 = arith.constant 16 : index
        %parallel_loop3A_400 = tpu.vector_load %arg34[%parallel_loop3A_398, %parallel_loop3A_399] {strides = array<i32>} : memref<128x64xf32, #tpu.memory_space<vmem>>, vector<16xf32>,
        tpu.vector_store %arg34[%parallel_loop3A_398, %parallel_loop3A_399], %parallel_loop3A_397 {strides = array<i32>} : memref<128x64xf32, #tpu.memory_space<vmem>>, vector<16xf32>,
        %parallel_loop3A_401 = arith.index_cast %parallel_loop3A_385 : i32 to index
        %parallel_loop3A_402 = arith.constant 32 : index
        %parallel_loop3A_403 = tpu.vector_load %arg31[%parallel_loop3A_401, %parallel_loop3A_402] {strides = array<i32>} : memref<128x64xbf16, #tpu.memory_space<vmem>>, vector<32xbf16>,
        %parallel_loop3A_404 = tpu.unpack_subelements %parallel_loop3A_403, 0 {pack_format = #tpu.pack_format<interleaved>} : vector<32xbf16> -> vector<16xf32>
        %parallel_loop3A_405 = tpu.unpack_subelements %parallel_loop3A_403, 1 {pack_format = #tpu.pack_format<interleaved>} : vector<32xbf16> -> vector<16xf32>
        %parallel_loop3A_406 = arith.mulf %parallel_loop3A_404, %parallel_loop3A_387 : vector<16xf32>
        %parallel_loop3A_407 = arith.index_cast %parallel_loop3A_385 : i32 to index
        %parallel_loop3A_408 = arith.constant 32 : index
        %parallel_loop3A_409 = tpu.vector_load %arg34[%parallel_loop3A_407, %parallel_loop3A_408] {strides = array<i32>} : memref<128x64xf32, #tpu.memory_space<vmem>>, vector<16xf32>,
        tpu.vector_store %arg34[%parallel_loop3A_407, %parallel_loop3A_408], %parallel_loop3A_406 {strides = array<i32>} : memref<128x64xf32, #tpu.memory_space<vmem>>, vector<16xf32>,
        %parallel_loop3A_410 = arith.mulf %parallel_loop3A_405, %parallel_loop3A_387 : vector<16xf32>
        %parallel_loop3A_411 = arith.index_cast %parallel_loop3A_385 : i32 to index
        %parallel_loop3A_412 = arith.constant 48 : index
        %parallel_loop3A_413 = tpu.vector_load %arg34[%parallel_loop3A_411, %parallel_loop3A_412] {strides = array<i32>} : memref<128x64xf32, #tpu.memory_space<vmem>>, vector<16xf32>,
        tpu.vector_store %arg34[%parallel_loop3A_411, %parallel_loop3A_412], %parallel_loop3A_410 {strides = array<i32>} : memref<128x64xf32, #tpu.memory_space<vmem>>, vector<16xf32>,
      } {sc.loop_unroll_factor = 4 : i64, sc.parallel_access}
      %dma_start3A_350 = arith.constant 0 : i32
      %dma_start3A_351 = arith.constant 0 : i32
      %dma_start3A_352 = tpu.memref_slice %arg11[%dma_start3A_350, %dma_start3A_351] : memref<20096x64xf32, #tpu.memory_space<vmem_shared>> -> memref<20096x64xf32, #tpu.memory_space<vmem_shared>>
      tpu.enqueue_indirect_dma source(%arg34 : memref<128x64xf32, #tpu.memory_space<vmem>>) target(%dma_start3A_352 : memref<20096x64xf32, #tpu.memory_space<vmem_shared>>) offsets(%arg22 : memref<128xi32, #tpu.memory_space<vmem>>) semaphore(%arg46 : memref<!tpu.dma_semaphore, #tpu.memory_space<semaphore_mem>>) {add = true}
      %mul3A_353 = arith.constant 6 : i32
      %mul3A_354 = arith.muli %scan3A_194, %mul3A_353 : i32
      %add3A_355 = arith.constant 5 : i32
      %add3A_356 = arith.addi %mul3A_354, %add3A_355 : i32
      %ge3A_357 = arith.constant 2 : i32
      %ge3A_358 = arith.cmpi sge, %add3A_356, %ge3A_357 : i32
      %convert_element_type3A_359 = arith.extui %ge3A_358 : i1 to i32
      %cond3A_360 = arith.constant 0 : i32
      %cond3A_361 = arith.cmpi ne, %convert_element_type3A_359, %cond3A_360 : i32
      scf.if %cond3A_361 {
        %dma_wait3A_385 = arith.constant 0 : i32
        %dma_wait3A_386 = arith.constant 0 : i32
        %dma_wait3A_387 = tpu.memref_slice %arg11[%dma_wait3A_385, %dma_wait3A_386] : memref<20096x64xf32, #tpu.memory_space<vmem_shared>> -> memref<20096x64xf32, #tpu.memory_space<vmem_shared>>
        tpu.wait_indirect_dma semaphore(%arg45 : memref<!tpu.dma_semaphore, #tpu.memory_space<semaphore_mem>>) src(%arg33 : memref<128x64xf32, #tpu.memory_space<vmem>>) dst(%dma_wait3A_387 : memref<20096x64xf32, #tpu.memory_space<vmem_shared>>)
      } else {
      }
      %add3A_362 = arith.constant 4 : i32
      %add3A_363 = arith.addi %add3A_356, %add3A_362 : i32
      %lt3A_364 = arith.constant 450 : i32
      %lt3A_365 = arith.cmpi slt, %add3A_363, %lt3A_364 : i32
      %convert_element_type3A_366 = arith.extui %lt3A_365 : i1 to i32
      %cond3A_367 = arith.constant 0 : i32
      %cond3A_368 = arith.cmpi ne, %convert_element_type3A_366, %cond3A_367 : i32
      scf.if %cond3A_368 {
        %add3A_385 = arith.constant 4 : i32
        %add3A_386 = arith.addi %add3A_356, %add3A_385 : i32
        %mul3A_387 = arith.constant 128 : i32
        %mul3A_388 = arith.muli %add3A_386, %mul3A_387 : i32
        %add3A_389 = arith.addi %mul3A_0, %mul3A_388 : i32
        %lt3A_390 = arith.constant 320000 : i32
        %lt3A_391 = arith.cmpi slt, %add3A_389, %lt3A_390 : i32
        %convert_element_type3A_392 = arith.extui %lt3A_391 : i1 to i32
        %cond3A_393 = arith.constant 0 : i32
        %cond3A_394 = arith.cmpi ne, %convert_element_type3A_392, %cond3A_393 : i32
        scf.if %cond3A_394 {
          %dma_start3A_400 = tpu.memref_slice %arg5[%add3A_389] : memref<320000xi32, #tpu.memory_space<hbm>> -> memref<128xi32, #tpu.memory_space<hbm>>
          %dma_start3A_401 = tpu.memref_slice %arg5[%add3A_389] : memref<320000xi32, #tpu.memory_space<hbm>> -> memref<128xi32, #tpu.memory_space<hbm>>
          tpu.enqueue_dma source(%dma_start3A_401 : memref<128xi32, #tpu.memory_space<hbm>>) target(%arg15 : memref<128xi32, #tpu.memory_space<vmem>>) target_semaphore(%arg39 : memref<!tpu.dma_semaphore, #tpu.memory_space<semaphore_mem>>)
          %dma_start3A_402 = tpu.memref_slice %arg4[%add3A_389] : memref<320000xi32, #tpu.memory_space<hbm>> -> memref<128xi32, #tpu.memory_space<hbm>>
          %dma_start3A_403 = tpu.memref_slice %arg4[%add3A_389] : memref<320000xi32, #tpu.memory_space<hbm>> -> memref<128xi32, #tpu.memory_space<hbm>>
          tpu.enqueue_dma source(%dma_start3A_403 : memref<128xi32, #tpu.memory_space<hbm>>) target(%arg21 : memref<128xi32, #tpu.memory_space<vmem>>) target_semaphore(%arg39 : memref<!tpu.dma_semaphore, #tpu.memory_space<semaphore_mem>>)
          %dma_start3A_404 = tpu.memref_slice %arg6[%add3A_389] : memref<320000xf32, #tpu.memory_space<hbm>> -> memref<128xf32, #tpu.memory_space<hbm>>
          %dma_start3A_405 = tpu.memref_slice %arg6[%add3A_389] : memref<320000xf32, #tpu.memory_space<hbm>> -> memref<128xf32, #tpu.memory_space<hbm>>
          tpu.enqueue_dma source(%dma_start3A_405 : memref<128xf32, #tpu.memory_space<hbm>>) target(%arg27 : memref<128xf32, #tpu.memory_space<vmem>>) target_semaphore(%arg39 : memref<!tpu.dma_semaphore, #tpu.memory_space<semaphore_mem>>)
        } else {
        }
        %ge3A_395 = arith.constant 320000 : i32
        %ge3A_396 = arith.cmpi sge, %add3A_389, %ge3A_395 : i32
        %convert_element_type3A_397 = arith.extui %ge3A_396 : i1 to i32
        %cond3A_398 = arith.constant 0 : i32
        %cond3A_399 = arith.cmpi ne, %convert_element_type3A_397, %cond3A_398 : i32
        scf.if %cond3A_399 {
          %sub3A_400 = arith.constant 320000 : i32
          %sub3A_401 = arith.subi %add3A_389, %sub3A_400 : i32
          %dma_start3A_402 = tpu.memref_slice %arg8[%sub3A_401] : memref<601600xi32, #tpu.memory_space<hbm>> -> memref<128xi32, #tpu.memory_space<hbm>>
          %dma_start3A_403 = tpu.memref_slice %arg8[%sub3A_401] : memref<601600xi32, #tpu.memory_space<hbm>> -> memref<128xi32, #tpu.memory_space<hbm>>
          tpu.enqueue_dma source(%dma_start3A_403 : memref<128xi32, #tpu.memory_space<hbm>>) target(%arg15 : memref<128xi32, #tpu.memory_space<vmem>>) target_semaphore(%arg39 : memref<!tpu.dma_semaphore, #tpu.memory_space<semaphore_mem>>)
          %dma_start3A_404 = tpu.memref_slice %arg7[%sub3A_401] : memref<601600xi32, #tpu.memory_space<hbm>> -> memref<128xi32, #tpu.memory_space<hbm>>
          %dma_start3A_405 = tpu.memref_slice %arg7[%sub3A_401] : memref<601600xi32, #tpu.memory_space<hbm>> -> memref<128xi32, #tpu.memory_space<hbm>>
          tpu.enqueue_dma source(%dma_start3A_405 : memref<128xi32, #tpu.memory_space<hbm>>) target(%arg21 : memref<128xi32, #tpu.memory_space<vmem>>) target_semaphore(%arg39 : memref<!tpu.dma_semaphore, #tpu.memory_space<semaphore_mem>>)
          %dma_start3A_406 = tpu.memref_slice %arg9[%sub3A_401] : memref<601600xf32, #tpu.memory_space<hbm>> -> memref<128xf32, #tpu.memory_space<hbm>>
          %dma_start3A_407 = tpu.memref_slice %arg9[%sub3A_401] : memref<601600xf32, #tpu.memory_space<hbm>> -> memref<128xf32, #tpu.memory_space<hbm>>
          tpu.enqueue_dma source(%dma_start3A_407 : memref<128xf32, #tpu.memory_space<hbm>>) target(%arg27 : memref<128xf32, #tpu.memory_space<vmem>>) target_semaphore(%arg39 : memref<!tpu.dma_semaphore, #tpu.memory_space<semaphore_mem>>)
        } else {
        }
      } else {
      }
      %add3A_369 = arith.constant 2 : i32
      %add3A_370 = arith.addi %add3A_356, %add3A_369 : i32
      %lt3A_371 = arith.constant 450 : i32
      %lt3A_372 = arith.cmpi slt, %add3A_370, %lt3A_371 : i32
      %convert_element_type3A_373 = arith.extui %lt3A_372 : i1 to i32
      %cond3A_374 = arith.constant 0 : i32
      %cond3A_375 = arith.cmpi ne, %convert_element_type3A_373, %cond3A_374 : i32
      scf.if %cond3A_375 {
        %dma_wait3A_385 = arith.constant 0 : i32
        %dma_wait3A_386 = tpu.memref_slice %arg5[%dma_wait3A_385] : memref<320000xi32, #tpu.memory_space<hbm>> -> memref<128xi32, #tpu.memory_space<hbm>>
        %dma_wait3A_387 = arith.constant 0 : i32
        %dma_wait3A_388 = tpu.memref_slice %arg5[%dma_wait3A_387] : memref<320000xi32, #tpu.memory_space<hbm>> -> memref<128xi32, #tpu.memory_space<hbm>>
        tpu.wait_dma2 semaphore(%arg37 : memref<!tpu.dma_semaphore, #tpu.memory_space<semaphore_mem>>) src(%dma_wait3A_388 : memref<128xi32, #tpu.memory_space<hbm>>) dst(%arg13 : memref<128xi32, #tpu.memory_space<vmem>>)
        %dma_wait3A_389 = arith.constant 0 : i32
        %dma_wait3A_390 = tpu.memref_slice %arg4[%dma_wait3A_389] : memref<320000xi32, #tpu.memory_space<hbm>> -> memref<128xi32, #tpu.memory_space<hbm>>
        %dma_wait3A_391 = arith.constant 0 : i32
        %dma_wait3A_392 = tpu.memref_slice %arg4[%dma_wait3A_391] : memref<320000xi32, #tpu.memory_space<hbm>> -> memref<128xi32, #tpu.memory_space<hbm>>
        tpu.wait_dma2 semaphore(%arg37 : memref<!tpu.dma_semaphore, #tpu.memory_space<semaphore_mem>>) src(%dma_wait3A_392 : memref<128xi32, #tpu.memory_space<hbm>>) dst(%arg19 : memref<128xi32, #tpu.memory_space<vmem>>)
        %dma_wait3A_393 = arith.constant 0 : i32
        %dma_wait3A_394 = tpu.memref_slice %arg6[%dma_wait3A_393] : memref<320000xf32, #tpu.memory_space<hbm>> -> memref<128xf32, #tpu.memory_space<hbm>>
        %dma_wait3A_395 = arith.constant 0 : i32
        %dma_wait3A_396 = tpu.memref_slice %arg6[%dma_wait3A_395] : memref<320000xf32, #tpu.memory_space<hbm>> -> memref<128xf32, #tpu.memory_space<hbm>>
        tpu.wait_dma2 semaphore(%arg37 : memref<!tpu.dma_semaphore, #tpu.memory_space<semaphore_mem>>) src(%dma_wait3A_396 : memref<128xf32, #tpu.memory_space<hbm>>) dst(%arg25 : memref<128xf32, #tpu.memory_space<vmem>>)
        %eq3A_397 = arith.constant 0 : i32
        %eq3A_398 = arith.cmpi eq, %arg0, %eq3A_397 : i32
        %convert_element_type3A_399 = arith.extui %eq3A_398 : i1 to i32
        %cond3A_400 = arith.constant 0 : i32
        %cond3A_401 = arith.cmpi ne, %convert_element_type3A_399, %cond3A_400 : i32
        scf.if %cond3A_401 {
          %dma_start3A_407 = arith.constant 0 : i32
          %dma_start3A_408 = arith.constant 0 : i32
          %dma_start3A_409 = tpu.memref_slice %arg2[%dma_start3A_407, %dma_start3A_408] : memref<10000x64xbf16, #tpu.memory_space<hbm>> -> memref<10000x64xbf16, #tpu.memory_space<hbm>>
          tpu.enqueue_indirect_dma source(%dma_start3A_409 : memref<10000x64xbf16, #tpu.memory_space<hbm>>) target(%arg31 : memref<128x64xbf16, #tpu.memory_space<vmem>>) offsets(%arg13 : memref<128xi32, #tpu.memory_space<vmem>>) semaphore(%arg43 : memref<!tpu.dma_semaphore, #tpu.memory_space<semaphore_mem>>)
        } else {
        }
        %eq3A_402 = arith.constant 1 : i32
        %eq3A_403 = arith.cmpi eq, %arg0, %eq3A_402 : i32
        %convert_element_type3A_404 = arith.extui %eq3A_403 : i1 to i32
        %cond3A_405 = arith.constant 0 : i32
        %cond3A_406 = arith.cmpi ne, %convert_element_type3A_404, %cond3A_405 : i32
        scf.if %cond3A_406 {
          %dma_start3A_407 = arith.constant 0 : i32
          %dma_start3A_408 = arith.constant 0 : i32
          %dma_start3A_409 = tpu.memref_slice %arg3[%dma_start3A_407, %dma_start3A_408] : memref<10000x64xbf16, #tpu.memory_space<hbm>> -> memref<10000x64xbf16, #tpu.memory_space<hbm>>
          tpu.enqueue_indirect_dma source(%dma_start3A_409 : memref<10000x64xbf16, #tpu.memory_space<hbm>>) target(%arg31 : memref<128x64xbf16, #tpu.memory_space<vmem>>) offsets(%arg13 : memref<128xi32, #tpu.memory_space<vmem>>) semaphore(%arg43 : memref<!tpu.dma_semaphore, #tpu.memory_space<semaphore_mem>>)
        } else {
        }
      } else {
      }
      %dma_wait3A_376 = arith.constant 0 : i32
      %dma_wait3A_377 = arith.constant 0 : i32
      %dma_wait3A_378 = tpu.memref_slice %arg2[%dma_wait3A_376, %dma_wait3A_377] : memref<10000x64xbf16, #tpu.memory_space<hbm>> -> memref<10000x64xbf16, #tpu.memory_space<hbm>>
      tpu.wait_indirect_dma semaphore(%arg44 : memref<!tpu.dma_semaphore, #tpu.memory_space<semaphore_mem>>) src(%dma_wait3A_378 : memref<10000x64xbf16, #tpu.memory_space<hbm>>) dst(%arg32 : memref<128x64xbf16, #tpu.memory_space<vmem>>)
      %parallel_loop3A_379 = arith.constant 0 : i32
      %parallel_loop3A_380 = arith.constant 128 : i32
      %parallel_loop3A_381 = arith.constant 1 : i32
      scf.for %parallel_loop3A_385 = %parallel_loop3A_379 to %parallel_loop3A_380 step %parallel_loop3A_381  : i32 {
        %parallel_loop3A_386 = vector.broadcast %parallel_loop3A_385 : i32 to vector<16xi32>
        %parallel_loop3A_387 = tpu.vector_load_idx %arg29[%parallel_loop3A_386] : memref<128xf32, #tpu.memory_space<vmem>>[vector<16xi32>], vector<16xf32>,
        %parallel_loop3A_388 = arith.index_cast %parallel_loop3A_385 : i32 to index
        %parallel_loop3A_389 = arith.constant 0 : index
        %parallel_loop3A_390 = tpu.vector_load %arg32[%parallel_loop3A_388, %parallel_loop3A_389] {strides = array<i32>} : memref<128x64xbf16, #tpu.memory_space<vmem>>, vector<32xbf16>,
        %parallel_loop3A_391 = tpu.unpack_subelements %parallel_loop3A_390, 0 {pack_format = #tpu.pack_format<interleaved>} : vector<32xbf16> -> vector<16xf32>
        %parallel_loop3A_392 = tpu.unpack_subelements %parallel_loop3A_390, 1 {pack_format = #tpu.pack_format<interleaved>} : vector<32xbf16> -> vector<16xf32>
        %parallel_loop3A_393 = arith.mulf %parallel_loop3A_391, %parallel_loop3A_387 : vector<16xf32>
        %parallel_loop3A_394 = arith.index_cast %parallel_loop3A_385 : i32 to index
        %parallel_loop3A_395 = arith.constant 0 : index
        %parallel_loop3A_396 = tpu.vector_load %arg35[%parallel_loop3A_394, %parallel_loop3A_395] {strides = array<i32>} : memref<128x64xf32, #tpu.memory_space<vmem>>, vector<16xf32>,
        tpu.vector_store %arg35[%parallel_loop3A_394, %parallel_loop3A_395], %parallel_loop3A_393 {strides = array<i32>} : memref<128x64xf32, #tpu.memory_space<vmem>>, vector<16xf32>,
        %parallel_loop3A_397 = arith.mulf %parallel_loop3A_392, %parallel_loop3A_387 : vector<16xf32>
        %parallel_loop3A_398 = arith.index_cast %parallel_loop3A_385 : i32 to index
        %parallel_loop3A_399 = arith.constant 16 : index
        %parallel_loop3A_400 = tpu.vector_load %arg35[%parallel_loop3A_398, %parallel_loop3A_399] {strides = array<i32>} : memref<128x64xf32, #tpu.memory_space<vmem>>, vector<16xf32>,
        tpu.vector_store %arg35[%parallel_loop3A_398, %parallel_loop3A_399], %parallel_loop3A_397 {strides = array<i32>} : memref<128x64xf32, #tpu.memory_space<vmem>>, vector<16xf32>,
        %parallel_loop3A_401 = arith.index_cast %parallel_loop3A_385 : i32 to index
        %parallel_loop3A_402 = arith.constant 32 : index
        %parallel_loop3A_403 = tpu.vector_load %arg32[%parallel_loop3A_401, %parallel_loop3A_402] {strides = array<i32>} : memref<128x64xbf16, #tpu.memory_space<vmem>>, vector<32xbf16>,
        %parallel_loop3A_404 = tpu.unpack_subelements %parallel_loop3A_403, 0 {pack_format = #tpu.pack_format<interleaved>} : vector<32xbf16> -> vector<16xf32>
        %parallel_loop3A_405 = tpu.unpack_subelements %parallel_loop3A_403, 1 {pack_format = #tpu.pack_format<interleaved>} : vector<32xbf16> -> vector<16xf32>
        %parallel_loop3A_406 = arith.mulf %parallel_loop3A_404, %parallel_loop3A_387 : vector<16xf32>
        %parallel_loop3A_407 = arith.index_cast %parallel_loop3A_385 : i32 to index
        %parallel_loop3A_408 = arith.constant 32 : index
        %parallel_loop3A_409 = tpu.vector_load %arg35[%parallel_loop3A_407, %parallel_loop3A_408] {strides = array<i32>} : memref<128x64xf32, #tpu.memory_space<vmem>>, vector<16xf32>,
        tpu.vector_store %arg35[%parallel_loop3A_407, %parallel_loop3A_408], %parallel_loop3A_406 {strides = array<i32>} : memref<128x64xf32, #tpu.memory_space<vmem>>, vector<16xf32>,
        %parallel_loop3A_410 = arith.mulf %parallel_loop3A_405, %parallel_loop3A_387 : vector<16xf32>
        %parallel_loop3A_411 = arith.index_cast %parallel_loop3A_385 : i32 to index
        %parallel_loop3A_412 = arith.constant 48 : index
        %parallel_loop3A_413 = tpu.vector_load %arg35[%parallel_loop3A_411, %parallel_loop3A_412] {strides = array<i32>} : memref<128x64xf32, #tpu.memory_space<vmem>>, vector<16xf32>,
        tpu.vector_store %arg35[%parallel_loop3A_411, %parallel_loop3A_412], %parallel_loop3A_410 {strides = array<i32>} : memref<128x64xf32, #tpu.memory_space<vmem>>, vector<16xf32>,
      } {sc.loop_unroll_factor = 4 : i64, sc.parallel_access}
      %dma_start3A_382 = arith.constant 0 : i32
      %dma_start3A_383 = arith.constant 0 : i32
      %dma_start3A_384 = tpu.memref_slice %arg11[%dma_start3A_382, %dma_start3A_383] : memref<20096x64xf32, #tpu.memory_space<vmem_shared>> -> memref<20096x64xf32, #tpu.memory_space<vmem_shared>>
      tpu.enqueue_indirect_dma source(%arg35 : memref<128x64xf32, #tpu.memory_space<vmem>>) target(%dma_start3A_384 : memref<20096x64xf32, #tpu.memory_space<vmem_shared>>) offsets(%arg23 : memref<128xi32, #tpu.memory_space<vmem>>) semaphore(%arg47 : memref<!tpu.dma_semaphore, #tpu.memory_space<semaphore_mem>>) {add = true}
    }
    %scan3A_137 = arith.constant 75 : i32
    %dma_wait3A_138 = arith.constant 0 : i32
    %dma_wait3A_139 = arith.constant 0 : i32
    %dma_wait3A_140 = tpu.memref_slice %arg11[%dma_wait3A_138, %dma_wait3A_139] : memref<20096x64xf32, #tpu.memory_space<vmem_shared>> -> memref<20096x64xf32, #tpu.memory_space<vmem_shared>>
    tpu.wait_indirect_dma semaphore(%arg46 : memref<!tpu.dma_semaphore, #tpu.memory_space<semaphore_mem>>) src(%arg34 : memref<128x64xf32, #tpu.memory_space<vmem>>) dst(%dma_wait3A_140 : memref<20096x64xf32, #tpu.memory_space<vmem_shared>>)
    %dma_wait3A_141 = arith.constant 0 : i32
    %dma_wait3A_142 = arith.constant 0 : i32
    %dma_wait3A_143 = tpu.memref_slice %arg11[%dma_wait3A_141, %dma_wait3A_142] : memref<20096x64xf32, #tpu.memory_space<vmem_shared>> -> memref<20096x64xf32, #tpu.memory_space<vmem_shared>>
    tpu.wait_indirect_dma semaphore(%arg47 : memref<!tpu.dma_semaphore, #tpu.memory_space<semaphore_mem>>) src(%arg35 : memref<128x64xf32, #tpu.memory_space<vmem>>) dst(%dma_wait3A_143 : memref<20096x64xf32, #tpu.memory_space<vmem_shared>>)
    %barrier3A_144 = arith.constant 0 : index
    tpu.barrier barrier_id(%barrier3A_144)
    %jit3A = arith.constant 8 : i32
    %div3A = arith.divsi %arg1, %jit3A : i32
    %sign3A = arith.constant 0 : i32
    %sign3A_145 = arith.cmpi sgt, %arg1, %sign3A : i32
    %sign3A_146 = arith.extui %sign3A_145 : i1 to i32
    %sign3A_147 = arith.constant 0 : i32
    %sign3A_148 = arith.cmpi slt, %arg1, %sign3A_147 : i32
    %sign3A_149 = arith.extui %sign3A_148 : i1 to i32
    %sign3A_150 = arith.subi %sign3A_146, %sign3A_149 : i32
    %sign3A_151 = arith.constant 0 : i32
    %sign3A_152 = arith.cmpi sgt, %jit3A, %sign3A_151 : i32
    %sign3A_153 = arith.extui %sign3A_152 : i1 to i32
    %sign3A_154 = arith.constant 0 : i32
    %sign3A_155 = arith.cmpi slt, %jit3A, %sign3A_154 : i32
    %sign3A_156 = arith.extui %sign3A_155 : i1 to i32
    %sign3A_157 = arith.subi %sign3A_153, %sign3A_156 : i32
    %ne3A = arith.cmpi ne, %sign3A_150, %sign3A_157 : i32
    %rem3A = arith.remsi %arg1, %jit3A : i32
    %ne3A_158 = arith.constant 0 : i32
    %ne3A_159 = arith.cmpi ne, %rem3A, %ne3A_158 : i32
    %and3A = arith.andi %ne3A, %ne3A_159 : i1
    %sub3A = arith.constant 1 : i32
    %sub3A_160 = arith.subi %div3A, %sub3A : i32
    %select_n3A = arith.select %and3A, %sub3A_160, %div3A : i32
    %jit3A_161 = arith.constant 8 : i32
    %eq3A_162 = arith.constant 0 : i32
    %eq3A_163 = arith.cmpi eq, %jit3A_161, %eq3A_162 : i32
    %jit3A_164 = arith.constant 1 : i32
    %select_n3A_165 = arith.select %eq3A_163, %jit3A_164, %jit3A_161 : i32
    %rem3A_166 = arith.remsi %arg1, %select_n3A_165 : i32
    %ne3A_167 = arith.constant 0 : i32
    %ne3A_168 = arith.cmpi ne, %rem3A_166, %ne3A_167 : i32
    %lt3A_169 = arith.constant 0 : i32
    %lt3A_170 = arith.cmpi slt, %rem3A_166, %lt3A_169 : i32
    %lt3A_171 = arith.constant 0 : i32
    %lt3A_172 = arith.cmpi slt, %select_n3A_165, %lt3A_171 : i32
    %ne3A_173 = arith.xori %lt3A_170, %lt3A_172 : i1
    %and3A_174 = arith.andi %ne3A_173, %ne3A_168 : i1
    %add3A_175 = arith.addi %rem3A_166, %select_n3A_165 : i32
    %select_n3A_176 = arith.select %and3A_174, %add3A_175, %rem3A_166 : i32
    %mul3A_177 = arith.constant 1256 : i32
    %mul3A_178 = arith.muli %select_n3A_176, %mul3A_177 : i32
    %mul3A_179 = arith.constant 2 : i32
    %mul3A_180 = arith.muli %mul3A_179, %select_n3A : i32
    %add3A_181 = arith.addi %mul3A_180, %arg0 : i32
    %mul3A_182 = arith.constant 64 : i32
    %mul3A_183 = arith.muli %add3A_181, %mul3A_182 : i32
    %lt3A_184 = arith.constant 7 : i32
    %lt3A_185 = arith.cmpi slt, %select_n3A_176, %lt3A_184 : i32
    %convert_element_type3A_186 = arith.extui %lt3A_185 : i1 to i32
    %cond3A_187 = arith.constant 0 : i32
    %cond3A_188 = arith.cmpi ne, %convert_element_type3A_186, %cond3A_187 : i32
    scf.if %cond3A_188 {
      %mul3A_194 = arith.constant 10048 : i32
      %mul3A_195 = arith.muli %select_n3A, %mul3A_194 : i32
      %add3A_196 = arith.addi %mul3A_195, %mul3A_178 : i32
      "tpu.region"() ({
        %run_scoped3A = tpu.sem_alloc : memref<!tpu.dma_semaphore, #tpu.memory_space<semaphore_mem>>
        %dma_start3A = tpu.memref_slice %arg10[%mul3A_178, %mul3A_183] : memref<10000x256xf32, #tpu.memory_space<hbm>> -> memref<1256x64xf32, #tpu.memory_space<hbm>>
        %dma_start3A_197 = arith.constant 0 : i32
        %dma_start3A_198 = tpu.memref_slice %arg11[%add3A_196, %dma_start3A_197] : memref<20096x64xf32, #tpu.memory_space<vmem_shared>> -> memref<1256x64xf32, #tpu.memory_space<vmem_shared>>
        tpu.enqueue_dma source(%dma_start3A_198 : memref<1256x64xf32, #tpu.memory_space<vmem_shared>>) target(%dma_start3A : memref<1256x64xf32, #tpu.memory_space<hbm>>) target_semaphore(%run_scoped3A : memref<!tpu.dma_semaphore, #tpu.memory_space<semaphore_mem>>)
        %dma_wait3A_199 = tpu.memref_slice %arg10[%mul3A_178, %mul3A_183] : memref<10000x256xf32, #tpu.memory_space<hbm>> -> memref<1256x64xf32, #tpu.memory_space<hbm>>
        %dma_wait3A_200 = arith.constant 0 : i32
        %dma_wait3A_201 = tpu.memref_slice %arg11[%add3A_196, %dma_wait3A_200] : memref<20096x64xf32, #tpu.memory_space<vmem_shared>> -> memref<1256x64xf32, #tpu.memory_space<vmem_shared>>
        tpu.wait_dma2 semaphore(%run_scoped3A : memref<!tpu.dma_semaphore, #tpu.memory_space<semaphore_mem>>) src(%dma_wait3A_201 : memref<1256x64xf32, #tpu.memory_space<vmem_shared>>) dst(%dma_wait3A_199 : memref<1256x64xf32, #tpu.memory_space<hbm>>)
        tpu.yield
      }) : () -> ()
    } else {
    }
    %eq3A_189 = arith.constant 7 : i32
    %eq3A_190 = arith.cmpi eq, %select_n3A_176, %eq3A_189 : i32
    %convert_element_type3A_191 = arith.extui %eq3A_190 : i1 to i32
    %cond3A_192 = arith.constant 0 : i32
    %cond3A_193 = arith.cmpi ne, %convert_element_type3A_191, %cond3A_192 : i32
    scf.if %cond3A_193 {
      %mul3A_194 = arith.constant 10048 : i32
      %mul3A_195 = arith.muli %select_n3A, %mul3A_194 : i32
      %add3A_196 = arith.addi %mul3A_195, %mul3A_178 : i32
      "tpu.region"() ({
        %run_scoped3A = tpu.sem_alloc : memref<!tpu.dma_semaphore, #tpu.memory_space<semaphore_mem>>
        %dma_start3A = tpu.memref_slice %arg10[%mul3A_178, %mul3A_183] : memref<10000x256xf32, #tpu.memory_space<hbm>> -> memref<1208x64xf32, #tpu.memory_space<hbm>>
        %dma_start3A_197 = arith.constant 0 : i32
        %dma_start3A_198 = tpu.memref_slice %arg11[%add3A_196, %dma_start3A_197] : memref<20096x64xf32, #tpu.memory_space<vmem_shared>> -> memref<1208x64xf32, #tpu.memory_space<vmem_shared>>
        tpu.enqueue_dma source(%dma_start3A_198 : memref<1208x64xf32, #tpu.memory_space<vmem_shared>>) target(%dma_start3A : memref<1208x64xf32, #tpu.memory_space<hbm>>) target_semaphore(%run_scoped3A : memref<!tpu.dma_semaphore, #tpu.memory_space<semaphore_mem>>)
        %dma_wait3A_199 = tpu.memref_slice %arg10[%mul3A_178, %mul3A_183] : memref<10000x256xf32, #tpu.memory_space<hbm>> -> memref<1208x64xf32, #tpu.memory_space<hbm>>
        %dma_wait3A_200 = arith.constant 0 : i32
        %dma_wait3A_201 = tpu.memref_slice %arg11[%add3A_196, %dma_wait3A_200] : memref<20096x64xf32, #tpu.memory_space<vmem_shared>> -> memref<1208x64xf32, #tpu.memory_space<vmem_shared>>
        tpu.wait_dma2 semaphore(%run_scoped3A : memref<!tpu.dma_semaphore, #tpu.memory_space<semaphore_mem>>) src(%dma_wait3A_201 : memref<1208x64xf32, #tpu.memory_space<vmem_shared>>) dst(%dma_wait3A_199 : memref<1208x64xf32, #tpu.memory_space<hbm>>)
        tpu.yield
      }) : () -> ()
    } else {
    }
    return
  }
}

</mosaic_0001>

<sc_bundles>
// kernel: kernel.3.cloned.1.call-start
scs
__scs_entry_jumppad:
0x0: {  	(pc) =	sbr.rel $0x88, $3  }
0x1: {  	(tag) =	ssettag $0x0;
	lr =	simm.s32 $0x1  }
0x2: {  	[smem:$0x3F9C] =	sst lr;
	_ =	strace $0xD0000000  }
0x3: {  	_ = 	snop  }
0x4: {  	_ = 	snop  }
0x5: {  	_ = 	snop  }
0x6: {  	_ = 	snop  }
0x7: {  	_ = 	snop  }
__scs_overlays_trampoline_lowered:
0x8: {  	[smem:$0x3FAB] =	sst s0  }
0x9: {  	[smem:$0x3FAC] =	sst s1  }
0xa: {  	[smem:$0x3FAD] =	sst s2  }
0xb: {  	[smem:$0x3FAE] =	sst s3  }
0xc: {  	[smem:$0x3FAF] =	sst s4  }
0xd: {  	[smem:$0x3FB0] =	sst s5  }
0xe: {  	[smem:$0x3FB1] =	sst s6  }
0xf: {  	[smem:$0x3FB2] =	sst s7  }
0x10: {  	[smem:$0x3FB3] =	sst s8  }
0x11: {  	[smem:$0x3FB4] =	sst s9;
	s0 =	simm.s32 @!p0 $0x0  }
0x12: {  	s1 =	sld [smem:$0x3F9A];
	s0 =	simm.s32 @p0 $0x1  }
0x13: {  	[smem:$0x3FB5] =	sst s0;
	s0 =	simm.s32 @!p1 $0x0  }
0x14: {  	s2 =	sld [smem:$0x3F99];
	s0 =	simm.s32 @p1 $0x1  }
0x15: {  	[smem:$0x3FB6] =	sst s0;
	s0 =	simm.s32 @!p2 $0x0  }
0x16: {  	s3 =	sld [smem:$0x3FDB];
	s0 =	simm.s32 @p2 $0x1  }
0x17: {  	s4 =	simm.s32 $0x1BF5;
	[smem:$0x3FB8] =	sst s0  }
0x18: {  	s0 =	sld [smem:$0x3F9B];
	_ =	swait.ge [sflag:s4], $0x0  }
0x19: {  	s7 =	sld [smem:$0x3F9C]  }
0x1a: {  	s8 =	sadd.s32 $0xFFFFE003, lr  }
0x1b: {  	s9 =	sadd.s32 $0xFFFFFEF7, lr;
	s5 =	simm.s32 $0xFFFFFFFF;
	p2 =	slt.u32 s8, $0xFFFFF086  }
0x1c: {  	p1 =	slt.u32 s9, $0xF7A;
	s5 =	simm.s32 @!p2 $0x0  }
0x1d: {  	s5 =	simm.s32 @p1 $0x1;
	p0 =	seq.s32 s7, s2  }
0x1e: {  	s7 =	smul.u32 @!p0 $0xF7A, s2;
	p2 =	seq.s32 @!p0 s5, $0x0  }
0x1f: {  	s9 =	smul.u32 $0xF7A, s1;
	s8 =	simm.s32 @!p0 $0x1BF5;
	p2 =	por !p2, p0  }
0x20: {  	[sflag:s8] =	ssyncset.s32 @!p0 $0xFFFFF086;
	s6 =	sadd.s32 @!p0 s3, s7;
	s7 =	simm.s32 @!p0 $0x108  }
0x21: {  	s3 =	sadd.s32 s3, s9;
	s6 =	sadd.s32 @!p0 $0x88, s6;
	s7 =	simm.s32 @p2 $0x1082  }
0x22: {  	[simem:s7], [sflag:s8] =	dma.local @!p0 [hbm:s6], $0xF7A  }
0x23: {  	s9 =	sor.u32 $0xD0000000, s2;
	s6 =	simm.s32 $0x108;
	_ =	swait.ge @!p0 [sflag:s8], $0x0  }
0x24: {  	s3 =	sadd.s32 $0x88, s3;
	s6 =	simm.s32 @!p1 $0x1082;
	[sflag:s4] =	ssyncset.s32 $0xFFFFF086  }
0x25: {  	[simem:s6], [sflag:s4] =	dma.local [hbm:s3], $0xF7A  }
0x26: {  	[smem:$0x3F9C] =	sst s1;
	(tag) =	ssettag s2;
	_ =	strace s9  }
0x27: {  	s1 =	sld [smem:$0x3FAC]  }
0x28: {  	s2 =	sld [smem:$0x3FAD]  }
0x29: {  	s4 =	sld [smem:$0x3FAF]  }
0x2a: {  	p0 =	seq.s32 s5, $0x0;
	s5 =	sld [smem:$0x3FB0]  }
0x2b: {  	s6 =	sld [smem:$0x3FB1]  }
0x2c: {  	s7 =	sld [smem:$0x3FB2]  }
0x2d: {  	s3 =	simm.s32 $0x108;
	s8 =	sld [smem:$0x3FB3]  }
0x2e: {  	s3 =	simm.s32 @!p0 $0x1082;
	s9 =	sld [smem:$0x3FB4]  }
0x2f: {  	lr =	sadd.s32 s0, s3;
	s0 =	sld [smem:$0x3FAB]  }
0x30: {  	s3 =	sld [smem:$0x3FAE]  }
0x31: {  	[smem:$0x3FB7] =	sst s10  }
0x32: {  	s10 =	sld [smem:$0x3FB5];
	_ =	sdelay $0x3  }
0x33: {  	p0 =	seq.s32 s10, $0x1;
	s10 =	sld [smem:$0x3FB7];
	_ =	sdelay $0x3  }
0x34: {  	[smem:$0x3FB7] =	sst s10  }
0x35: {  	s10 =	sld [smem:$0x3FB6];
	_ =	sdelay $0x3  }
0x36: {  	p1 =	seq.s32 s10, $0x1;
	s10 =	sld [smem:$0x3FB7];
	_ =	sdelay $0x3  }
0x37: {  	[smem:$0x3FB7] =	sst s10  }
0x38: {  	s10 =	sld [smem:$0x3FB8]  }
0x39: {  	_ = 	snop;
	(pc) =	sbr.ind lr, $3  }
0x3a: {  	_ = 	snop  }
0x3b: {  	_ = 	snop  }
0x3c: {  	p2 =	seq.s32 s10, $0x1;
	s10 =	sld [smem:$0x3FB7]  }
0x3d: {  	_ =	shalt  }
0x3e: {  	_ =	shalt  }
0x3f: {  	_ =	shalt  }
0x40: {  	_ =	shalt  }
0x41: {  	_ =	shalt  }
0x42: {  	_ =	shalt  }
0x43: {  	_ =	shalt  }
0x44: {  	_ =	shalt  }
0x45: {  	_ =	shalt  }
0x46: {  	_ =	shalt  }
0x47: {  	_ =	shalt  }
0x48: {  	_ =	shalt  }
0x49: {  	_ =	shalt  }
0x4a: {  	_ =	shalt  }
0x4b: {  	_ =	shalt  }
0x4c: {  	_ =	shalt  }
0x4d: {  	_ =	shalt  }
0x4e: {  	_ =	shalt  }
0x4f: {  	_ =	shalt  }
0x50: {  	_ =	shalt  }
0x51: {  	_ =	shalt  }
0x52: {  	_ =	shalt  }
0x53: {  	_ =	shalt  }
0x54: {  	_ =	shalt  }
0x55: {  	_ =	shalt  }
0x56: {  	_ =	shalt  }
0x57: {  	_ =	shalt  }
0x58: {  	_ =	shalt  }
0x59: {  	_ =	shalt  }
0x5a: {  	_ =	shalt  }
0x5b: {  	_ =	shalt  }
0x5c: {  	_ =	shalt  }
0x5d: {  	_ =	shalt  }
0x5e: {  	_ =	shalt  }
0x5f: {  	_ =	shalt  }
0x60: {  	_ =	shalt  }
0x61: {  	_ =	shalt  }
0x62: {  	_ =	shalt  }
0x63: {  	_ =	shalt  }
0x64: {  	_ =	shalt  }
0x65: {  	_ =	shalt  }
0x66: {  	_ =	shalt  }
0x67: {  	_ =	shalt  }
0x68: {  	_ =	shalt  }
0x69: {  	_ =	shalt  }
0x6a: {  	_ =	shalt  }
0x6b: {  	_ =	shalt  }
0x6c: {  	_ =	shalt  }
0x6d: {  	_ =	shalt  }
0x6e: {  	_ =	shalt  }
0x6f: {  	_ =	shalt  }
0x70: {  	_ =	shalt  }
0x71: {  	_ =	shalt  }
0x72: {  	_ =	shalt  }
0x73: {  	_ =	shalt  }
0x74: {  	_ =	shalt  }
0x75: {  	_ =	shalt  }
0x76: {  	_ =	shalt  }
0x77: {  	_ =	shalt  }
0x78: {  	_ =	shalt  }
0x79: {  	_ =	shalt  }
0x7a: {  	_ =	shalt  }
0x7b: {  	_ =	shalt  }
0x7c: {  	_ =	shalt  }
0x7d: {  	_ =	shalt  }
0x7e: {  	_ =	shalt  }
0x7f: {  	_ =	shalt  }
0x80: {  	_ =	shalt  }
0x81: {  	_ =	shalt  }
0x82: {  	_ =	shalt  }
0x83: {  	_ =	shalt  }
0x84: {  	_ =	shalt  }
0x85: {  	_ =	shalt  }
0x86: {  	_ =	shalt  }
0x87: {  	_ =	shalt  }
.Lfunc_end0:
.L_simem_size_0:
called_computation_lowered:
.L_overlay_start_0:
0x88: {  	s2 =	sld [smem:$0x3FD9]  }
0x89: {  	s3 =	sld [smem:$0x3FFE];
	_ =	sdelay $0x1  }
0x8a: {  	s1 =	srdreg.scid  }
0x8b: {  	s0 =	sand.u32 $0x1, s1  }
0x8c: {  	s17 =	sshll.u32 s0, $0xA;
	s2 =	sadd.s32 s3, s2  }
0x8d: {  	s2 =	sadd.s32 s2, s17  }
0x8e: {  	[smem:$0x3FC3] =	sst s2  }
0x8f: {  	_ = 	snop  }
0x90: {  	s2 =	sld [smem:$0x3FC7]  }
0x91: {  	s18 =	sld [smem:$0x3FD0];
	(tm) =	ssettm $0x1  }
0x92: {  	s4 =	sld [smem:$0x3FFB];
	_ =	sdelay $0x3  }
0x93: {  	_ =	strace s4  }
0x94: {  	s4 =	sld [smem:$0x3FFC];
	_ =	sdelay $0x3  }
0x95: {  	_ =	strace s4  }
0x96: {  	s4 =	sld [smem:$0x3FFD];
	_ =	sdelay $0x3  }
0x97: {  	_ =	strace s4  }
0x98: {  	_ =	strace $0x8FFFFFFF  }
0x99: {  	s19 =	sld [smem:$0x3FDB];
	_ =	sdelay $0x1  }
0x9a: {  	s5 =	simm.s32 $_scs_section_size  }
0x9b: {  	s6 =	simm.s32 $_size__tile_overlayer_lowered;
	s7 =	simm.s32 $_tile_overlayer_lowered  }
0x9c: {  	s22 =	simm.s32 $0x1BFF;
	s21 =	sshll.u32 s7, $0x1;
	s4 =	sadd.s32 s5, s19  }
0x9d: {  	s8 =	simm.s32 $0x0;
	s20 =	sshll.u32 s6, $0x1;
	s6 =	sadd.s32 s21, s4  }
0x9e: {  	[timem:s8], [sflag:s22] =	dma.local [hbm:s6], s20  }
0x9f: {  	_ =	swait.ge [sflag:s22], s20  }
0xa0: {  	s5 =	ssub.s32 $0x0, s20;
	[sflag:s22] =	ssyncset.done $0x0  }
0xa1: {  	[sflag:s22] =	ssyncadd.s32 s5;
	_ =	sdelay $0x1  }
0xa2: {  	s23 =	simm.s32 $0x1B8B  }
0xa3: {  	_ =	swait.ge [sflag:s23], $0x1  }
0xa4: {  	[sflag:s23] =	ssyncset.done $0x0  }
0xa5: {  	s25 =	simm.s32 $0x1B8E;
	s24 =	sld [smem:$0x3FFE];
	[sflag:s23] =	ssyncadd.s32 $0xFFFFFFFF  }
0xa6: {  	s26 =	simm.s32 $execute0_lowered;
	[smem:$0x3FD2] =	sst s25  }
0xa7: {  	s6 =	sshll.u32 s26, $0x1;
	_ =	strace $0x80000046;
	[dreg:$0x1] =	wrdreg $0xFFFFFFFF  }
0xa8: {  	s28 =	simm.s32 $_size_execute0_lowered;
	s4 =	sadd.s32 s4, s6;
	[dreg:$0x0] =	wrdreg $0x0  }
0xa9: {  	s6 =	sshll.u32 s28, $0x1;
	[dreg:$0x2] =	wrdreg s4  }
0xaa: {  	[dreg:$0x3] =	wrdreg s6  }
0xab: {  	[dreg:$0x4] =	wrdreg $0xC0  }
0xac: {  	_ =	task [dreg:s8], $0x5FFFF  }
0xad: {  	[dreg:$0x1] =	wrdreg $0xFFFFFFFF  }
0xae: {  	[dreg:$0x0] =	wrdreg $0x60  }
0xaf: {  	[dreg:$0x2] =	wrdreg s24  }
0xb0: {  	[dreg:$0x3] =	wrdreg s2  }
0xb1: {  	[dreg:$0x4] =	wrdreg s18  }
0xb2: {  	[dreg:$0x5] =	wrdreg $0x0  }
0xb3: {  	[dreg:$0x6] =	wrdreg $0x9  }
0xb4: {  	_ =	task.clear_ibuf [dreg:s8], $0x7FFFF;
	_ =	strace $0x90000046  }
0xb5: {  	s29 =	simm.s32 $0x9;
	_ =	strace $0x80000048  }
0xb6: {  	_ =	swait.ge [sflag:s29], $0x1  }
0xb7: {  	[sflag:s29] =	ssyncadd.s32 $0xFFFFFFFF  }
0xb8: {  	_ =	strace $0x90000048  }
0xb9: {  	_ =	sfence  }
0xba: {  	s30 =	sld [smem:$0x0];
	_ =	sdelay $0x2  }
0xbb: {  	s31 =	sshll.u32 s1, $0xD;
	s1 =	sshrl.u32 s1, $0x2  }
0xbc: {  	s3 =	sand.u32 $0x4000, s31;
	s1 =	sadd.s32 s1, s30  }
0xbd: {  	s0 =	sor.u32 s3, s0;
	s1 =	sshll.u32 s1, $0x11  }
0xbe: {  	s0 =	sor.u32 s1, s0  }
0xbf: {  	s0 =	sadd.s32 $0x8F2B, s0  }
0xc0: {  	[sflag:s0] =	ssyncadd.remote.s32 $0x1  }
0xc1: {  	_ =	sfence.sel $0xFFFF  }
0xc2: {  	[dreg:$0x0] =	wrdreg $0xFFFFFFFF;
	(pc) =	sbr.abs _section_cstart, $3  }
0xc3: {  	[dreg:$0x1] =	wrdreg $0xFFFFFFFF  }
0xc4: {  	_ =	task.clear_ibuf [dreg:s8], $0x2FFFF;
	_ =	strace $0x9FFFFFFF  }
0xc5: {  	(tm) =	ssettm $0x7FFFFFFF  }
tec
execute0_lowered:
.L_overlay_start_1:
0x0: {  	(tag) =	ssettag $0x1  }
0x1: {  	s7 =	rddreg [dreg:$0x0]  }
0x2: {  	s16 =	rddreg [dreg:$0x1]  }
0x3: {  	s0 =	srdreg.scid;
	s2 =	stileid.u32  }
0x4: {  	s17 =	rddreg [dreg:$0x2];
	s8 =	sand.u32 $0x1, s0;
	s0 =	smul.u32 $0xE100, s2  }
0x5: {  	s3 =	sadd.s32 $0xAA00, s7;
	s4 =	sadd.s32 $0xC00, s7;
	s5 =	sadd.s32 $0x28400, s7  }
0x6: {  	s6 =	sadd.s32 $0x3AA00, s7;
	p0 =	slt.u32 s2, $0x6;
	s1 =	ssub.s32 $0x2, s8  }
0x7: {  	p1 =	seq.s32 s8, $0x0;
	s8 =	sshll.u32 s8, $0x6;
	s9 =	sshrl.u32 s1, $0x1  }
0x8: {  	s10 =	sadd.s32 $0xFFFB1E00, s0;
	s24 =	sadd.s32 $0xFFFB1E80, s0;
	s11 =	sadd.s32 $0xFFFB1F00, s0  }
0x9: {  	s26 =	sadd.s32 $0xFFFB1F80, s0;
	s30 =	sshrl.u32 s0, $0x3;
	s1 =	ssub.s32 s1, s9  }
0xa: {  	s23 =	sshrl.u32 s10, $0x3;
	s10 =	sshrl.u32 s24, $0x3;
	s25 =	sshrl.u32 s11, $0x3  }
0xb: {  	s9 =	sshrl.u32 s26, $0x3;
	s12 =	sadd.s32 s3, s30;
	s13 =	sadd.s32 s16, s30  }
0xc: {  	s14 =	sor.u32 $0x10, s30;
	s11 =	sadd.s32 $0x30, s30;
	s15 =	sadd.s32 s5, s23  }
0xd: {  	s18 =	sadd.s32 s17, s23;
	s19 =	sadd.s32 s6, s23;
	s20 =	sadd.s32 s5, s10  }
0xe: {  	s21 =	sadd.s32 s17, s10;
	s22 =	sadd.s32 s6, s10;
	s23 =	sadd.s32 s5, s25  }
0xf: {  	s24 =	sadd.s32 s17, s25;
	s25 =	sadd.s32 s6, s25;
	s10 =	sadd.s32 s4, s30  }
0x10: {  	s17 =	sadd.s32 s17, s9;
	s1 =	smax.u32 s1, $0x1;
	s15 =	smov.u32 @p0 s10  }
0x11: {  	s10 =	sadd.s32 s4, s14;
	s18 =	smov.u32 @p0 s12;
	[dreg:$0x5] =	wrdreg s15  }
0x12: {  	s12 =	sadd.s32 s3, s14;
	s19 =	smov.u32 @p0 s13;
	[dreg:$0x6] =	wrdreg s18  }
0x13: {  	s14 =	sadd.s32 s16, s14;
	[dreg:$0x7] =	wrdreg s19;
	s19 =	sadd.s32 $0x20, s30  }
0x14: {  	s20 =	smov.u32 @p0 s10;
	s21 =	smov.u32 @p0 s12;
	s22 =	smov.u32 @p0 s14  }
0x15: {  	s14 =	sshrl.u32 s2, $0x3;
	s18 =	sadd.s32 s5, s9;
	s15 =	sadd.s32 s6, s9  }
0x16: {  	s9 =	sadd.s32 s16, s11;
	[dreg:$0x8] =	wrdreg s20;
	s10 =	sadd.s32 s4, s19  }
0x17: {  	[dreg:$0x9] =	wrdreg s21;
	s12 =	sadd.s32 s3, s19;
	s13 =	sadd.s32 s16, s19  }
0x18: {  	[dreg:$0xa] =	wrdreg s22;
	s22 =	sand.u32 $0x7, s2;
	s26 =	smul.u32 $0x2740, s14  }
0x19: {  	s19 =	simm.s32 $0x0;
	s15 =	smov.u32 @p0 s9;
	s21 =	rddreg [dreg:$0x3]  }
0x1a: {  	s23 =	smov.u32 @p0 s10;
	s24 =	smov.u32 @p0 s12;
	[dreg:$0x10] =	wrdreg s15  }
0x1b: {  	s25 =	smov.u32 @p0 s13;
	s13 =	sadd.s32 s4, s11;
	[smem:$0x7FF] =	sst s19  }
0x1c: {  	[dreg:$0xb] =	wrdreg s23;
	s18 =	smov.u32 @p0 s13;
	s13 =	sadd.s32 s3, s11  }
0x1d: {  	s20 =	sadd.s32 $0x4D000, s7;
	[dreg:$0xc] =	wrdreg s24;
	s17 =	smov.u32 @p0 s13  }
0x1e: {  	s24 =	sshll.u32 s14, $0x7;
	[dreg:$0xf] =	wrdreg s17;
	s17 =	smul.u32 $0x4E800, s22  }
0x1f: {  	s30 =	smul.u32 $0x4E8, s22;
	[dreg:$0xd] =	wrdreg s25;
	s8 =	sor.u32 s8, s24  }
0x20: {  	s15 =	sadd.s32 $0x400, s0;
	[dreg:$0xe] =	wrdreg s18;
	s18 =	sor.u32 s17, s8  }
0x21: {  	s25 =	smul.u32 $0x274000, s14;
	s12 =	sadd.s32 s30, s26;
	s9 =	sshrl.u32 s18, $0x3  }
0x22: {  	s13 =	simm.s32 $0x14800;
	s30 =	sadd.s32 $0x200, s0;
	s9 =	sadd.s32 s20, s9  }
0x23: {  	s13 =	simm.s32 @!p1 $0x1E600;
	s26 =	sshll.u32 s12, $0x6;
	[dreg:$0x12] =	wrdreg s9  }
0x24: {  	s12 =	sadd.s32 $0x280, s0;
	_ =	strace $0x80000047;
	[dreg:$0x14] =	wrdreg s30  }
0x25: {  	s23 =	sadd.s32 s13, s7;
	s13 =	sadd.s32 $0x300, s0;
	[dreg:$0x15] =	wrdreg s12  }
0x26: {  	s14 =	sadd.s32 $0x380, s0;
	s24 =	smul.u32 $0x4E800, s2;
	[dreg:$0x16] =	wrdreg s13  }
0x27: {  	s7 =	sshrl.u32 s25, $0x2;
	s8 =	sshrl.u32 s8, $0x3;
	[dreg:$0x17] =	wrdreg s14  }
0x28: {  	s0 =	sadd.s32 $0x480, s0;
	s8 =	sadd.s32 s8, s20;
	[dreg:$0x18] =	wrdreg s15  }
0x29: {  	s7 =	sadd.s32 s7, s21;
	s8 =	sadd.s32 $0x44B00, s8;
	[dreg:$0x19] =	wrdreg s0  }
0x2a: {  	p0 =	seq.s32 s22, $0x7;
	s7 =	sadd.s32 $0x89600, s7;
	[dreg:$0x1a] =	wrdreg s8  }
0x2b: {  	s9 =	sshrl.u32 s24, $0x2;
	[dreg:$0x1b] =	wrdreg s1;
	s1 =	sshrl.u32 @p0 s7, $0x3  }
0x2c: {  	s2 =	sadd.s32 s9, s21;
	s0 =	sadd.s32 s26, s21;
	[dreg:$0x1c] =	wrdreg s1  }
0x2d: {  	s0 =	sshrl.u32 @!p0 s0, $0x3;
	[dreg:$0x13] =	wrdreg s2  }
0x2e: {  	s31 =	simm.s32 $0x13F00;
	s16 =	sadd.s32 $0x2000, s2;
	[dreg:$0x1d] =	wrdreg s0  }
0x2f: {  	s28 =	simm.s32 $0x5;
	s17 =	sadd.s32 $0x4000, s2;
	[dreg:$0x1e] =	wrdreg s16  }
0x30: {  	s29 =	simm.s32 $0x9;
	s18 =	sadd.s32 $0x6000, s2;
	[dreg:$0x1f] =	wrdreg s17  }
0x31: {  	s10 =	simm.s32 $0x14080;
	s20 =	sadd.s32 $0x8000, s2;
	[smem:$0x7F7] =	sst s18  }
0x32: {  	s22 =	smov.u32 s21;
	s21 =	sadd.s32 $0xA000, s2;
	[smem:$0x7F8] =	sst s20  }
0x33: {  	s11 =	simm.s32 $0x7;
	s24 =	sadd.s32 $0xC000, s2;
	[smem:$0x7F9] =	sst s21  }
0x34: {  	s8 =	simm.s32 $0x14000;
	s25 =	sadd.s32 $0xE000, s2;
	[smem:$0x7FA] =	sst s24  }
0x35: {  	s13 =	simm.s32 $0x14100;
	s26 =	sadd.s32 $0x10000, s2;
	[smem:$0x7FB] =	sst s25  }
0x36: {  	s7 =	simm.s32 $0x3;
	s30 =	sadd.s32 $0x12000, s2;
	[smem:$0x7FC] =	sst s26  }
0x37: {  	s15 =	simm.s32 $0x14280;
	[smem:$0x7FD] =	sst s30;
	s0 =	simm.s32 $0x14180  }
0x38: {  	s17 =	simm.s32 $0x80;
	s21 =	simm.s32 $0x14200;
	s18 =	simm.s32 $0x4  }
0x39: {  	v0 =	vimm.f32 $0.0e+00;
	s16 =	simm.s32 $0x8;
	s26 =	simm.s32 $0xA;
	s24 =	simm.s32 $0x6  }
.LBB2_1:
0x3a: {  	s9 =	simm.s32 $0x100;
	s1 =	simm.s32 $0x0  }
.LBB2_2:
0x3b: {  	p1 =	sne.s32 s9, $0x7F00;
	[tilespmem:s1+$0x17330] =	vst v0;
	s12 =	smov.u32 s9;
	s9 =	sadd.s32 $0x100, s9  }
.Ltmp0:
0x3c: {  	[tilespmem:s1+$0x17320] =	vst v0;
	(pc) =	sbr.rel @p1 .LBB2_2-.Ltmp0, $3  }
0x3d: {  	[tilespmem:s1+$0x17300] =	vst v0  }
0x3e: {  	[tilespmem:s1+$0x17310] =	vst v0;
	_ =	sdelay $0x1  }
0x3f: {  	s1 =	sshra.s32 s12, $0x2  }
0x40: {  	[tilespmem:s1+$0x17330] =	vst v0  }
0x41: {  	[tilespmem:s1+$0x17320] =	vst v0  }
0x42: {  	[dreg:$0x11] =	wrdreg s19;
	[tilespmem:s1+$0x17300] =	vst v0  }
0x43: {  	[tilespmem:s1+$0x17310] =	vst v0;
	s19 =	rddreg [dreg:$0x13];
	s2 =	simm.s32 $0x17300;
	s9 =	simm.s32 $0xD  }
0x44: {  	[spmem:s19] =	stream.linear.scatter [tilespmem:s2], [sflag:$0xD], $0x2000, $0x38;
	[tilespmem:$0x1D300] =	vst v63  }
0x45: {  	_ =	swait.ge [sflag:s9], $0x2000  }
0x46: {  	[sflag:s9] =	ssyncset.done $0x0  }
0x47: {  	s20 =	rddreg [dreg:$0x1e];
	[sflag:s9] =	ssyncadd.s32 $0xFFFFE000  }
0x48: {  	[spmem:s20] =	stream.linear.scatter [tilespmem:s2], [sflag:$0xD], $0x2000, $0x38;
	[tilespmem:$0x1D300] =	vst v63  }
0x49: {  	_ =	swait.ge [sflag:s9], $0x2000  }
0x4a: {  	[sflag:s9] =	ssyncset.done $0x0  }
0x4b: {  	s25 =	rddreg [dreg:$0x1f];
	[sflag:s9] =	ssyncadd.s32 $0xFFFFE000  }
0x4c: {  	[spmem:s25] =	stream.linear.scatter [tilespmem:s2], [sflag:$0xD], $0x2000, $0x38;
	[tilespmem:$0x1D300] =	vst v63  }
0x4d: {  	_ =	swait.ge [sflag:s9], $0x2000  }
0x4e: {  	s30 =	sld [smem:$0x7F7]  }
0x4f: {  	[sflag:s9] =	ssyncset.done $0x0  }
0x50: {  	[sflag:s9] =	ssyncadd.s32 $0xFFFFE000  }
0x51: {  	[spmem:s30] =	stream.linear.scatter [tilespmem:s2], [sflag:$0xD], $0x2000, $0x38;
	[tilespmem:$0x1D300] =	vst v63  }
0x52: {  	_ =	swait.ge [sflag:s9], $0x2000  }
0x53: {  	s12 =	sld [smem:$0x7F8]  }
0x54: {  	[sflag:s9] =	ssyncset.done $0x0  }
0x55: {  	[sflag:s9] =	ssyncadd.s32 $0xFFFFE000  }
0x56: {  	[spmem:s12] =	stream.linear.scatter [tilespmem:s2], [sflag:$0xD], $0x2000, $0x38;
	[tilespmem:$0x1D300] =	vst v63  }
0x57: {  	_ =	swait.ge [sflag:s9], $0x2000  }
0x58: {  	s14 =	sld [smem:$0x7F9]  }
0x59: {  	[sflag:s9] =	ssyncset.done $0x0  }
0x5a: {  	[sflag:s9] =	ssyncadd.s32 $0xFFFFE000  }
0x5b: {  	[spmem:s14] =	stream.linear.scatter [tilespmem:s2], [sflag:$0xD], $0x2000, $0x38;
	[tilespmem:$0x1D300] =	vst v63  }
0x5c: {  	_ =	swait.ge [sflag:s9], $0x2000  }
0x5d: {  	s19 =	sld [smem:$0x7FA]  }
0x5e: {  	[sflag:s9] =	ssyncset.done $0x0  }
0x5f: {  	[sflag:s9] =	ssyncadd.s32 $0xFFFFE000  }
0x60: {  	[spmem:s19] =	stream.linear.scatter [tilespmem:s2], [sflag:$0xD], $0x2000, $0x38;
	[tilespmem:$0x1D300] =	vst v63  }
0x61: {  	_ =	swait.ge [sflag:s9], $0x2000  }
0x62: {  	s20 =	sld [smem:$0x7FB]  }
0x63: {  	[sflag:s9] =	ssyncset.done $0x0  }
0x64: {  	[sflag:s9] =	ssyncadd.s32 $0xFFFFE000  }
0x65: {  	[spmem:s20] =	stream.linear.scatter [tilespmem:s2], [sflag:$0xD], $0x2000, $0x38;
	[tilespmem:$0x1D300] =	vst v63  }
0x66: {  	_ =	swait.ge [sflag:s9], $0x2000  }
0x67: {  	s25 =	sld [smem:$0x7FC]  }
0x68: {  	[sflag:s9] =	ssyncset.done $0x0  }
0x69: {  	[sflag:s9] =	ssyncadd.s32 $0xFFFFE000  }
0x6a: {  	[spmem:s25] =	stream.linear.scatter [tilespmem:s2], [sflag:$0xD], $0x2000, $0x38;
	[tilespmem:$0x1D300] =	vst v63  }
0x6b: {  	_ =	swait.ge [sflag:s9], $0x2000  }
0x6c: {  	s30 =	sld [smem:$0x7FD]  }
0x6d: {  	[sflag:s9] =	ssyncset.done $0x0  }
0x6e: {  	[sflag:s9] =	ssyncadd.s32 $0xFFFFE000  }
0x6f: {  	[spmem:s30] =	stream.linear.scatter [tilespmem:s2], [sflag:$0xD], $0x1A00, $0x38;
	[tilespmem:$0x1D300] =	vst v63  }
0x70: {  	_ =	swait.ge [sflag:s9], $0x1A00  }
0x71: {  	[sflag:s9] =	ssyncset.done $0x0  }
0x72: {  	[sflag:s9] =	ssyncadd.s32 $0xFFFFE600  }
0x73: {  	[bflag:$0x0] =	sbarrier.arrive $0xFFFF  }
0x74: {  	s14 =	simm.s32 $0x0;
	s2 =	simm.s32 $0x13A00;
	s9 =	rddreg [dreg:$0x5]  }
0x75: {  	[tilespmem:s2], [sflag:$0x1] =	stream.linear.gather [hbm4b:s9+s14], $0x80, $0x38;
	[tilespmem:$0x1D300] =	vst v63  }
0x76: {  	s19 =	simm.s32 $0x13D00;
	s12 =	rddreg [dreg:$0x6]  }
0x77: {  	[tilespmem:s19], [sflag:$0x1] =	stream.linear.gather [hbm4b:s12+s14], $0x80, $0x38;
	[tilespmem:$0x1D300] =	vst v63  }
0x78: {  	s20 =	rddreg [dreg:$0x7]  }
0x79: {  	[tilespmem:s8], [sflag:$0x1] =	stream.linear.gather [hbm4b:s20+s14], $0x80, $0x38;
	[tilespmem:$0x1D300] =	vst v63  }
0x7a: {  	s25 =	rddreg [dreg:$0x8];
	s9 =	simm.s32 $0x13A80  }
0x7b: {  	[tilespmem:s9], [sflag:$0x2] =	stream.linear.gather [hbm4b:s25+s14], $0x80, $0x38;
	[tilespmem:$0x1D300] =	vst v63  }
0x7c: {  	s30 =	rddreg [dreg:$0x9];
	s12 =	simm.s32 $0x13D80  }
0x7d: {  	[tilespmem:s12], [sflag:$0x2] =	stream.linear.gather [hbm4b:s30+s14], $0x80, $0x38;
	[tilespmem:$0x1D300] =	vst v63  }
0x7e: {  	s12 =	rddreg [dreg:$0xa]  }
0x7f: {  	[tilespmem:s10], [sflag:$0x2] =	stream.linear.gather [hbm4b:s12+s14], $0x80, $0x38;
	[tilespmem:$0x1D300] =	vst v63  }
0x80: {  	s19 =	rddreg [dreg:$0xb];
	s20 =	simm.s32 $0x13B00  }
0x81: {  	[tilespmem:s20], [sflag:$0x3] =	stream.linear.gather [hbm4b:s19+s14], $0x80, $0x38;
	[tilespmem:$0x1D300] =	vst v63  }
0x82: {  	s25 =	rddreg [dreg:$0xc];
	s30 =	simm.s32 $0x13E00  }
0x83: {  	[tilespmem:s30], [sflag:$0x3] =	stream.linear.gather [hbm4b:s25+s14], $0x80, $0x38;
	[tilespmem:$0x1D300] =	vst v63  }
0x84: {  	s12 =	rddreg [dreg:$0xd]  }
0x85: {  	[tilespmem:s13], [sflag:$0x3] =	stream.linear.gather [hbm4b:s12+s14], $0x80, $0x38;
	[tilespmem:$0x1D300] =	vst v63  }
0x86: {  	s19 =	rddreg [dreg:$0xe];
	s20 =	simm.s32 $0x13B80  }
0x87: {  	[tilespmem:s20], [sflag:$0x4] =	stream.linear.gather [hbm4b:s19+s14], $0x80, $0x38;
	[tilespmem:$0x1D300] =	vst v63  }
0x88: {  	s25 =	rddreg [dreg:$0xf];
	s30 =	simm.s32 $0x13E80  }
0x89: {  	[tilespmem:s30], [sflag:$0x4] =	stream.linear.gather [hbm4b:s25+s14], $0x80, $0x38;
	[tilespmem:$0x1D300] =	vst v63  }
0x8a: {  	s12 =	rddreg [dreg:$0x10];
	s19 =	simm.s32 $0x1  }
0x8b: {  	[tilespmem:s0], [sflag:$0x4] =	stream.linear.gather [hbm4b:s12+s14], $0x80, $0x38;
	[tilespmem:$0x1D300] =	vst v63  }
0x8c: {  	_ =	swait.ge [sflag:s19], $0x80  }
0x8d: {  	[sflag:s19] =	ssyncset.done $0x0  }
0x8e: {  	[sflag:s19] =	ssyncadd.s32 $0xFFFFFF80  }
0x8f: {  	_ =	swait.ge [sflag:s19], $0x80  }
0x90: {  	[sflag:s19] =	ssyncset.done $0x0  }
0x91: {  	[sflag:s19] =	ssyncadd.s32 $0xFFFFFF80  }
0x92: {  	_ =	swait.ge [sflag:s19], $0x80  }
0x93: {  	[sflag:s19] =	ssyncset.done $0x0  }
0x94: {  	s20 =	simm.s32 $0x14300;
	s25 =	simm.s32 $0x2;
	[sflag:s19] =	ssyncadd.s32 $0xFFFFFF80  }
0x95: {  	[tilespmem:s20], [sflag:$0x7] =	stream.indirect.gather [hbm4b:s23+s17], $0x20, s2, s17, $0xb8;
	[tilespmem:$0x1D300] =	vst v63  }
0x96: {  	_ =	swait.ge [sflag:s25], $0x80  }
0x97: {  	[sflag:s25] =	ssyncset.done $0x0  }
0x98: {  	[sflag:s25] =	ssyncadd.s32 $0xFFFFFF80  }
0x99: {  	_ =	swait.ge [sflag:s25], $0x80  }
0x9a: {  	[sflag:s25] =	ssyncset.done $0x0  }
0x9b: {  	[sflag:s25] =	ssyncadd.s32 $0xFFFFFF80  }
0x9c: {  	_ =	swait.ge [sflag:s25], $0x80  }
0x9d: {  	[sflag:s25] =	ssyncset.done $0x0  }
0x9e: {  	s30 =	simm.s32 $0x15300;
	s12 =	simm.s32 $0x0;
	[sflag:s25] =	ssyncadd.s32 $0xFFFFFF80  }
0x9f: {  	[tilespmem:s30], [sflag:$0x8] =	stream.indirect.gather [hbm4b:s23+s17], $0x20, s9, s17, $0xb8;
	[tilespmem:$0x1D300] =	vst v63  }
.LBB2_4:
0xa0: {  	s14 =	smul.u32 $0x300, s12  }
0xa1: {  	s1 =	rddreg [dreg:$0x14]  }
0xa2: {  	s1 =	sadd.s32 s14, s1  }
0xa3: {  	p1 =	seq.s32 s12, $0x0;
	s2 =	simm.s32 $0x13C00;
	p2 =	slt.u32 s1, $0x4E200  }
0xa4: {  	s25 =	simm.s32 $0x0;
	s9 =	simm.s32 @!p1 $0xB;
	s19 =	sadd.s32 @!p2 $0xFFFB1E00, s1  }
0xa5: {  	_ =	swait.ge @!p1 [sflag:s9], $0x2000;
	s19 =	smov.u32 @p2 s1;
	s1 =	smov.u32 s5  }
0xa6: {  	[sflag:s9] =	ssyncset.done @!p1 $0x0;
	s1 =	smov.u32 @p2 s4;
	s19 =	sshrl.u32 s19, $0x3  }
0xa7: {  	s20 =	rddreg [dreg:$0x2];
	[sflag:s9] =	ssyncadd.s32 @!p1 $0xFFFFE000;
	s1 =	sadd.s32 s1, s19  }
0xa8: {  	[tilespmem:s2], [sflag:$0x5] =	stream.linear.gather [hbm4b:s1+s25], $0x80, $0x38;
	[tilespmem:$0x1D300] =	vst v63  }
0xa9: {  	s9 =	smov.u32 s6;
	s20 =	smov.u32 @p2 s3;
	s1 =	rddreg [dreg:$0x1]  }
0xaa: {  	s2 =	sadd.s32 s20, s19;
	s9 =	smov.u32 @p2 s1  }
0xab: {  	[tilespmem:s31], [sflag:$0x5] =	stream.linear.gather [hbm4b:s2+s25], $0x80, $0x38;
	[tilespmem:$0x1D300] =	vst v63  }
0xac: {  	s20 =	sadd.s32 s9, s19  }
0xad: {  	[tilespmem:s21], [sflag:$0x5] =	stream.linear.gather [hbm4b:s20+s25], $0x80, $0x38;
	[tilespmem:$0x1D300] =	vst v63  }
0xae: {  	_ =	swait.ge [sflag:s7], $0x80  }
0xaf: {  	[sflag:s7] =	ssyncset.done $0x0  }
0xb0: {  	[sflag:s7] =	ssyncadd.s32 $0xFFFFFF80  }
0xb1: {  	_ =	swait.ge [sflag:s7], $0x80  }
0xb2: {  	[sflag:s7] =	ssyncset.done $0x0  }
0xb3: {  	s2 =	simm.s32 $0x2;
	[sflag:s7] =	ssyncadd.s32 $0xFFFFFF80  }
0xb4: {  	v1 =	vmov s2;
	_ =	swait.ge [sflag:s7], $0x80  }
0xb5: {  	s9 =	simm.s32 $0x1;
	v1 =	vand.u32 $0xFFFFFFFE, v1;
	[sflag:s7] =	ssyncset.done $0x0  }
0xb6: {  	s19 =	simm.s32 $0x13B00;
	v2 =	vmov s9;
	s20 =	simm.s32 $0x16300;
	v1 =	vbroadcast v1, $0x0;
	[sflag:s7] =	ssyncadd.s32 $0xFFFFFF80  }
0xb7: {  	v2 =	vand.u32 $0xFFFFFFFD, v2;
	[tilespmem:s20], [sflag:$0x9] =	stream.indirect.gather [hbm4b:s23+s17], $0x20, s19, s17, $0xb8;
	[tilespmem:$0x1D300] =	vst v63  }
0xb8: {  	v2 =	vbroadcast v2, $0x0;
	_ =	swait.ge [sflag:s11], $0x1000  }
0xb9: {  	[sflag:s11] =	ssyncset.done $0x0  }
0xba: {  	s1 =	simm.s32 $0x14340;
	[sflag:s11] =	ssyncadd.s32 $0xFFFFF000  }
0xbb: {  	v3 =	vmov s25;
	s20 =	simm.s32 $0x3;
	v4 =	vld [tilespmem:s1+$0x0]  }
0xbc: {  	v3 =	vand.u32 $0xFFFFFFFC, v3;
	v6 =	vmov s20;
	v5 =	vld.idx.msk [tilespmem:v1+s8+$0x0], $0xffff  }
0xbd: {  	v3 =	vbroadcast v3, $0x0;
	v1 =	vld [tilespmem:s1+$0xFFFFFFE0]  }
0xbe: {  	s2 =	simm.s32 $0x4;
	v2 =	vld.idx.msk [tilespmem:v2+s8+$0x0], $0xffff  }
0xbf: {  	v7 =	vmov s2  }
0xc0: {  	s25 =	simm.s32 $0x6;
	v7 =	vand.u32 $0xFFFFFFFC, v7;
	v12 =	vld [tilespmem:s1+$0x20];
	v8 =	vunpack.i.l.bf16.f32 v4  }
0xc1: {  	v10 =	vmov s25;
	v6 =	vld.idx.msk [tilespmem:v6+s8+$0x0], $0xffff;
	v4 =	vunpack.i.u.bf16.f32 v4;
	v8 =	vmul.f32 v8, v5  }
0xc2: {  	s25 =	simm.s32 $0x17380;
	v9 =	vld [tilespmem:s1+$0xFFFFFFC0];
	v11 =	vunpack.i.l.bf16.f32 v1;
	v1 =	vunpack.i.u.bf16.f32 v1;
	v4 =	vmul.f32 v4, v5  }
0xc3: {  	s2 =	simm.s32 $0x5;
	v10 =	vand.u32 $0xFFFFFFFE, v10;
	v7 =	vbroadcast v7, $0x0;
	v3 =	vld.idx.msk [tilespmem:v3+s8+$0x0], $0xffff;
	v1 =	vmul.f32 v1, v2;
	[tilespmem:s25+$0x0] =	vst v8  }
0xc4: {  	v10 =	vbroadcast v10, $0x0;
	v8 =	vmul.f32 v11, v2;
	v11 =	vmov s2;
	[tilespmem:s25+$0x10] =	vst v4  }
0xc5: {  	v13 =	vunpack.i.l.bf16.f32 v12;
	[tilespmem:s25+$0xFFFFFFD0] =	vst v1;
	v4 =	vand.u32 $0xFFFFFFFD, v11;
	v11 =	vld [tilespmem:s1+$0x10]  }
0xc6: {  	v13 =	vmul.f32 v13, v6;
	[tilespmem:s25+$0xFFFFFFC0] =	vst v8  }
0xc7: {  	s20 =	simm.s32 $0x143C0;
	v1 =	vunpack.i.u.bf16.f32 v9;
	v4 =	vbroadcast v4, $0x0;
	v8 =	vunpack.i.l.bf16.f32 v9;
	v9 =	vld [tilespmem:s1+$0xFFFFFFF0]  }
0xc8: {  	v15 =	vld [tilespmem:s20+$0x0];
	v8 =	vmul.f32 v8, v3  }
0xc9: {  	v12 =	vunpack.i.u.bf16.f32 v12;
	v14 =	vmul.f32 v1, v3;
	v1 =	vld.idx.msk [tilespmem:v7+s8+$0x0], $0xffff;
	[tilespmem:s25+$0x40] =	vst v13  }
0xca: {  	v7 =	vmul.f32 v12, v6;
	[tilespmem:s25+$0xFFFFFF80] =	vst v8;
	v8 =	vld.idx.msk [tilespmem:v10+s8+$0x0], $0xffff;
	v10 =	vunpack.i.u.bf16.f32 v11;
	v11 =	vunpack.i.l.bf16.f32 v11  }
0xcb: {  	s19 =	simm.s32 $0x7;
	v12 =	vld [tilespmem:s20+$0xFFFFFFE0];
	[tilespmem:s25+$0xFFFFFF90] =	vst v14;
	v11 =	vmul.f32 v11, v5;
	v5 =	vmul.f32 v10, v5  }
0xcc: {  	s2 =	simm.s32 $0x8;
	[tilespmem:s25+$0x50] =	vst v7;
	v14 =	vld [tilespmem:s20+$0xFFFFFFC0];
	v10 =	vmov s19;
	v7 =	vunpack.i.u.bf16.f32 v9;
	v9 =	vunpack.i.l.bf16.f32 v9  }
0xcd: {  	v16 =	vunpack.i.l.bf16.f32 v15;
	v13 =	vld.idx.msk [tilespmem:v4+s8+$0x0], $0xffff;
	v4 =	vmov s2;
	s2 =	simm.s32 $0x9;
	[tilespmem:s25+$0x30] =	vst v5;
	v9 =	vmul.f32 v9, v2  }
0xce: {  	v5 =	vmov s2;
	v7 =	vmul.f32 v7, v2;
	[tilespmem:s25+$0x20] =	vst v11;
	v2 =	vunpack.i.u.bf16.f32 v15  }
0xcf: {  	v17 =	vld [tilespmem:s20+$0x20];
	s19 =	simm.s32 $0xA;
	v4 =	vand.u32 $0xFFFFFFFC, v4;
	v11 =	vmul.f32 v16, v8;
	v5 =	vand.u32 $0xFFFFFFFD, v5;
	[tilespmem:s25+$0xFFFFFFE0] =	vst v9  }
0xd0: {  	s30 =	simm.s32 $0x17480;
	v15 =	vld [tilespmem:s1+$0xFFFFFFD0];
	v16 =	vbroadcast v4, $0x0;
	v4 =	vmov s19;
	v9 =	vmul.f32 v2, v8;
	[tilespmem:s25+$0xFFFFFFF0] =	vst v7  }
0xd1: {  	v4 =	vand.u32 $0xFFFFFFFE, v4;
	v7 =	vunpack.i.l.bf16.f32 v14;
	v2 =	vld.idx.msk [tilespmem:v10+s8+$0x0], $0xffff;
	v10 =	vunpack.i.l.bf16.f32 v12;
	[tilespmem:s30+$0x0] =	vst v11  }
0xd2: {  	v5 =	vbroadcast v5, $0x0;
	v11 =	vld [tilespmem:s1+$0x30];
	v12 =	vunpack.i.u.bf16.f32 v12;
	v10 =	vmul.f32 v10, v13;
	[tilespmem:s30+$0x10] =	vst v9  }
0xd3: {  	v14 =	vunpack.i.u.bf16.f32 v14;
	v4 =	vbroadcast v4, $0x0;
	v9 =	vmul.f32 v12, v13;
	v12 =	vld [tilespmem:s20+$0x10]  }
0xd4: {  	v7 =	vmul.f32 v7, v1;
	v14 =	vmul.f32 v14, v1;
	[tilespmem:s30+$0xFFFFFFC0] =	vst v10  }
0xd5: {  	v10 =	vunpack.i.u.bf16.f32 v17;
	[tilespmem:s30+$0xFFFFFFD0] =	vst v9;
	v9 =	vunpack.i.u.bf16.f32 v15;
	v15 =	vunpack.i.l.bf16.f32 v15  }
0xd6: {  	s19 =	simm.s32 $0x14440;
	[tilespmem:s30+$0xFFFFFF80] =	vst v7;
	v17 =	vunpack.i.l.bf16.f32 v17;
	v18 =	vld [tilespmem:s20+$0xFFFFFFF0];
	v15 =	vmul.f32 v15, v3;
	v9 =	vmul.f32 v9, v3  }
0xd7: {  	v20 =	vld [tilespmem:s19+$0xFFFFFFE0];
	[tilespmem:s30+$0xFFFFFF90] =	vst v14;
	v17 =	vmul.f32 v17, v2;
	v7 =	vmul.f32 v10, v2  }
0xd8: {  	v14 =	vld [tilespmem:s19+$0x0];
	v10 =	vunpack.i.u.bf16.f32 v11;
	v3 =	vunpack.i.l.bf16.f32 v11;
	[tilespmem:s25+$0xFFFFFFA0] =	vst v15;
	v11 =	vunpack.i.u.bf16.f32 v12  }
0xd9: {  	s2 =	simm.s32 $0xB;
	v19 =	vmul.f32 v3, v6;
	v4 =	vld.idx.msk [tilespmem:v4+s8+$0x0], $0xffff;
	[tilespmem:s30+$0x40] =	vst v17;
	v3 =	vunpack.i.l.bf16.f32 v12;
	v11 =	vmul.f32 v11, v8  }
0xda: {  	s9 =	simm.s32 $0xC;
	v15 =	vmov s2;
	[tilespmem:s30+$0x50] =	vst v7;
	v17 =	vld [tilespmem:s19+$0xFFFFFFC0];
	v3 =	vmul.f32 v3, v8  }
0xdb: {  	s2 =	simm.s32 $0xD;
	v7 =	vmul.f32 v10, v6;
	v6 =	vmov s9;
	v12 =	vld [tilespmem:s19+$0x20];
	v8 =	vunpack.i.l.bf16.f32 v18;
	[tilespmem:s30+$0x30] =	vst v11  }
0xdc: {  	v10 =	vunpack.i.u.bf16.f32 v18;
	v11 =	vmov s2;
	v18 =	vmul.f32 v8, v13;
	[tilespmem:s30+$0x20] =	vst v3;
	v3 =	vld.idx.msk [tilespmem:v16+s8+$0x0], $0xffff  }
0xdd: {  	[tilespmem:s25+$0xFFFFFFB0] =	vst v9;
	v16 =	vmul.f32 v10, v13;
	v8 =	vand.u32 $0xFFFFFFFC, v6;
	v6 =	vld.idx.msk [tilespmem:v5+s8+$0x0], $0xffff;
	v11 =	vand.u32 $0xFFFFFFFD, v11  }
0xde: {  	[tilespmem:s25+$0x60] =	vst v19;
	v5 =	vunpack.i.l.bf16.f32 v14;
	v10 =	vbroadcast v8, $0x0;
	v8 =	vbroadcast v11, $0x0;
	v11 =	vld [tilespmem:s20+$0xFFFFFFD0]  }
0xdf: {  	v9 =	vld [tilespmem:s20+$0x30];
	v19 =	vunpack.i.l.bf16.f32 v20;
	v21 =	vmul.f32 v5, v4;
	[tilespmem:s30+$0xFFFFFFE0] =	vst v18;
	v18 =	vunpack.i.u.bf16.f32 v14  }
0xe0: {  	s2 =	simm.s32 $0xE;
	v5 =	vld.idx.msk [tilespmem:v15+s8+$0x0], $0xffff;
	v13 =	vunpack.i.u.bf16.f32 v17;
	[tilespmem:s30+$0xFFFFFFF0] =	vst v16;
	v14 =	vunpack.i.l.bf16.f32 v17;
	s20 =	simm.s32 $0x17580;
	v17 =	vmul.f32 v18, v4  }
0xe1: {  	s31 =	simm.s32 $0x14440;
	s1 =	simm.s32 $0x10;
	v16 =	vunpack.i.u.bf16.f32 v20;
	v15 =	vunpack.i.u.bf16.f32 v12;
	v18 =	vmov s2;
	[tilespmem:s20+$0x0] =	vst v21  }
.LBB2_5:
0xe2: {  	p2 =	slt.u32 s1, $0x7C;
	v18 =	vand.u32 $0xFFFFFFFE, v18;
	v19 =	vmul.f32 v19, v6;
	[tilespmem:s20+$0x10] =	vst v17;
	v12 =	vunpack.i.l.bf16.f32 v12  }
0xe3: {  	v16 =	vmul.f32 v16, v6;
	v20 =	vunpack.i.u.bf16.f32 v11;
	v17 =	vbroadcast v18, $0x0;
	v18 =	vld [tilespmem:s19+$0x10];
	[tilespmem:s25+$0x70] =	vst v7;
	s25 =	smov.u32 s30;
	s30 =	smov.u32 s20  }
0xe4: {  	v13 =	vmul.f32 v13, v3;
	v11 =	vunpack.i.l.bf16.f32 v11;
	v7 =	vmul.f32 v14, v3;
	[tilespmem:s20+$0xFFFFFFC0] =	vst v19  }
0xe5: {  	v12 =	vmul.f32 v12, v5;
	v14 =	vmul.f32 v15, v5;
	v15 =	vunpack.i.u.bf16.f32 v9;
	v10 =	vld.idx.msk [tilespmem:v10+s8+$0x0], $0xffff;
	[tilespmem:s20+$0xFFFFFFD0] =	vst v16  }
0xe6: {  	v11 =	vmul.f32 v11, v1;
	v19 =	vmul.f32 v20, v1;
	v1 =	vmovc v3;
	[tilespmem:s20+$0xFFFFFF80] =	vst v7;
	v16 =	vld [tilespmem:s19+$0xFFFFFFF0];
	v7 =	vunpack.i.l.bf16.f32 v9  }
0xe7: {  	s19 =	sadd.s32 $0x80, s19;
	v8 =	vld.idx.msk [tilespmem:v8+s8+$0x0], $0xffff;
	[tilespmem:s20+$0xFFFFFF90] =	vst v13;
	v20 =	vmul.f32 v7, v2;
	v7 =	vmul.f32 v15, v2;
	v2 =	vmov v5  }
0xe8: {  	v5 =	vld [tilespmem:s19+$0x0];
	v3 =	vunpack.i.u.bf16.f32 v18;
	v9 =	vunpack.i.l.bf16.f32 v18;
	[tilespmem:s20+$0x40] =	vst v12  }
0xe9: {  	s2 =	sadd.s32 $0x3, s9;
	s9 =	smov.u32 s1;
	v9 =	vmul.f32 v9, v4;
	v12 =	vmul.f32 v3, v4;
	v4 =	vld.idx.msk [tilespmem:v17+s8+$0x0], $0xffff;
	[tilespmem:s20+$0x50] =	vst v14  }
0xea: {  	v15 =	vmov s2;
	v14 =	vld [tilespmem:s19+$0xFFFFFFC0];
	[tilespmem:s25+$0xFFFFFFA0] =	vst v11  }
0xeb: {  	s2 =	sadd.s32 $0x1, s1;
	v11 =	vmov s1;
	v21 =	vld [tilespmem:s19+$0xFFFFFFE0];
	v13 =	vunpack.i.u.bf16.f32 v16;
	v16 =	vunpack.i.l.bf16.f32 v16;
	[tilespmem:s20+$0x30] =	vst v12;
	v3 =	vmovc v10  }
0xec: {  	v10 =	vmov s2;
	v12 =	vld [tilespmem:s19+$0x20];
	v16 =	vmul.f32 v16, v6;
	v17 =	vmul.f32 v13, v6;
	[tilespmem:s20+$0x20] =	vst v9  }
.Ltmp1:
0xed: {  	v9 =	vand.u32 $0xFFFFFFFC, v11;
	v13 =	vand.u32 $0xFFFFFFFD, v10;
	v6 =	vmov v8;
	v11 =	vld [tilespmem:s31+$0xFFFFFFD0];
	[tilespmem:s25+$0xFFFFFFB0] =	vst v19;
	(pc) =	sbr.rel @p2 .LBB2_5-.Ltmp1, $4  }
0xee: {  	v10 =	vbroadcast v9, $0x0;
	v8 =	vbroadcast v13, $0x0;
	v18 =	vunpack.i.l.bf16.f32 v5;
	[tilespmem:s20+$0xFFFFFFE0] =	vst v16;
	v9 =	vld [tilespmem:s31+$0x30];
	s31 =	smov.u32 s19  }
0xef: {  	v19 =	vunpack.i.u.bf16.f32 v5;
	v22 =	vmul.f32 v18, v4;
	v13 =	vunpack.i.u.bf16.f32 v14;
	v5 =	vld.idx.msk [tilespmem:v15+s8+$0x0], $0xffff;
	[tilespmem:s20+$0xFFFFFFF0] =	vst v17  }
0xf0: {  	s2 =	sadd.s32 $0x2, s1;
	v14 =	vunpack.i.l.bf16.f32 v14;
	v17 =	vmul.f32 v19, v4;
	s20 =	sadd.s32 $0x100, s20;
	v16 =	vunpack.i.u.bf16.f32 v21;
	[tilespmem:s25+$0x60] =	vst v20  }
0xf1: {  	s1 =	sadd.s32 $0x4, s1;
	v18 =	vmov s2;
	v19 =	vunpack.i.l.bf16.f32 v21;
	[tilespmem:s20+$0x0] =	vst v22;
	v15 =	vunpack.i.u.bf16.f32 v12  }
0xf2: {  	v19 =	vmul.f32 v19, v6;
	[tilespmem:s20+$0x10] =	vst v17  }
0xf3: {  	v17 =	vand.u32 $0xFFFFFFFE, v18;
	v16 =	vmul.f32 v16, v6;
	[tilespmem:s25+$0x70] =	vst v7  }
0xf4: {  	v14 =	vmul.f32 v14, v3;
	v18 =	vld [tilespmem:s19+$0x10];
	v7 =	vbroadcast v17, $0x0;
	[tilespmem:s20+$0xFFFFFFC0] =	vst v19  }
0xf5: {  	v12 =	vunpack.i.l.bf16.f32 v12;
	v13 =	vmul.f32 v13, v3;
	[tilespmem:s20+$0xFFFFFFD0] =	vst v16  }
0xf6: {  	v12 =	vmul.f32 v12, v5;
	[tilespmem:s20+$0xFFFFFF80] =	vst v14;
	v14 =	vld [tilespmem:s19+$0xFFFFFFF0]  }
0xf7: {  	v16 =	vunpack.i.l.bf16.f32 v11;
	v15 =	vmul.f32 v15, v5;
	[tilespmem:s20+$0xFFFFFF90] =	vst v13  }
0xf8: {  	s1 =	sadd.s32 $0x80, s19;
	v11 =	vunpack.i.u.bf16.f32 v11;
	v13 =	vmul.f32 v16, v1;
	[tilespmem:s20+$0x40] =	vst v12  }
0xf9: {  	v1 =	vmul.f32 v11, v1;
	v12 =	vld [tilespmem:s1+$0x0];
	[tilespmem:s20+$0x50] =	vst v15;
	v16 =	vunpack.i.u.bf16.f32 v18  }
0xfa: {  	[tilespmem:s30+$0xFFFFFFA0] =	vst v13;
	v17 =	vunpack.i.l.bf16.f32 v18;
	v16 =	vmul.f32 v16, v4;
	v7 =	vld.idx.msk [tilespmem:v7+s8+$0x0], $0xffff  }
0xfb: {  	s2 =	sadd.s32 $0x3, s9;
	[tilespmem:s30+$0xFFFFFFB0] =	vst v1;
	v4 =	vmul.f32 v17, v4;
	v11 =	vunpack.i.l.bf16.f32 v14  }
0xfc: {  	v15 =	vld [tilespmem:s1+$0xFFFFFFE0];
	v13 =	vmov s2;
	v14 =	vunpack.i.u.bf16.f32 v14;
	[tilespmem:s20+$0x30] =	vst v16;
	v11 =	vmul.f32 v11, v6  }
0xfd: {  	v8 =	vld.idx.msk [tilespmem:v8+s8+$0x0], $0xffff;
	[tilespmem:s20+$0x20] =	vst v4;
	v4 =	vunpack.i.l.bf16.f32 v9;
	v6 =	vmul.f32 v14, v6  }
0xfe: {  	v14 =	vunpack.i.l.bf16.f32 v12;
	v1 =	vmul.f32 v4, v2;
	v4 =	vld [tilespmem:s1+$0xFFFFFFC0];
	[tilespmem:s20+$0xFFFFFFE0] =	vst v11  }
0xff: {  	v10 =	vld.idx.msk [tilespmem:v10+s8+$0x0], $0xffff;
	v11 =	vunpack.i.u.bf16.f32 v12;
	[tilespmem:s20+$0xFFFFFFF0] =	vst v6;
	v12 =	vmul.f32 v14, v7  }
0x100: {  	s2 =	sadd.s32 $0x100, s20;
	v6 =	vunpack.i.u.bf16.f32 v9;
	v9 =	vld [tilespmem:s1+$0x20];
	v11 =	vmul.f32 v11, v7;
	[tilespmem:s30+$0x60] =	vst v1  }
0x101: {  	v1 =	vmul.f32 v6, v2;
	v2 =	vld.idx.msk [tilespmem:v13+s8+$0x0], $0xffff;
	v6 =	vunpack.i.l.bf16.f32 v15;
	[tilespmem:s2+$0x0] =	vst v12  }
0x102: {  	v13 =	vunpack.i.u.bf16.f32 v15;
	v6 =	vmul.f32 v6, v8;
	v12 =	vld [tilespmem:s31+$0xFFFFFFD0];
	[tilespmem:s2+$0x10] =	vst v11  }
0x103: {  	v13 =	vmul.f32 v13, v8;
	[tilespmem:s30+$0x70] =	vst v1;
	v11 =	vunpack.i.l.bf16.f32 v4  }
0x104: {  	v14 =	vld [tilespmem:s1+$0x10];
	v1 =	vunpack.i.u.bf16.f32 v4;
	[tilespmem:s2+$0xFFFFFFC0] =	vst v6;
	v4 =	vmul.f32 v11, v10  }
0x105: {  	[tilespmem:s2+$0xFFFFFFD0] =	vst v13;
	v6 =	vunpack.i.l.bf16.f32 v9;
	v1 =	vmul.f32 v1, v10;
	v9 =	vunpack.i.u.bf16.f32 v9  }
0x106: {  	v9 =	vmul.f32 v9, v2;
	[tilespmem:s2+$0xFFFFFF80] =	vst v4;
	v4 =	vld [tilespmem:s1+$0xFFFFFFF0]  }
0x107: {  	v6 =	vmul.f32 v6, v2;
	[tilespmem:s2+$0xFFFFFF90] =	vst v1;
	v11 =	vunpack.i.l.bf16.f32 v12  }
0x108: {  	v1 =	vld [tilespmem:s31+$0x30];
	[tilespmem:s2+$0x50] =	vst v9;
	v9 =	vunpack.i.u.bf16.f32 v12;
	v11 =	vmul.f32 v11, v3  }
0x109: {  	[tilespmem:s2+$0x40] =	vst v6;
	v13 =	vunpack.i.u.bf16.f32 v14;
	v6 =	vunpack.i.l.bf16.f32 v14;
	v3 =	vmul.f32 v9, v3  }
0x10a: {  	v13 =	vmul.f32 v13, v7;
	v6 =	vmul.f32 v6, v7;
	v7 =	vld [tilespmem:s1+$0xFFFFFFD0];
	[tilespmem:s20+$0xFFFFFFA0] =	vst v11  }
0x10b: {  	[tilespmem:s20+$0xFFFFFFB0] =	vst v3;
	v9 =	vunpack.i.l.bf16.f32 v4  }
0x10c: {  	v4 =	vunpack.i.u.bf16.f32 v4;
	[tilespmem:s2+$0x20] =	vst v6;
	v6 =	vld [tilespmem:s1+$0x30];
	v9 =	vmul.f32 v9, v8  }
0x10d: {  	[tilespmem:s2+$0x30] =	vst v13;
	v11 =	vunpack.i.l.bf16.f32 v1;
	v4 =	vmul.f32 v4, v8  }
0x10e: {  	v1 =	vunpack.i.u.bf16.f32 v1;
	v3 =	vmul.f32 v11, v5;
	[tilespmem:s2+$0xFFFFFFE0] =	vst v9  }
0x10f: {  	v1 =	vmul.f32 v1, v5;
	[tilespmem:s2+$0xFFFFFFF0] =	vst v4;
	v4 =	vunpack.i.l.bf16.f32 v7  }
0x110: {  	[tilespmem:s20+$0x60] =	vst v3;
	v3 =	vunpack.i.u.bf16.f32 v7;
	v4 =	vmul.f32 v4, v10  }
0x111: {  	[tilespmem:s20+$0x70] =	vst v1;
	v1 =	vmul.f32 v3, v10;
	v3 =	vunpack.i.l.bf16.f32 v6  }
0x112: {  	v5 =	vunpack.i.u.bf16.f32 v6;
	v3 =	vmul.f32 v3, v2;
	[tilespmem:s2+$0xFFFFFFA0] =	vst v4  }
0x113: {  	v2 =	vmul.f32 v5, v2;
	[tilespmem:s2+$0xFFFFFFB0] =	vst v1  }
0x114: {  	[tilespmem:s2+$0x60] =	vst v3  }
0x115: {  	s19 =	simm.s32 $0x17300;
	s20 =	simm.s32 $0x13D00;
	[tilespmem:s2+$0x70] =	vst v2  }
0x116: {  	[spmem:s22] =	stream.indirect.scatter.add.f32 [tilespmem:s19], [sflag:$0xA], $0x40, s20, s17, $0xb8;
	[tilespmem:$0x1D300] =	vst v63  }
0x117: {  	s25 =	rddreg [dreg:$0x15]  }
0x118: {  	s1 =	sadd.s32 s14, s25  }
0x119: {  	s2 =	simm.s32 @!p1 $0xC;
	p2 =	slt.u32 s1, $0x4E200  }
0x11a: {  	s19 =	simm.s32 $0x0;
	_ =	swait.ge @!p1 [sflag:s2], $0x2000;
	s9 =	sadd.s32 @!p2 $0xFFFB1E00, s1  }
0x11b: {  	[sflag:s2] =	ssyncset.done @!p1 $0x0;
	s9 =	smov.u32 @p2 s1;
	s1 =	smov.u32 s5  }
0x11c: {  	[sflag:s2] =	ssyncadd.s32 @!p1 $0xFFFFE000;
	s1 =	smov.u32 @p2 s4;
	s9 =	sshrl.u32 s9, $0x3  }
0x11d: {  	s25 =	simm.s32 $0x13C80;
	s2 =	rddreg [dreg:$0x2];
	s1 =	sadd.s32 s1, s9  }
0x11e: {  	[tilespmem:s25], [sflag:$0x6] =	stream.linear.gather [hbm4b:s1+s19], $0x80, $0x38;
	[tilespmem:$0x1D300] =	vst v63  }
0x11f: {  	s20 =	smov.u32 s6;
	s2 =	smov.u32 @p2 s3;
	s1 =	rddreg [dreg:$0x1]  }
0x120: {  	s2 =	sadd.s32 s2, s9;
	s25 =	simm.s32 $0x13F80;
	s20 =	smov.u32 @p2 s1  }
0x121: {  	[tilespmem:s25], [sflag:$0x6] =	stream.linear.gather [hbm4b:s2+s19], $0x80, $0x38;
	[tilespmem:$0x1D300] =	vst v63  }
0x122: {  	s9 =	sadd.s32 s20, s9  }
0x123: {  	[tilespmem:s15], [sflag:$0x6] =	stream.linear.gather [hbm4b:s9+s19], $0x80, $0x38;
	[tilespmem:$0x1D300] =	vst v63  }
0x124: {  	_ =	swait.ge [sflag:s18], $0x80  }
0x125: {  	[sflag:s18] =	ssyncset.done $0x0  }
0x126: {  	[sflag:s18] =	ssyncadd.s32 $0xFFFFFF80  }
0x127: {  	_ =	swait.ge [sflag:s18], $0x80  }
0x128: {  	[sflag:s18] =	ssyncset.done $0x0  }
0x129: {  	s20 =	simm.s32 $0x2;
	[sflag:s18] =	ssyncadd.s32 $0xFFFFFF80  }
0x12a: {  	v1 =	vmov s20;
	_ =	swait.ge [sflag:s18], $0x80  }
0x12b: {  	s25 =	simm.s32 $0x1;
	v1 =	vand.u32 $0xFFFFFFFE, v1;
	[sflag:s18] =	ssyncset.done $0x0  }
0x12c: {  	s2 =	simm.s32 $0x13B80;
	v2 =	vmov s25;
	s9 =	simm.s32 $0x14300;
	v1 =	vbroadcast v1, $0x0;
	[sflag:s18] =	ssyncadd.s32 $0xFFFFFF80  }
0x12d: {  	v2 =	vand.u32 $0xFFFFFFFD, v2;
	[tilespmem:s9], [sflag:$0x7] =	stream.indirect.gather [hbm4b:s23+s17], $0x20, s2, s17, $0xb8;
	[tilespmem:$0x1D300] =	vst v63  }
0x12e: {  	v2 =	vbroadcast v2, $0x0;
	_ =	swait.ge [sflag:s16], $0x1000  }
0x12f: {  	[sflag:s16] =	ssyncset.done $0x0  }
0x130: {  	s1 =	simm.s32 $0x15340;
	[sflag:s16] =	ssyncadd.s32 $0xFFFFF000  }
0x131: {  	v3 =	vmov s19;
	s25 =	simm.s32 $0x3;
	v4 =	vld [tilespmem:s1+$0x0]  }
0x132: {  	v3 =	vand.u32 $0xFFFFFFFC, v3;
	v6 =	vmov s25;
	v5 =	vld.idx.msk [tilespmem:v1+s10+$0x0], $0xffff  }
0x133: {  	v3 =	vbroadcast v3, $0x0;
	v1 =	vld [tilespmem:s1+$0xFFFFFFE0]  }
0x134: {  	s20 =	simm.s32 $0x4;
	v2 =	vld.idx.msk [tilespmem:v2+s10+$0x0], $0xffff  }
0x135: {  	v7 =	vmov s20  }
0x136: {  	s19 =	simm.s32 $0x6;
	v7 =	vand.u32 $0xFFFFFFFC, v7;
	v12 =	vld [tilespmem:s1+$0x20];
	v8 =	vunpack.i.l.bf16.f32 v4  }
0x137: {  	v10 =	vmov s19;
	v6 =	vld.idx.msk [tilespmem:v6+s10+$0x0], $0xffff;
	v4 =	vunpack.i.u.bf16.f32 v4;
	v8 =	vmul.f32 v8, v5  }
0x138: {  	s25 =	simm.s32 $0x19380;
	v9 =	vld [tilespmem:s1+$0xFFFFFFC0];
	v11 =	vunpack.i.l.bf16.f32 v1;
	v1 =	vunpack.i.u.bf16.f32 v1;
	v4 =	vmul.f32 v4, v5  }
0x139: {  	s20 =	simm.s32 $0x5;
	v10 =	vand.u32 $0xFFFFFFFE, v10;
	v7 =	vbroadcast v7, $0x0;
	v3 =	vld.idx.msk [tilespmem:v3+s10+$0x0], $0xffff;
	v1 =	vmul.f32 v1, v2;
	[tilespmem:s25+$0x0] =	vst v8  }
0x13a: {  	v10 =	vbroadcast v10, $0x0;
	v8 =	vmul.f32 v11, v2;
	v11 =	vmov s20;
	[tilespmem:s25+$0x10] =	vst v4  }
0x13b: {  	v13 =	vunpack.i.l.bf16.f32 v12;
	[tilespmem:s25+$0xFFFFFFD0] =	vst v1;
	v4 =	vand.u32 $0xFFFFFFFD, v11;
	v11 =	vld [tilespmem:s1+$0x10]  }
0x13c: {  	v13 =	vmul.f32 v13, v6;
	[tilespmem:s25+$0xFFFFFFC0] =	vst v8  }
0x13d: {  	v1 =	vunpack.i.u.bf16.f32 v9;
	s20 =	simm.s32 $0x153C0;
	v4 =	vbroadcast v4, $0x0;
	v8 =	vunpack.i.l.bf16.f32 v9;
	v9 =	vld [tilespmem:s1+$0xFFFFFFF0]  }
0x13e: {  	v15 =	vld [tilespmem:s20+$0x0];
	v8 =	vmul.f32 v8, v3  }
0x13f: {  	v12 =	vunpack.i.u.bf16.f32 v12;
	[tilespmem:s25+$0x40] =	vst v13;
	v14 =	vmul.f32 v1, v3;
	v1 =	vld.idx.msk [tilespmem:v7+s10+$0x0], $0xffff  }
0x140: {  	v7 =	vmul.f32 v12, v6;
	[tilespmem:s25+$0xFFFFFF80] =	vst v8;
	v8 =	vld.idx.msk [tilespmem:v10+s10+$0x0], $0xffff;
	v10 =	vunpack.i.u.bf16.f32 v11;
	v11 =	vunpack.i.l.bf16.f32 v11  }
0x141: {  	s9 =	simm.s32 $0x7;
	v12 =	vld [tilespmem:s20+$0xFFFFFFE0];
	[tilespmem:s25+$0xFFFFFF90] =	vst v14;
	v11 =	vmul.f32 v11, v5;
	v5 =	vmul.f32 v10, v5  }
0x142: {  	s19 =	simm.s32 $0x8;
	[tilespmem:s25+$0x50] =	vst v7;
	v14 =	vld [tilespmem:s20+$0xFFFFFFC0];
	v10 =	vmov s9;
	v7 =	vunpack.i.u.bf16.f32 v9;
	v9 =	vunpack.i.l.bf16.f32 v9  }
0x143: {  	v16 =	vunpack.i.l.bf16.f32 v15;
	s9 =	simm.s32 $0x9;
	v13 =	vld.idx.msk [tilespmem:v4+s10+$0x0], $0xffff;
	v4 =	vmov s19;
	[tilespmem:s25+$0x30] =	vst v5;
	v9 =	vmul.f32 v9, v2  }
0x144: {  	v5 =	vmov s9;
	v7 =	vmul.f32 v7, v2;
	[tilespmem:s25+$0x20] =	vst v11;
	v2 =	vunpack.i.u.bf16.f32 v15  }
0x145: {  	v17 =	vld [tilespmem:s20+$0x20];
	s19 =	simm.s32 $0xA;
	v4 =	vand.u32 $0xFFFFFFFC, v4;
	v11 =	vmul.f32 v16, v8;
	v5 =	vand.u32 $0xFFFFFFFD, v5;
	[tilespmem:s25+$0xFFFFFFE0] =	vst v9  }
0x146: {  	s30 =	simm.s32 $0x19480;
	v15 =	vld [tilespmem:s1+$0xFFFFFFD0];
	v16 =	vbroadcast v4, $0x0;
	v4 =	vmov s19;
	v9 =	vmul.f32 v2, v8;
	[tilespmem:s25+$0xFFFFFFF0] =	vst v7  }
0x147: {  	v4 =	vand.u32 $0xFFFFFFFE, v4;
	v7 =	vunpack.i.l.bf16.f32 v14;
	v2 =	vld.idx.msk [tilespmem:v10+s10+$0x0], $0xffff;
	v10 =	vunpack.i.l.bf16.f32 v12;
	[tilespmem:s30+$0x0] =	vst v11  }
0x148: {  	v5 =	vbroadcast v5, $0x0;
	v11 =	vld [tilespmem:s1+$0x30];
	v12 =	vunpack.i.u.bf16.f32 v12;
	v10 =	vmul.f32 v10, v13;
	[tilespmem:s30+$0x10] =	vst v9  }
0x149: {  	v14 =	vunpack.i.u.bf16.f32 v14;
	v4 =	vbroadcast v4, $0x0;
	v9 =	vmul.f32 v12, v13;
	v12 =	vld [tilespmem:s20+$0x10]  }
0x14a: {  	v7 =	vmul.f32 v7, v1;
	v14 =	vmul.f32 v14, v1;
	[tilespmem:s30+$0xFFFFFFC0] =	vst v10  }
0x14b: {  	v10 =	vunpack.i.u.bf16.f32 v17;
	[tilespmem:s30+$0xFFFFFFD0] =	vst v9;
	v9 =	vunpack.i.u.bf16.f32 v15;
	v15 =	vunpack.i.l.bf16.f32 v15  }
0x14c: {  	s19 =	simm.s32 $0x15440;
	[tilespmem:s30+$0xFFFFFF80] =	vst v7;
	v17 =	vunpack.i.l.bf16.f32 v17;
	v18 =	vld [tilespmem:s20+$0xFFFFFFF0];
	v15 =	vmul.f32 v15, v3;
	v9 =	vmul.f32 v9, v3  }
0x14d: {  	v20 =	vld [tilespmem:s19+$0xFFFFFFE0];
	[tilespmem:s30+$0xFFFFFF90] =	vst v14;
	v17 =	vmul.f32 v17, v2;
	v7 =	vmul.f32 v10, v2  }
0x14e: {  	v14 =	vld [tilespmem:s19+$0x0];
	v10 =	vunpack.i.u.bf16.f32 v11;
	v3 =	vunpack.i.l.bf16.f32 v11;
	[tilespmem:s25+$0xFFFFFFA0] =	vst v15;
	v11 =	vunpack.i.u.bf16.f32 v12  }
0x14f: {  	s2 =	simm.s32 $0xB;
	v19 =	vmul.f32 v3, v6;
	v4 =	vld.idx.msk [tilespmem:v4+s10+$0x0], $0xffff;
	[tilespmem:s30+$0x40] =	vst v17;
	v3 =	vunpack.i.l.bf16.f32 v12;
	v11 =	vmul.f32 v11, v8  }
0x150: {  	s9 =	simm.s32 $0xC;
	v15 =	vmov s2;
	[tilespmem:s30+$0x50] =	vst v7;
	v17 =	vld [tilespmem:s19+$0xFFFFFFC0];
	v3 =	vmul.f32 v3, v8  }
0x151: {  	s2 =	simm.s32 $0xD;
	v7 =	vmul.f32 v10, v6;
	v6 =	vmov s9;
	v12 =	vld [tilespmem:s19+$0x20];
	v8 =	vunpack.i.l.bf16.f32 v18;
	[tilespmem:s30+$0x30] =	vst v11  }
0x152: {  	v10 =	vunpack.i.u.bf16.f32 v18;
	v11 =	vmov s2;
	v18 =	vmul.f32 v8, v13;
	[tilespmem:s30+$0x20] =	vst v3;
	v3 =	vld.idx.msk [tilespmem:v16+s10+$0x0], $0xffff  }
0x153: {  	[tilespmem:s25+$0xFFFFFFB0] =	vst v9;
	v16 =	vmul.f32 v10, v13;
	v8 =	vand.u32 $0xFFFFFFFC, v6;
	v6 =	vld.idx.msk [tilespmem:v5+s10+$0x0], $0xffff;
	v11 =	vand.u32 $0xFFFFFFFD, v11  }
0x154: {  	[tilespmem:s25+$0x60] =	vst v19;
	v5 =	vunpack.i.l.bf16.f32 v14;
	v10 =	vbroadcast v8, $0x0;
	v8 =	vbroadcast v11, $0x0;
	v11 =	vld [tilespmem:s20+$0xFFFFFFD0]  }
0x155: {  	v9 =	vld [tilespmem:s20+$0x30];
	v19 =	vunpack.i.l.bf16.f32 v20;
	v21 =	vmul.f32 v5, v4;
	[tilespmem:s30+$0xFFFFFFE0] =	vst v18;
	v18 =	vunpack.i.u.bf16.f32 v14  }
0x156: {  	s2 =	simm.s32 $0xE;
	v5 =	vld.idx.msk [tilespmem:v15+s10+$0x0], $0xffff;
	v13 =	vunpack.i.u.bf16.f32 v17;
	[tilespmem:s30+$0xFFFFFFF0] =	vst v16;
	v14 =	vunpack.i.l.bf16.f32 v17;
	s20 =	simm.s32 $0x19580;
	v17 =	vmul.f32 v18, v4  }
0x157: {  	s31 =	simm.s32 $0x15440;
	s1 =	simm.s32 $0x10;
	v16 =	vunpack.i.u.bf16.f32 v20;
	v15 =	vunpack.i.u.bf16.f32 v12;
	v18 =	vmov s2;
	[tilespmem:s20+$0x0] =	vst v21  }
.LBB2_7:
0x158: {  	p1 =	slt.u32 s1, $0x7C;
	v18 =	vand.u32 $0xFFFFFFFE, v18;
	v19 =	vmul.f32 v19, v6;
	[tilespmem:s20+$0x10] =	vst v17;
	v12 =	vunpack.i.l.bf16.f32 v12  }
0x159: {  	v16 =	vmul.f32 v16, v6;
	v20 =	vunpack.i.u.bf16.f32 v11;
	v17 =	vbroadcast v18, $0x0;
	v18 =	vld [tilespmem:s19+$0x10];
	[tilespmem:s25+$0x70] =	vst v7;
	s25 =	smov.u32 s30;
	s30 =	smov.u32 s20  }
0x15a: {  	v13 =	vmul.f32 v13, v3;
	v11 =	vunpack.i.l.bf16.f32 v11;
	v7 =	vmul.f32 v14, v3;
	[tilespmem:s20+$0xFFFFFFC0] =	vst v19  }
0x15b: {  	v12 =	vmul.f32 v12, v5;
	v14 =	vmul.f32 v15, v5;
	v15 =	vunpack.i.u.bf16.f32 v9;
	v10 =	vld.idx.msk [tilespmem:v10+s10+$0x0], $0xffff;
	[tilespmem:s20+$0xFFFFFFD0] =	vst v16  }
0x15c: {  	v11 =	vmul.f32 v11, v1;
	v19 =	vmul.f32 v20, v1;
	v1 =	vmovc v3;
	[tilespmem:s20+$0xFFFFFF80] =	vst v7;
	v16 =	vld [tilespmem:s19+$0xFFFFFFF0];
	v7 =	vunpack.i.l.bf16.f32 v9  }
0x15d: {  	s19 =	sadd.s32 $0x80, s19;
	v8 =	vld.idx.msk [tilespmem:v8+s10+$0x0], $0xffff;
	[tilespmem:s20+$0xFFFFFF90] =	vst v13;
	v20 =	vmul.f32 v7, v2;
	v7 =	vmul.f32 v15, v2;
	v2 =	vmov v5  }
0x15e: {  	v5 =	vld [tilespmem:s19+$0x0];
	v3 =	vunpack.i.u.bf16.f32 v18;
	v9 =	vunpack.i.l.bf16.f32 v18;
	[tilespmem:s20+$0x40] =	vst v12  }
0x15f: {  	s2 =	sadd.s32 $0x3, s9;
	s9 =	smov.u32 s1;
	v9 =	vmul.f32 v9, v4;
	v12 =	vmul.f32 v3, v4;
	v4 =	vld.idx.msk [tilespmem:v17+s10+$0x0], $0xffff;
	[tilespmem:s20+$0x50] =	vst v14  }
0x160: {  	v15 =	vmov s2;
	v14 =	vld [tilespmem:s19+$0xFFFFFFC0];
	[tilespmem:s25+$0xFFFFFFA0] =	vst v11  }
0x161: {  	s2 =	sadd.s32 $0x1, s1;
	v11 =	vmov s1;
	v21 =	vld [tilespmem:s19+$0xFFFFFFE0];
	v13 =	vunpack.i.u.bf16.f32 v16;
	v16 =	vunpack.i.l.bf16.f32 v16;
	[tilespmem:s20+$0x30] =	vst v12;
	v3 =	vmovc v10  }
0x162: {  	v10 =	vmov s2;
	v12 =	vld [tilespmem:s19+$0x20];
	v16 =	vmul.f32 v16, v6;
	v17 =	vmul.f32 v13, v6;
	[tilespmem:s20+$0x20] =	vst v9  }
.Ltmp2:
0x163: {  	v9 =	vand.u32 $0xFFFFFFFC, v11;
	v13 =	vand.u32 $0xFFFFFFFD, v10;
	v6 =	vmov v8;
	v11 =	vld [tilespmem:s31+$0xFFFFFFD0];
	[tilespmem:s25+$0xFFFFFFB0] =	vst v19;
	(pc) =	sbr.rel @p1 .LBB2_7-.Ltmp2, $4  }
0x164: {  	v10 =	vbroadcast v9, $0x0;
	v8 =	vbroadcast v13, $0x0;
	v18 =	vunpack.i.l.bf16.f32 v5;
	[tilespmem:s20+$0xFFFFFFE0] =	vst v16;
	v9 =	vld [tilespmem:s31+$0x30];
	s31 =	smov.u32 s19  }
0x165: {  	v19 =	vunpack.i.u.bf16.f32 v5;
	v22 =	vmul.f32 v18, v4;
	v13 =	vunpack.i.u.bf16.f32 v14;
	v5 =	vld.idx.msk [tilespmem:v15+s10+$0x0], $0xffff;
	[tilespmem:s20+$0xFFFFFFF0] =	vst v17  }
0x166: {  	s2 =	sadd.s32 $0x2, s1;
	v14 =	vunpack.i.l.bf16.f32 v14;
	v17 =	vmul.f32 v19, v4;
	s20 =	sadd.s32 $0x100, s20;
	v16 =	vunpack.i.u.bf16.f32 v21;
	[tilespmem:s25+$0x60] =	vst v20  }
0x167: {  	s1 =	sadd.s32 $0x4, s1;
	v18 =	vmov s2;
	v19 =	vunpack.i.l.bf16.f32 v21;
	[tilespmem:s20+$0x0] =	vst v22;
	v15 =	vunpack.i.u.bf16.f32 v12  }
0x168: {  	v19 =	vmul.f32 v19, v6;
	[tilespmem:s20+$0x10] =	vst v17  }
0x169: {  	v17 =	vand.u32 $0xFFFFFFFE, v18;
	v16 =	vmul.f32 v16, v6;
	[tilespmem:s25+$0x70] =	vst v7  }
0x16a: {  	v14 =	vmul.f32 v14, v3;
	v18 =	vld [tilespmem:s19+$0x10];
	v7 =	vbroadcast v17, $0x0;
	[tilespmem:s20+$0xFFFFFFC0] =	vst v19  }
0x16b: {  	v12 =	vunpack.i.l.bf16.f32 v12;
	v13 =	vmul.f32 v13, v3;
	[tilespmem:s20+$0xFFFFFFD0] =	vst v16  }
0x16c: {  	v12 =	vmul.f32 v12, v5;
	[tilespmem:s20+$0xFFFFFF80] =	vst v14;
	v14 =	vld [tilespmem:s19+$0xFFFFFFF0]  }
0x16d: {  	v16 =	vunpack.i.l.bf16.f32 v11;
	v15 =	vmul.f32 v15, v5;
	[tilespmem:s20+$0xFFFFFF90] =	vst v13  }
0x16e: {  	s1 =	sadd.s32 $0x80, s19;
	v11 =	vunpack.i.u.bf16.f32 v11;
	v13 =	vmul.f32 v16, v1;
	[tilespmem:s20+$0x40] =	vst v12  }
0x16f: {  	v1 =	vmul.f32 v11, v1;
	v12 =	vld [tilespmem:s1+$0x0];
	[tilespmem:s20+$0x50] =	vst v15;
	v16 =	vunpack.i.u.bf16.f32 v18  }
0x170: {  	[tilespmem:s30+$0xFFFFFFA0] =	vst v13;
	v17 =	vunpack.i.l.bf16.f32 v18;
	v16 =	vmul.f32 v16, v4;
	v7 =	vld.idx.msk [tilespmem:v7+s10+$0x0], $0xffff  }
0x171: {  	s2 =	sadd.s32 $0x3, s9;
	[tilespmem:s30+$0xFFFFFFB0] =	vst v1;
	v4 =	vmul.f32 v17, v4;
	v11 =	vunpack.i.l.bf16.f32 v14  }
0x172: {  	v15 =	vld [tilespmem:s1+$0xFFFFFFE0];
	v13 =	vmov s2;
	v14 =	vunpack.i.u.bf16.f32 v14;
	[tilespmem:s20+$0x30] =	vst v16;
	v11 =	vmul.f32 v11, v6  }
0x173: {  	v8 =	vld.idx.msk [tilespmem:v8+s10+$0x0], $0xffff;
	[tilespmem:s20+$0x20] =	vst v4;
	v4 =	vunpack.i.l.bf16.f32 v9;
	v6 =	vmul.f32 v14, v6  }
0x174: {  	v14 =	vunpack.i.l.bf16.f32 v12;
	v1 =	vmul.f32 v4, v2;
	v4 =	vld [tilespmem:s1+$0xFFFFFFC0];
	[tilespmem:s20+$0xFFFFFFE0] =	vst v11  }
0x175: {  	v10 =	vld.idx.msk [tilespmem:v10+s10+$0x0], $0xffff;
	v11 =	vunpack.i.u.bf16.f32 v12;
	[tilespmem:s20+$0xFFFFFFF0] =	vst v6;
	v12 =	vmul.f32 v14, v7  }
0x176: {  	s2 =	sadd.s32 $0x100, s20;
	v6 =	vunpack.i.u.bf16.f32 v9;
	v9 =	vld [tilespmem:s1+$0x20];
	v11 =	vmul.f32 v11, v7;
	[tilespmem:s30+$0x60] =	vst v1  }
0x177: {  	v1 =	vmul.f32 v6, v2;
	v2 =	vld.idx.msk [tilespmem:v13+s10+$0x0], $0xffff;
	v6 =	vunpack.i.l.bf16.f32 v15;
	[tilespmem:s2+$0x0] =	vst v12  }
0x178: {  	v13 =	vunpack.i.u.bf16.f32 v15;
	v6 =	vmul.f32 v6, v8;
	v12 =	vld [tilespmem:s31+$0xFFFFFFD0];
	[tilespmem:s2+$0x10] =	vst v11  }
0x179: {  	v13 =	vmul.f32 v13, v8;
	[tilespmem:s30+$0x70] =	vst v1;
	v11 =	vunpack.i.l.bf16.f32 v4  }
0x17a: {  	v14 =	vld [tilespmem:s1+$0x10];
	v1 =	vunpack.i.u.bf16.f32 v4;
	[tilespmem:s2+$0xFFFFFFC0] =	vst v6;
	v4 =	vmul.f32 v11, v10  }
0x17b: {  	[tilespmem:s2+$0xFFFFFFD0] =	vst v13;
	v6 =	vunpack.i.l.bf16.f32 v9;
	v1 =	vmul.f32 v1, v10;
	v9 =	vunpack.i.u.bf16.f32 v9  }
0x17c: {  	v9 =	vmul.f32 v9, v2;
	[tilespmem:s2+$0xFFFFFF80] =	vst v4;
	v4 =	vld [tilespmem:s1+$0xFFFFFFF0]  }
0x17d: {  	v6 =	vmul.f32 v6, v2;
	[tilespmem:s2+$0xFFFFFF90] =	vst v1;
	v11 =	vunpack.i.l.bf16.f32 v12  }
0x17e: {  	v1 =	vld [tilespmem:s31+$0x30];
	[tilespmem:s2+$0x50] =	vst v9;
	v9 =	vunpack.i.u.bf16.f32 v12;
	v11 =	vmul.f32 v11, v3  }
0x17f: {  	[tilespmem:s2+$0x40] =	vst v6;
	v13 =	vunpack.i.u.bf16.f32 v14;
	v6 =	vunpack.i.l.bf16.f32 v14;
	v3 =	vmul.f32 v9, v3  }
0x180: {  	v13 =	vmul.f32 v13, v7;
	v6 =	vmul.f32 v6, v7;
	v7 =	vld [tilespmem:s1+$0xFFFFFFD0];
	[tilespmem:s20+$0xFFFFFFA0] =	vst v11  }
0x181: {  	[tilespmem:s20+$0xFFFFFFB0] =	vst v3;
	v9 =	vunpack.i.l.bf16.f32 v4  }
0x182: {  	v4 =	vunpack.i.u.bf16.f32 v4;
	[tilespmem:s2+$0x20] =	vst v6;
	v6 =	vld [tilespmem:s1+$0x30];
	v9 =	vmul.f32 v9, v8  }
0x183: {  	[tilespmem:s2+$0x30] =	vst v13;
	v11 =	vunpack.i.l.bf16.f32 v1;
	v4 =	vmul.f32 v4, v8  }
0x184: {  	v1 =	vunpack.i.u.bf16.f32 v1;
	v3 =	vmul.f32 v11, v5;
	[tilespmem:s2+$0xFFFFFFE0] =	vst v9  }
0x185: {  	v1 =	vmul.f32 v1, v5;
	[tilespmem:s2+$0xFFFFFFF0] =	vst v4;
	v4 =	vunpack.i.l.bf16.f32 v7  }
0x186: {  	[tilespmem:s20+$0x60] =	vst v3;
	v3 =	vunpack.i.u.bf16.f32 v7;
	v4 =	vmul.f32 v4, v10  }
0x187: {  	[tilespmem:s20+$0x70] =	vst v1;
	v1 =	vmul.f32 v3, v10;
	v3 =	vunpack.i.l.bf16.f32 v6  }
0x188: {  	v5 =	vunpack.i.u.bf16.f32 v6;
	v3 =	vmul.f32 v3, v2;
	[tilespmem:s2+$0xFFFFFFA0] =	vst v4  }
0x189: {  	v2 =	vmul.f32 v5, v2;
	[tilespmem:s2+$0xFFFFFFB0] =	vst v1  }
0x18a: {  	[tilespmem:s2+$0x60] =	vst v3  }
0x18b: {  	s9 =	simm.s32 $0x13D80;
	s19 =	simm.s32 $0x19300;
	[tilespmem:s2+$0x70] =	vst v2  }
0x18c: {  	[spmem:s22] =	stream.indirect.scatter.add.f32 [tilespmem:s19], [sflag:$0xB], $0x40, s9, s17, $0xb8;
	[tilespmem:$0x1D300] =	vst v63  }
0x18d: {  	p1 =	seq.s32 s12, $0x4A;
	s1 =	rddreg [dreg:$0x16]  }
0x18e: {  	s1 =	sadd.s32 @!p1 s14, s1  }
0x18f: {  	s20 =	simm.s32 @!p1 $0x13A00;
	_ =	swait.ge [sflag:s26], $0x2000;
	p2 =	slt.u32 @!p1 s1, $0x4E200  }
0x190: {  	s9 =	smov.u32 s3;
	[sflag:s26] =	ssyncset.done $0x0;
	p3 =	por p2, p1  }
0x191: {  	p2 =	por !p2, p1;
	[sflag:s26] =	ssyncadd.s32 $0xFFFFE000;
	s2 =	sadd.s32 @!p3 $0xFFFB1E00, s1  }
0x192: {  	s19 =	rddreg [dreg:$0x2];
	s1 =	smov.u32 @p2 s2;
	s2 =	smov.u32 s4  }
0x193: {  	s25 =	rddreg [dreg:$0x1];
	s2 =	smov.u32 @p2 s5;
	s1 =	sshrl.u32 @!p1 s1, $0x3  }
0x194: {  	s9 =	smov.u32 @p2 s19;
	s19 =	simm.s32 @!p1 $0x0;
	s2 =	sadd.s32 @!p1 s2, s1  }
0x195: {  	[tilespmem:s20], [sflag:$0x1] =	stream.linear.gather @!p1 [hbm4b:s2+s19], $0x80, $0x38;
	[tilespmem:$0x1D300] =	vst v63  }
0x196: {  	s25 =	smov.u32 @p2 s6;
	s2 =	sadd.s32 @!p1 s9, s1;
	s9 =	simm.s32 @!p1 $0x13D00  }
0x197: {  	[tilespmem:s9], [sflag:$0x1] =	stream.linear.gather @!p1 [hbm4b:s2+s19], $0x80, $0x38;
	[tilespmem:$0x1D300] =	vst v63  }
0x198: {  	s1 =	sadd.s32 @!p1 s25, s1;
	s2 =	simm.s32 @!p1 $0x14000  }
0x199: {  	[tilespmem:s2], [sflag:$0x1] =	stream.linear.gather @!p1 [hbm4b:s1+s19], $0x80, $0x38;
	[tilespmem:$0x1D300] =	vst v63  }
0x19a: {  	_ =	swait.ge [sflag:s28], $0x80  }
0x19b: {  	[sflag:s28] =	ssyncset.done $0x0  }
0x19c: {  	[sflag:s28] =	ssyncadd.s32 $0xFFFFFF80  }
0x19d: {  	_ =	swait.ge [sflag:s28], $0x80  }
0x19e: {  	[sflag:s28] =	ssyncset.done $0x0  }
0x19f: {  	s20 =	simm.s32 $0x2;
	[sflag:s28] =	ssyncadd.s32 $0xFFFFFF80  }
0x1a0: {  	v1 =	vmov s20;
	_ =	swait.ge [sflag:s28], $0x80  }
0x1a1: {  	s25 =	simm.s32 $0x1;
	v1 =	vand.u32 $0xFFFFFFFE, v1;
	[sflag:s28] =	ssyncset.done $0x0  }
0x1a2: {  	v2 =	vmov s25;
	s9 =	simm.s32 $0x13C00;
	v1 =	vbroadcast v1, $0x0;
	s2 =	simm.s32 $0x15300;
	[sflag:s28] =	ssyncadd.s32 $0xFFFFFF80  }
0x1a3: {  	v2 =	vand.u32 $0xFFFFFFFD, v2;
	[tilespmem:s2], [sflag:$0x8] =	stream.indirect.gather [hbm4b:s23+s17], $0x20, s9, s17, $0xb8;
	[tilespmem:$0x1D300] =	vst v63  }
0x1a4: {  	v2 =	vbroadcast v2, $0x0;
	_ =	swait.ge [sflag:s29], $0x1000  }
0x1a5: {  	[sflag:s29] =	ssyncset.done $0x0  }
0x1a6: {  	s19 =	simm.s32 $0x0;
	s1 =	simm.s32 $0x16340;
	[sflag:s29] =	ssyncadd.s32 $0xFFFFF000  }
0x1a7: {  	s25 =	simm.s32 $0x3;
	v3 =	vmov s19;
	v4 =	vld [tilespmem:s1+$0x0]  }
0x1a8: {  	v6 =	vmov s25;
	v3 =	vand.u32 $0xFFFFFFFC, v3;
	v5 =	vld.idx.msk [tilespmem:v1+s13+$0x0], $0xffff  }
0x1a9: {  	v3 =	vbroadcast v3, $0x0;
	v1 =	vld [tilespmem:s1+$0xFFFFFFE0]  }
0x1aa: {  	s20 =	simm.s32 $0x4;
	v2 =	vld.idx.msk [tilespmem:v2+s13+$0x0], $0xffff  }
0x1ab: {  	v7 =	vmov s20  }
0x1ac: {  	v7 =	vand.u32 $0xFFFFFFFC, v7;
	s19 =	simm.s32 $0x6;
	v12 =	vld [tilespmem:s1+$0x20];
	v8 =	vunpack.i.l.bf16.f32 v4  }
0x1ad: {  	v10 =	vmov s19;
	v6 =	vld.idx.msk [tilespmem:v6+s13+$0x0], $0xffff;
	v4 =	vunpack.i.u.bf16.f32 v4;
	v8 =	vmul.f32 v8, v5  }
0x1ae: {  	s25 =	simm.s32 $0x1B380;
	v9 =	vld [tilespmem:s1+$0xFFFFFFC0];
	v11 =	vunpack.i.l.bf16.f32 v1;
	v1 =	vunpack.i.u.bf16.f32 v1;
	v4 =	vmul.f32 v4, v5  }
0x1af: {  	s20 =	simm.s32 $0x5;
	v7 =	vbroadcast v7, $0x0;
	v10 =	vand.u32 $0xFFFFFFFE, v10;
	v3 =	vld.idx.msk [tilespmem:v3+s13+$0x0], $0xffff;
	v1 =	vmul.f32 v1, v2;
	[tilespmem:s25+$0x0] =	vst v8  }
0x1b0: {  	v10 =	vbroadcast v10, $0x0;
	v8 =	vmul.f32 v11, v2;
	v11 =	vmov s20;
	[tilespmem:s25+$0x10] =	vst v4  }
0x1b1: {  	v13 =	vunpack.i.l.bf16.f32 v12;
	[tilespmem:s25+$0xFFFFFFD0] =	vst v1;
	v4 =	vand.u32 $0xFFFFFFFD, v11;
	v11 =	vld [tilespmem:s1+$0x10]  }
0x1b2: {  	v13 =	vmul.f32 v13, v6;
	[tilespmem:s25+$0xFFFFFFC0] =	vst v8  }
0x1b3: {  	v1 =	vunpack.i.u.bf16.f32 v9;
	s20 =	simm.s32 $0x163C0;
	v4 =	vbroadcast v4, $0x0;
	v8 =	vunpack.i.l.bf16.f32 v9;
	v9 =	vld [tilespmem:s1+$0xFFFFFFF0]  }
0x1b4: {  	v15 =	vld [tilespmem:s20+$0x0];
	v8 =	vmul.f32 v8, v3  }
0x1b5: {  	v12 =	vunpack.i.u.bf16.f32 v12;
	[tilespmem:s25+$0x40] =	vst v13;
	v14 =	vmul.f32 v1, v3;
	v1 =	vld.idx.msk [tilespmem:v7+s13+$0x0], $0xffff  }
0x1b6: {  	v7 =	vmul.f32 v12, v6;
	[tilespmem:s25+$0xFFFFFF80] =	vst v8;
	v8 =	vld.idx.msk [tilespmem:v10+s13+$0x0], $0xffff;
	v10 =	vunpack.i.u.bf16.f32 v11;
	v11 =	vunpack.i.l.bf16.f32 v11  }
0x1b7: {  	s9 =	simm.s32 $0x7;
	v12 =	vld [tilespmem:s20+$0xFFFFFFE0];
	[tilespmem:s25+$0xFFFFFF90] =	vst v14;
	v11 =	vmul.f32 v11, v5;
	v5 =	vmul.f32 v10, v5  }
0x1b8: {  	s19 =	simm.s32 $0x8;
	[tilespmem:s25+$0x50] =	vst v7;
	v14 =	vld [tilespmem:s20+$0xFFFFFFC0];
	v10 =	vmov s9;
	v7 =	vunpack.i.u.bf16.f32 v9;
	v9 =	vunpack.i.l.bf16.f32 v9  }
0x1b9: {  	v16 =	vunpack.i.l.bf16.f32 v15;
	s9 =	simm.s32 $0x9;
	v13 =	vld.idx.msk [tilespmem:v4+s13+$0x0], $0xffff;
	v4 =	vmov s19;
	[tilespmem:s25+$0x30] =	vst v5;
	v9 =	vmul.f32 v9, v2  }
0x1ba: {  	v5 =	vmov s9;
	v7 =	vmul.f32 v7, v2;
	[tilespmem:s25+$0x20] =	vst v11;
	v2 =	vunpack.i.u.bf16.f32 v15  }
0x1bb: {  	v17 =	vld [tilespmem:s20+$0x20];
	s19 =	simm.s32 $0xA;
	v4 =	vand.u32 $0xFFFFFFFC, v4;
	v11 =	vmul.f32 v16, v8;
	v5 =	vand.u32 $0xFFFFFFFD, v5;
	[tilespmem:s25+$0xFFFFFFE0] =	vst v9  }
0x1bc: {  	s30 =	simm.s32 $0x1B480;
	v15 =	vld [tilespmem:s1+$0xFFFFFFD0];
	v16 =	vbroadcast v4, $0x0;
	v4 =	vmov s19;
	v9 =	vmul.f32 v2, v8;
	[tilespmem:s25+$0xFFFFFFF0] =	vst v7  }
0x1bd: {  	v4 =	vand.u32 $0xFFFFFFFE, v4;
	v7 =	vunpack.i.l.bf16.f32 v14;
	v2 =	vld.idx.msk [tilespmem:v10+s13+$0x0], $0xffff;
	v10 =	vunpack.i.l.bf16.f32 v12;
	[tilespmem:s30+$0x0] =	vst v11  }
0x1be: {  	v5 =	vbroadcast v5, $0x0;
	v11 =	vld [tilespmem:s1+$0x30];
	v12 =	vunpack.i.u.bf16.f32 v12;
	v10 =	vmul.f32 v10, v13;
	[tilespmem:s30+$0x10] =	vst v9  }
0x1bf: {  	v14 =	vunpack.i.u.bf16.f32 v14;
	v4 =	vbroadcast v4, $0x0;
	v9 =	vmul.f32 v12, v13;
	v12 =	vld [tilespmem:s20+$0x10]  }
0x1c0: {  	v7 =	vmul.f32 v7, v1;
	v14 =	vmul.f32 v14, v1;
	[tilespmem:s30+$0xFFFFFFC0] =	vst v10  }
0x1c1: {  	v10 =	vunpack.i.u.bf16.f32 v17;
	[tilespmem:s30+$0xFFFFFFD0] =	vst v9;
	v9 =	vunpack.i.u.bf16.f32 v15;
	v15 =	vunpack.i.l.bf16.f32 v15  }
0x1c2: {  	s19 =	simm.s32 $0x16440;
	[tilespmem:s30+$0xFFFFFF80] =	vst v7;
	v17 =	vunpack.i.l.bf16.f32 v17;
	v18 =	vld [tilespmem:s20+$0xFFFFFFF0];
	v15 =	vmul.f32 v15, v3;
	v9 =	vmul.f32 v9, v3  }
0x1c3: {  	v20 =	vld [tilespmem:s19+$0xFFFFFFE0];
	[tilespmem:s30+$0xFFFFFF90] =	vst v14;
	v17 =	vmul.f32 v17, v2;
	v7 =	vmul.f32 v10, v2  }
0x1c4: {  	v14 =	vld [tilespmem:s19+$0x0];
	v10 =	vunpack.i.u.bf16.f32 v11;
	v3 =	vunpack.i.l.bf16.f32 v11;
	[tilespmem:s25+$0xFFFFFFA0] =	vst v15;
	v11 =	vunpack.i.u.bf16.f32 v12  }
0x1c5: {  	s2 =	simm.s32 $0xB;
	v19 =	vmul.f32 v3, v6;
	v4 =	vld.idx.msk [tilespmem:v4+s13+$0x0], $0xffff;
	[tilespmem:s30+$0x40] =	vst v17;
	v3 =	vunpack.i.l.bf16.f32 v12;
	v11 =	vmul.f32 v11, v8  }
0x1c6: {  	s9 =	simm.s32 $0xC;
	v15 =	vmov s2;
	[tilespmem:s30+$0x50] =	vst v7;
	v17 =	vld [tilespmem:s19+$0xFFFFFFC0];
	v3 =	vmul.f32 v3, v8  }
0x1c7: {  	s2 =	simm.s32 $0xD;
	v7 =	vmul.f32 v10, v6;
	v6 =	vmov s9;
	v12 =	vld [tilespmem:s19+$0x20];
	v8 =	vunpack.i.l.bf16.f32 v18;
	[tilespmem:s30+$0x30] =	vst v11  }
0x1c8: {  	v10 =	vunpack.i.u.bf16.f32 v18;
	v11 =	vmov s2;
	v18 =	vmul.f32 v8, v13;
	[tilespmem:s30+$0x20] =	vst v3;
	v3 =	vld.idx.msk [tilespmem:v16+s13+$0x0], $0xffff  }
0x1c9: {  	[tilespmem:s25+$0xFFFFFFB0] =	vst v9;
	v16 =	vmul.f32 v10, v13;
	v8 =	vand.u32 $0xFFFFFFFC, v6;
	v6 =	vld.idx.msk [tilespmem:v5+s13+$0x0], $0xffff;
	v11 =	vand.u32 $0xFFFFFFFD, v11  }
0x1ca: {  	[tilespmem:s25+$0x60] =	vst v19;
	v5 =	vunpack.i.l.bf16.f32 v14;
	v10 =	vbroadcast v8, $0x0;
	v8 =	vbroadcast v11, $0x0;
	v11 =	vld [tilespmem:s20+$0xFFFFFFD0]  }
0x1cb: {  	v9 =	vld [tilespmem:s20+$0x30];
	v19 =	vunpack.i.l.bf16.f32 v20;
	v21 =	vmul.f32 v5, v4;
	[tilespmem:s30+$0xFFFFFFE0] =	vst v18;
	v18 =	vunpack.i.u.bf16.f32 v14  }
0x1cc: {  	s2 =	simm.s32 $0xE;
	v5 =	vld.idx.msk [tilespmem:v15+s13+$0x0], $0xffff;
	v13 =	vunpack.i.u.bf16.f32 v17;
	[tilespmem:s30+$0xFFFFFFF0] =	vst v16;
	v14 =	vunpack.i.l.bf16.f32 v17;
	s20 =	simm.s32 $0x1B580;
	v17 =	vmul.f32 v18, v4  }
0x1cd: {  	s31 =	simm.s32 $0x16440;
	s1 =	simm.s32 $0x10;
	v16 =	vunpack.i.u.bf16.f32 v20;
	v15 =	vunpack.i.u.bf16.f32 v12;
	v18 =	vmov s2;
	[tilespmem:s20+$0x0] =	vst v21  }
.LBB2_9:
0x1ce: {  	p2 =	slt.u32 s1, $0x7C;
	v18 =	vand.u32 $0xFFFFFFFE, v18;
	v19 =	vmul.f32 v19, v6;
	[tilespmem:s20+$0x10] =	vst v17;
	v12 =	vunpack.i.l.bf16.f32 v12  }
0x1cf: {  	v16 =	vmul.f32 v16, v6;
	v20 =	vunpack.i.u.bf16.f32 v11;
	v17 =	vbroadcast v18, $0x0;
	v18 =	vld [tilespmem:s19+$0x10];
	[tilespmem:s25+$0x70] =	vst v7;
	s25 =	smov.u32 s30;
	s30 =	smov.u32 s20  }
0x1d0: {  	v13 =	vmul.f32 v13, v3;
	v11 =	vunpack.i.l.bf16.f32 v11;
	v7 =	vmul.f32 v14, v3;
	[tilespmem:s20+$0xFFFFFFC0] =	vst v19  }
0x1d1: {  	v12 =	vmul.f32 v12, v5;
	v14 =	vmul.f32 v15, v5;
	v15 =	vunpack.i.u.bf16.f32 v9;
	v10 =	vld.idx.msk [tilespmem:v10+s13+$0x0], $0xffff;
	[tilespmem:s20+$0xFFFFFFD0] =	vst v16  }
0x1d2: {  	v11 =	vmul.f32 v11, v1;
	v19 =	vmul.f32 v20, v1;
	v1 =	vmovc v3;
	[tilespmem:s20+$0xFFFFFF80] =	vst v7;
	v16 =	vld [tilespmem:s19+$0xFFFFFFF0];
	v7 =	vunpack.i.l.bf16.f32 v9  }
0x1d3: {  	s19 =	sadd.s32 $0x80, s19;
	v8 =	vld.idx.msk [tilespmem:v8+s13+$0x0], $0xffff;
	[tilespmem:s20+$0xFFFFFF90] =	vst v13;
	v20 =	vmul.f32 v7, v2;
	v7 =	vmul.f32 v15, v2;
	v2 =	vmov v5  }
0x1d4: {  	v5 =	vld [tilespmem:s19+$0x0];
	v3 =	vunpack.i.u.bf16.f32 v18;
	v9 =	vunpack.i.l.bf16.f32 v18;
	[tilespmem:s20+$0x40] =	vst v12  }
0x1d5: {  	s2 =	sadd.s32 $0x3, s9;
	s9 =	smov.u32 s1;
	v9 =	vmul.f32 v9, v4;
	v12 =	vmul.f32 v3, v4;
	v4 =	vld.idx.msk [tilespmem:v17+s13+$0x0], $0xffff;
	[tilespmem:s20+$0x50] =	vst v14  }
0x1d6: {  	v15 =	vmov s2;
	v14 =	vld [tilespmem:s19+$0xFFFFFFC0];
	[tilespmem:s25+$0xFFFFFFA0] =	vst v11  }
0x1d7: {  	s2 =	sadd.s32 $0x1, s1;
	v11 =	vmov s1;
	v21 =	vld [tilespmem:s19+$0xFFFFFFE0];
	v13 =	vunpack.i.u.bf16.f32 v16;
	v16 =	vunpack.i.l.bf16.f32 v16;
	[tilespmem:s20+$0x30] =	vst v12;
	v3 =	vmovc v10  }
0x1d8: {  	v10 =	vmov s2;
	v12 =	vld [tilespmem:s19+$0x20];
	v16 =	vmul.f32 v16, v6;
	v17 =	vmul.f32 v13, v6;
	[tilespmem:s20+$0x20] =	vst v9  }
.Ltmp3:
0x1d9: {  	v9 =	vand.u32 $0xFFFFFFFC, v11;
	v13 =	vand.u32 $0xFFFFFFFD, v10;
	v6 =	vmov v8;
	v11 =	vld [tilespmem:s31+$0xFFFFFFD0];
	[tilespmem:s25+$0xFFFFFFB0] =	vst v19;
	(pc) =	sbr.rel @p2 .LBB2_9-.Ltmp3, $4  }
0x1da: {  	v10 =	vbroadcast v9, $0x0;
	v8 =	vbroadcast v13, $0x0;
	v18 =	vunpack.i.l.bf16.f32 v5;
	[tilespmem:s20+$0xFFFFFFE0] =	vst v16;
	v9 =	vld [tilespmem:s31+$0x30];
	s31 =	smov.u32 s19  }
0x1db: {  	v19 =	vunpack.i.u.bf16.f32 v5;
	v22 =	vmul.f32 v18, v4;
	v13 =	vunpack.i.u.bf16.f32 v14;
	v5 =	vld.idx.msk [tilespmem:v15+s13+$0x0], $0xffff;
	[tilespmem:s20+$0xFFFFFFF0] =	vst v17  }
0x1dc: {  	s2 =	sadd.s32 $0x2, s1;
	v14 =	vunpack.i.l.bf16.f32 v14;
	v17 =	vmul.f32 v19, v4;
	s20 =	sadd.s32 $0x100, s20;
	v16 =	vunpack.i.u.bf16.f32 v21;
	[tilespmem:s25+$0x60] =	vst v20  }
0x1dd: {  	s1 =	sadd.s32 $0x4, s1;
	v18 =	vmov s2;
	v19 =	vunpack.i.l.bf16.f32 v21;
	[tilespmem:s20+$0x0] =	vst v22;
	v15 =	vunpack.i.u.bf16.f32 v12  }
0x1de: {  	v19 =	vmul.f32 v19, v6;
	[tilespmem:s20+$0x10] =	vst v17  }
0x1df: {  	v17 =	vand.u32 $0xFFFFFFFE, v18;
	v16 =	vmul.f32 v16, v6;
	[tilespmem:s25+$0x70] =	vst v7  }
0x1e0: {  	v14 =	vmul.f32 v14, v3;
	v18 =	vld [tilespmem:s19+$0x10];
	v7 =	vbroadcast v17, $0x0;
	[tilespmem:s20+$0xFFFFFFC0] =	vst v19  }
0x1e1: {  	v12 =	vunpack.i.l.bf16.f32 v12;
	v13 =	vmul.f32 v13, v3;
	[tilespmem:s20+$0xFFFFFFD0] =	vst v16  }
0x1e2: {  	v12 =	vmul.f32 v12, v5;
	[tilespmem:s20+$0xFFFFFF80] =	vst v14;
	v14 =	vld [tilespmem:s19+$0xFFFFFFF0]  }
0x1e3: {  	v16 =	vunpack.i.l.bf16.f32 v11;
	v15 =	vmul.f32 v15, v5;
	[tilespmem:s20+$0xFFFFFF90] =	vst v13  }
0x1e4: {  	s1 =	sadd.s32 $0x80, s19;
	v11 =	vunpack.i.u.bf16.f32 v11;
	v13 =	vmul.f32 v16, v1;
	[tilespmem:s20+$0x40] =	vst v12  }
0x1e5: {  	v1 =	vmul.f32 v11, v1;
	v12 =	vld [tilespmem:s1+$0x0];
	[tilespmem:s20+$0x50] =	vst v15;
	v16 =	vunpack.i.u.bf16.f32 v18  }
0x1e6: {  	[tilespmem:s30+$0xFFFFFFA0] =	vst v13;
	v17 =	vunpack.i.l.bf16.f32 v18;
	v16 =	vmul.f32 v16, v4;
	v7 =	vld.idx.msk [tilespmem:v7+s13+$0x0], $0xffff  }
0x1e7: {  	s2 =	sadd.s32 $0x3, s9;
	[tilespmem:s30+$0xFFFFFFB0] =	vst v1;
	v4 =	vmul.f32 v17, v4;
	v11 =	vunpack.i.l.bf16.f32 v14  }
0x1e8: {  	v15 =	vld [tilespmem:s1+$0xFFFFFFE0];
	v13 =	vmov s2;
	v14 =	vunpack.i.u.bf16.f32 v14;
	[tilespmem:s20+$0x30] =	vst v16;
	v11 =	vmul.f32 v11, v6  }
0x1e9: {  	v8 =	vld.idx.msk [tilespmem:v8+s13+$0x0], $0xffff;
	[tilespmem:s20+$0x20] =	vst v4;
	v4 =	vunpack.i.l.bf16.f32 v9;
	v6 =	vmul.f32 v14, v6  }
0x1ea: {  	v14 =	vunpack.i.l.bf16.f32 v12;
	v1 =	vmul.f32 v4, v2;
	v4 =	vld [tilespmem:s1+$0xFFFFFFC0];
	[tilespmem:s20+$0xFFFFFFE0] =	vst v11  }
0x1eb: {  	v10 =	vld.idx.msk [tilespmem:v10+s13+$0x0], $0xffff;
	v11 =	vunpack.i.u.bf16.f32 v12;
	[tilespmem:s20+$0xFFFFFFF0] =	vst v6;
	v12 =	vmul.f32 v14, v7  }
0x1ec: {  	s25 =	sadd.s32 $0x100, s20;
	v6 =	vunpack.i.u.bf16.f32 v9;
	v9 =	vld [tilespmem:s1+$0x20];
	v11 =	vmul.f32 v11, v7;
	[tilespmem:s30+$0x60] =	vst v1  }
0x1ed: {  	v1 =	vmul.f32 v6, v2;
	v2 =	vld.idx.msk [tilespmem:v13+s13+$0x0], $0xffff;
	v6 =	vunpack.i.l.bf16.f32 v15;
	[tilespmem:s25+$0x0] =	vst v12  }
0x1ee: {  	v13 =	vunpack.i.u.bf16.f32 v15;
	v6 =	vmul.f32 v6, v8;
	v12 =	vld [tilespmem:s31+$0xFFFFFFD0];
	[tilespmem:s25+$0x10] =	vst v11  }
0x1ef: {  	v13 =	vmul.f32 v13, v8;
	[tilespmem:s30+$0x70] =	vst v1;
	v11 =	vunpack.i.l.bf16.f32 v4  }
0x1f0: {  	v14 =	vld [tilespmem:s1+$0x10];
	v1 =	vunpack.i.u.bf16.f32 v4;
	[tilespmem:s25+$0xFFFFFFC0] =	vst v6;
	v4 =	vmul.f32 v11, v10  }
0x1f1: {  	[tilespmem:s25+$0xFFFFFFD0] =	vst v13;
	v6 =	vunpack.i.l.bf16.f32 v9;
	v1 =	vmul.f32 v1, v10;
	v9 =	vunpack.i.u.bf16.f32 v9  }
0x1f2: {  	v9 =	vmul.f32 v9, v2;
	[tilespmem:s25+$0xFFFFFF80] =	vst v4;
	v4 =	vld [tilespmem:s1+$0xFFFFFFF0]  }
0x1f3: {  	v6 =	vmul.f32 v6, v2;
	[tilespmem:s25+$0xFFFFFF90] =	vst v1;
	v11 =	vunpack.i.l.bf16.f32 v12  }
0x1f4: {  	v1 =	vld [tilespmem:s31+$0x30];
	[tilespmem:s25+$0x50] =	vst v9;
	v9 =	vunpack.i.u.bf16.f32 v12;
	v11 =	vmul.f32 v11, v3  }
0x1f5: {  	[tilespmem:s25+$0x40] =	vst v6;
	v13 =	vunpack.i.u.bf16.f32 v14;
	v6 =	vunpack.i.l.bf16.f32 v14;
	v3 =	vmul.f32 v9, v3  }
0x1f6: {  	v13 =	vmul.f32 v13, v7;
	v6 =	vmul.f32 v6, v7;
	v7 =	vld [tilespmem:s1+$0xFFFFFFD0];
	[tilespmem:s20+$0xFFFFFFA0] =	vst v11  }
0x1f7: {  	[tilespmem:s20+$0xFFFFFFB0] =	vst v3;
	v9 =	vunpack.i.l.bf16.f32 v4  }
0x1f8: {  	v4 =	vunpack.i.u.bf16.f32 v4;
	[tilespmem:s25+$0x20] =	vst v6;
	v6 =	vld [tilespmem:s1+$0x30];
	v9 =	vmul.f32 v9, v8  }
0x1f9: {  	[tilespmem:s25+$0x30] =	vst v13;
	v11 =	vunpack.i.l.bf16.f32 v1;
	v4 =	vmul.f32 v4, v8  }
0x1fa: {  	v1 =	vunpack.i.u.bf16.f32 v1;
	v3 =	vmul.f32 v11, v5;
	[tilespmem:s25+$0xFFFFFFE0] =	vst v9  }
0x1fb: {  	v1 =	vmul.f32 v1, v5;
	[tilespmem:s25+$0xFFFFFFF0] =	vst v4;
	v4 =	vunpack.i.l.bf16.f32 v7  }
0x1fc: {  	[tilespmem:s20+$0x60] =	vst v3;
	v3 =	vunpack.i.u.bf16.f32 v7;
	v4 =	vmul.f32 v4, v10  }
0x1fd: {  	[tilespmem:s20+$0x70] =	vst v1;
	v1 =	vmul.f32 v3, v10;
	v3 =	vunpack.i.l.bf16.f32 v6  }
0x1fe: {  	v5 =	vunpack.i.u.bf16.f32 v6;
	v3 =	vmul.f32 v3, v2;
	[tilespmem:s25+$0xFFFFFFA0] =	vst v4  }
0x1ff: {  	v2 =	vmul.f32 v5, v2;
	[tilespmem:s25+$0xFFFFFFB0] =	vst v1  }
0x200: {  	[tilespmem:s25+$0x60] =	vst v3  }
0x201: {  	s9 =	simm.s32 $0x1B300;
	s2 =	simm.s32 $0x13E00;
	[tilespmem:s25+$0x70] =	vst v2  }
0x202: {  	[spmem:s22] =	stream.indirect.scatter.add.f32 [tilespmem:s9], [sflag:$0xC], $0x40, s2, s17, $0xb8;
	[tilespmem:$0x1D300] =	vst v63  }
0x203: {  	s1 =	rddreg [dreg:$0x17]  }
0x204: {  	s19 =	simm.s32 $0xB;
	s1 =	sadd.s32 @!p1 s14, s1  }
0x205: {  	s20 =	simm.s32 @!p1 $0x13A80;
	_ =	swait.ge [sflag:s19], $0x2000;
	p2 =	slt.u32 @!p1 s1, $0x4E200  }
0x206: {  	s9 =	smov.u32 s3;
	[sflag:s19] =	ssyncset.done $0x0;
	p3 =	por p2, p1  }
0x207: {  	p2 =	por !p2, p1;
	[sflag:s19] =	ssyncadd.s32 $0xFFFFE000;
	s2 =	sadd.s32 @!p3 $0xFFFB1E00, s1  }
0x208: {  	s19 =	rddreg [dreg:$0x2];
	s1 =	smov.u32 @p2 s2;
	s2 =	smov.u32 s4  }
0x209: {  	s25 =	rddreg [dreg:$0x1];
	s2 =	smov.u32 @p2 s5;
	s1 =	sshrl.u32 @!p1 s1, $0x3  }
0x20a: {  	s9 =	smov.u32 @p2 s19;
	s19 =	simm.s32 @!p1 $0x0;
	s2 =	sadd.s32 @!p1 s2, s1  }
0x20b: {  	[tilespmem:s20], [sflag:$0x2] =	stream.linear.gather @!p1 [hbm4b:s2+s19], $0x80, $0x38;
	[tilespmem:$0x1D300] =	vst v63  }
0x20c: {  	s25 =	smov.u32 @p2 s6;
	s2 =	sadd.s32 @!p1 s9, s1;
	s9 =	simm.s32 @!p1 $0x13D80  }
0x20d: {  	[tilespmem:s9], [sflag:$0x2] =	stream.linear.gather @!p1 [hbm4b:s2+s19], $0x80, $0x38;
	[tilespmem:$0x1D300] =	vst v63  }
0x20e: {  	s1 =	sadd.s32 @!p1 s25, s1;
	s2 =	simm.s32 @!p1 $0x14080  }
0x20f: {  	[tilespmem:s2], [sflag:$0x2] =	stream.linear.gather @!p1 [hbm4b:s1+s19], $0x80, $0x38;
	[tilespmem:$0x1D300] =	vst v63  }
0x210: {  	_ =	swait.ge [sflag:s24], $0x80  }
0x211: {  	[sflag:s24] =	ssyncset.done $0x0  }
0x212: {  	[sflag:s24] =	ssyncadd.s32 $0xFFFFFF80  }
0x213: {  	_ =	swait.ge [sflag:s24], $0x80  }
0x214: {  	[sflag:s24] =	ssyncset.done $0x0  }
0x215: {  	s20 =	simm.s32 $0x2;
	[sflag:s24] =	ssyncadd.s32 $0xFFFFFF80  }
0x216: {  	v1 =	vmov s20;
	_ =	swait.ge [sflag:s24], $0x80  }
0x217: {  	s25 =	simm.s32 $0x1;
	v1 =	vand.u32 $0xFFFFFFFE, v1;
	[sflag:s24] =	ssyncset.done $0x0  }
0x218: {  	v2 =	vmov s25;
	s9 =	simm.s32 $0x13C80;
	v1 =	vbroadcast v1, $0x0;
	s2 =	simm.s32 $0x16300;
	[sflag:s24] =	ssyncadd.s32 $0xFFFFFF80  }
0x219: {  	v2 =	vand.u32 $0xFFFFFFFD, v2;
	[tilespmem:s2], [sflag:$0x9] =	stream.indirect.gather [hbm4b:s23+s17], $0x20, s9, s17, $0xb8;
	[tilespmem:$0x1D300] =	vst v63  }
0x21a: {  	v2 =	vbroadcast v2, $0x0;
	_ =	swait.ge [sflag:s11], $0x1000  }
0x21b: {  	[sflag:s11] =	ssyncset.done $0x0  }
0x21c: {  	s19 =	simm.s32 $0x0;
	s1 =	simm.s32 $0x14340;
	[sflag:s11] =	ssyncadd.s32 $0xFFFFF000  }
0x21d: {  	s25 =	simm.s32 $0x3;
	v3 =	vmov s19;
	v4 =	vld [tilespmem:s1+$0x0]  }
0x21e: {  	v6 =	vmov s25;
	v3 =	vand.u32 $0xFFFFFFFC, v3;
	v5 =	vld.idx.msk [tilespmem:v1+s0+$0x0], $0xffff  }
0x21f: {  	v3 =	vbroadcast v3, $0x0;
	v1 =	vld [tilespmem:s1+$0xFFFFFFE0]  }
0x220: {  	s20 =	simm.s32 $0x4;
	v2 =	vld.idx.msk [tilespmem:v2+s0+$0x0], $0xffff  }
0x221: {  	v7 =	vmov s20  }
0x222: {  	v7 =	vand.u32 $0xFFFFFFFC, v7;
	s19 =	simm.s32 $0x6;
	v12 =	vld [tilespmem:s1+$0x20];
	v8 =	vunpack.i.l.bf16.f32 v4  }
0x223: {  	v10 =	vmov s19;
	v6 =	vld.idx.msk [tilespmem:v6+s0+$0x0], $0xffff;
	v4 =	vunpack.i.u.bf16.f32 v4;
	v8 =	vmul.f32 v8, v5  }
0x224: {  	s25 =	simm.s32 $0x17380;
	v9 =	vld [tilespmem:s1+$0xFFFFFFC0];
	v11 =	vunpack.i.l.bf16.f32 v1;
	v1 =	vunpack.i.u.bf16.f32 v1;
	v4 =	vmul.f32 v4, v5  }
0x225: {  	s20 =	simm.s32 $0x5;
	v7 =	vbroadcast v7, $0x0;
	v10 =	vand.u32 $0xFFFFFFFE, v10;
	v3 =	vld.idx.msk [tilespmem:v3+s0+$0x0], $0xffff;
	v1 =	vmul.f32 v1, v2;
	[tilespmem:s25+$0x0] =	vst v8  }
0x226: {  	v10 =	vbroadcast v10, $0x0;
	v8 =	vmul.f32 v11, v2;
	v11 =	vmov s20;
	[tilespmem:s25+$0x10] =	vst v4  }
0x227: {  	v13 =	vunpack.i.l.bf16.f32 v12;
	[tilespmem:s25+$0xFFFFFFD0] =	vst v1;
	v4 =	vand.u32 $0xFFFFFFFD, v11;
	v11 =	vld [tilespmem:s1+$0x10]  }
0x228: {  	v13 =	vmul.f32 v13, v6;
	[tilespmem:s25+$0xFFFFFFC0] =	vst v8  }
0x229: {  	v1 =	vunpack.i.u.bf16.f32 v9;
	s20 =	simm.s32 $0x143C0;
	v4 =	vbroadcast v4, $0x0;
	v8 =	vunpack.i.l.bf16.f32 v9;
	v9 =	vld [tilespmem:s1+$0xFFFFFFF0]  }
0x22a: {  	v15 =	vld [tilespmem:s20+$0x0];
	v8 =	vmul.f32 v8, v3  }
0x22b: {  	v12 =	vunpack.i.u.bf16.f32 v12;
	[tilespmem:s25+$0x40] =	vst v13;
	v14 =	vmul.f32 v1, v3;
	v1 =	vld.idx.msk [tilespmem:v7+s0+$0x0], $0xffff  }
0x22c: {  	v7 =	vmul.f32 v12, v6;
	[tilespmem:s25+$0xFFFFFF80] =	vst v8;
	v8 =	vld.idx.msk [tilespmem:v10+s0+$0x0], $0xffff;
	v10 =	vunpack.i.u.bf16.f32 v11;
	v11 =	vunpack.i.l.bf16.f32 v11  }
0x22d: {  	s9 =	simm.s32 $0x7;
	v12 =	vld [tilespmem:s20+$0xFFFFFFE0];
	[tilespmem:s25+$0xFFFFFF90] =	vst v14;
	v11 =	vmul.f32 v11, v5;
	v5 =	vmul.f32 v10, v5  }
0x22e: {  	s19 =	simm.s32 $0x8;
	[tilespmem:s25+$0x50] =	vst v7;
	v14 =	vld [tilespmem:s20+$0xFFFFFFC0];
	v10 =	vmov s9;
	v7 =	vunpack.i.u.bf16.f32 v9;
	v9 =	vunpack.i.l.bf16.f32 v9  }
0x22f: {  	v16 =	vunpack.i.l.bf16.f32 v15;
	s9 =	simm.s32 $0x9;
	v13 =	vld.idx.msk [tilespmem:v4+s0+$0x0], $0xffff;
	v4 =	vmov s19;
	[tilespmem:s25+$0x30] =	vst v5;
	v9 =	vmul.f32 v9, v2  }
0x230: {  	v5 =	vmov s9;
	v7 =	vmul.f32 v7, v2;
	[tilespmem:s25+$0x20] =	vst v11;
	v2 =	vunpack.i.u.bf16.f32 v15  }
0x231: {  	v17 =	vld [tilespmem:s20+$0x20];
	s19 =	simm.s32 $0xA;
	v4 =	vand.u32 $0xFFFFFFFC, v4;
	v11 =	vmul.f32 v16, v8;
	v5 =	vand.u32 $0xFFFFFFFD, v5;
	[tilespmem:s25+$0xFFFFFFE0] =	vst v9  }
0x232: {  	s30 =	simm.s32 $0x17480;
	v15 =	vld [tilespmem:s1+$0xFFFFFFD0];
	v16 =	vbroadcast v4, $0x0;
	v4 =	vmov s19;
	v9 =	vmul.f32 v2, v8;
	[tilespmem:s25+$0xFFFFFFF0] =	vst v7  }
0x233: {  	v4 =	vand.u32 $0xFFFFFFFE, v4;
	v7 =	vunpack.i.l.bf16.f32 v14;
	v2 =	vld.idx.msk [tilespmem:v10+s0+$0x0], $0xffff;
	v10 =	vunpack.i.l.bf16.f32 v12;
	[tilespmem:s30+$0x0] =	vst v11  }
0x234: {  	v5 =	vbroadcast v5, $0x0;
	v11 =	vld [tilespmem:s1+$0x30];
	v12 =	vunpack.i.u.bf16.f32 v12;
	v10 =	vmul.f32 v10, v13;
	[tilespmem:s30+$0x10] =	vst v9  }
0x235: {  	v14 =	vunpack.i.u.bf16.f32 v14;
	v4 =	vbroadcast v4, $0x0;
	v9 =	vmul.f32 v12, v13;
	v12 =	vld [tilespmem:s20+$0x10]  }
0x236: {  	v7 =	vmul.f32 v7, v1;
	v14 =	vmul.f32 v14, v1;
	[tilespmem:s30+$0xFFFFFFC0] =	vst v10  }
0x237: {  	v10 =	vunpack.i.u.bf16.f32 v17;
	[tilespmem:s30+$0xFFFFFFD0] =	vst v9;
	v9 =	vunpack.i.u.bf16.f32 v15;
	v15 =	vunpack.i.l.bf16.f32 v15  }
0x238: {  	s19 =	simm.s32 $0x14440;
	[tilespmem:s30+$0xFFFFFF80] =	vst v7;
	v17 =	vunpack.i.l.bf16.f32 v17;
	v18 =	vld [tilespmem:s20+$0xFFFFFFF0];
	v15 =	vmul.f32 v15, v3;
	v9 =	vmul.f32 v9, v3  }
0x239: {  	v20 =	vld [tilespmem:s19+$0xFFFFFFE0];
	[tilespmem:s30+$0xFFFFFF90] =	vst v14;
	v17 =	vmul.f32 v17, v2;
	v7 =	vmul.f32 v10, v2  }
0x23a: {  	v14 =	vld [tilespmem:s19+$0x0];
	v10 =	vunpack.i.u.bf16.f32 v11;
	v3 =	vunpack.i.l.bf16.f32 v11;
	[tilespmem:s25+$0xFFFFFFA0] =	vst v15;
	v11 =	vunpack.i.u.bf16.f32 v12  }
0x23b: {  	s2 =	simm.s32 $0xB;
	v19 =	vmul.f32 v3, v6;
	v4 =	vld.idx.msk [tilespmem:v4+s0+$0x0], $0xffff;
	[tilespmem:s30+$0x40] =	vst v17;
	v3 =	vunpack.i.l.bf16.f32 v12;
	v11 =	vmul.f32 v11, v8  }
0x23c: {  	s9 =	simm.s32 $0xC;
	v15 =	vmov s2;
	[tilespmem:s30+$0x50] =	vst v7;
	v17 =	vld [tilespmem:s19+$0xFFFFFFC0];
	v3 =	vmul.f32 v3, v8  }
0x23d: {  	s2 =	simm.s32 $0xD;
	v7 =	vmul.f32 v10, v6;
	v6 =	vmov s9;
	v12 =	vld [tilespmem:s19+$0x20];
	v8 =	vunpack.i.l.bf16.f32 v18;
	[tilespmem:s30+$0x30] =	vst v11  }
0x23e: {  	v10 =	vunpack.i.u.bf16.f32 v18;
	v11 =	vmov s2;
	v18 =	vmul.f32 v8, v13;
	[tilespmem:s30+$0x20] =	vst v3;
	v3 =	vld.idx.msk [tilespmem:v16+s0+$0x0], $0xffff  }
0x23f: {  	[tilespmem:s25+$0xFFFFFFB0] =	vst v9;
	v16 =	vmul.f32 v10, v13;
	v8 =	vand.u32 $0xFFFFFFFC, v6;
	v6 =	vld.idx.msk [tilespmem:v5+s0+$0x0], $0xffff;
	v11 =	vand.u32 $0xFFFFFFFD, v11  }
0x240: {  	[tilespmem:s25+$0x60] =	vst v19;
	v5 =	vunpack.i.l.bf16.f32 v14;
	v10 =	vbroadcast v8, $0x0;
	v8 =	vbroadcast v11, $0x0;
	v11 =	vld [tilespmem:s20+$0xFFFFFFD0]  }
0x241: {  	v9 =	vld [tilespmem:s20+$0x30];
	v19 =	vunpack.i.l.bf16.f32 v20;
	v21 =	vmul.f32 v5, v4;
	[tilespmem:s30+$0xFFFFFFE0] =	vst v18;
	v18 =	vunpack.i.u.bf16.f32 v14  }
0x242: {  	s2 =	simm.s32 $0xE;
	v5 =	vld.idx.msk [tilespmem:v15+s0+$0x0], $0xffff;
	v13 =	vunpack.i.u.bf16.f32 v17;
	[tilespmem:s30+$0xFFFFFFF0] =	vst v16;
	v14 =	vunpack.i.l.bf16.f32 v17;
	s20 =	simm.s32 $0x17580;
	v17 =	vmul.f32 v18, v4  }
0x243: {  	s31 =	simm.s32 $0x14440;
	s1 =	simm.s32 $0x10;
	v16 =	vunpack.i.u.bf16.f32 v20;
	v15 =	vunpack.i.u.bf16.f32 v12;
	v18 =	vmov s2;
	[tilespmem:s20+$0x0] =	vst v21  }
.LBB2_11:
0x244: {  	p2 =	slt.u32 s1, $0x7C;
	v18 =	vand.u32 $0xFFFFFFFE, v18;
	v19 =	vmul.f32 v19, v6;
	[tilespmem:s20+$0x10] =	vst v17;
	v12 =	vunpack.i.l.bf16.f32 v12  }
0x245: {  	v16 =	vmul.f32 v16, v6;
	v20 =	vunpack.i.u.bf16.f32 v11;
	v17 =	vbroadcast v18, $0x0;
	v18 =	vld [tilespmem:s19+$0x10];
	[tilespmem:s25+$0x70] =	vst v7;
	s25 =	smov.u32 s30;
	s30 =	smov.u32 s20  }
0x246: {  	v13 =	vmul.f32 v13, v3;
	v11 =	vunpack.i.l.bf16.f32 v11;
	v7 =	vmul.f32 v14, v3;
	[tilespmem:s20+$0xFFFFFFC0] =	vst v19  }
0x247: {  	v12 =	vmul.f32 v12, v5;
	v14 =	vmul.f32 v15, v5;
	v15 =	vunpack.i.u.bf16.f32 v9;
	v10 =	vld.idx.msk [tilespmem:v10+s0+$0x0], $0xffff;
	[tilespmem:s20+$0xFFFFFFD0] =	vst v16  }
0x248: {  	v11 =	vmul.f32 v11, v1;
	v19 =	vmul.f32 v20, v1;
	v1 =	vmovc v3;
	[tilespmem:s20+$0xFFFFFF80] =	vst v7;
	v16 =	vld [tilespmem:s19+$0xFFFFFFF0];
	v7 =	vunpack.i.l.bf16.f32 v9  }
0x249: {  	s19 =	sadd.s32 $0x80, s19;
	v8 =	vld.idx.msk [tilespmem:v8+s0+$0x0], $0xffff;
	[tilespmem:s20+$0xFFFFFF90] =	vst v13;
	v20 =	vmul.f32 v7, v2;
	v7 =	vmul.f32 v15, v2;
	v2 =	vmov v5  }
0x24a: {  	v5 =	vld [tilespmem:s19+$0x0];
	v3 =	vunpack.i.u.bf16.f32 v18;
	v9 =	vunpack.i.l.bf16.f32 v18;
	[tilespmem:s20+$0x40] =	vst v12  }
0x24b: {  	s2 =	sadd.s32 $0x3, s9;
	s9 =	smov.u32 s1;
	v9 =	vmul.f32 v9, v4;
	v12 =	vmul.f32 v3, v4;
	v4 =	vld.idx.msk [tilespmem:v17+s0+$0x0], $0xffff;
	[tilespmem:s20+$0x50] =	vst v14  }
0x24c: {  	v15 =	vmov s2;
	v14 =	vld [tilespmem:s19+$0xFFFFFFC0];
	[tilespmem:s25+$0xFFFFFFA0] =	vst v11  }
0x24d: {  	s2 =	sadd.s32 $0x1, s1;
	v11 =	vmov s1;
	v21 =	vld [tilespmem:s19+$0xFFFFFFE0];
	v13 =	vunpack.i.u.bf16.f32 v16;
	v16 =	vunpack.i.l.bf16.f32 v16;
	[tilespmem:s20+$0x30] =	vst v12;
	v3 =	vmovc v10  }
0x24e: {  	v10 =	vmov s2;
	v12 =	vld [tilespmem:s19+$0x20];
	v16 =	vmul.f32 v16, v6;
	v17 =	vmul.f32 v13, v6;
	[tilespmem:s20+$0x20] =	vst v9  }
.Ltmp4:
0x24f: {  	v9 =	vand.u32 $0xFFFFFFFC, v11;
	v13 =	vand.u32 $0xFFFFFFFD, v10;
	v6 =	vmov v8;
	v11 =	vld [tilespmem:s31+$0xFFFFFFD0];
	[tilespmem:s25+$0xFFFFFFB0] =	vst v19;
	(pc) =	sbr.rel @p2 .LBB2_11-.Ltmp4, $4  }
0x250: {  	v10 =	vbroadcast v9, $0x0;
	v8 =	vbroadcast v13, $0x0;
	v18 =	vunpack.i.l.bf16.f32 v5;
	[tilespmem:s20+$0xFFFFFFE0] =	vst v16;
	v9 =	vld [tilespmem:s31+$0x30];
	s31 =	smov.u32 s19  }
0x251: {  	v19 =	vunpack.i.u.bf16.f32 v5;
	v22 =	vmul.f32 v18, v4;
	v13 =	vunpack.i.u.bf16.f32 v14;
	v5 =	vld.idx.msk [tilespmem:v15+s0+$0x0], $0xffff;
	[tilespmem:s20+$0xFFFFFFF0] =	vst v17  }
0x252: {  	s2 =	sadd.s32 $0x2, s1;
	v14 =	vunpack.i.l.bf16.f32 v14;
	v17 =	vmul.f32 v19, v4;
	s20 =	sadd.s32 $0x100, s20;
	v16 =	vunpack.i.u.bf16.f32 v21;
	[tilespmem:s25+$0x60] =	vst v20  }
0x253: {  	s1 =	sadd.s32 $0x4, s1;
	v18 =	vmov s2;
	v19 =	vunpack.i.l.bf16.f32 v21;
	[tilespmem:s20+$0x0] =	vst v22;
	v15 =	vunpack.i.u.bf16.f32 v12  }
0x254: {  	v19 =	vmul.f32 v19, v6;
	[tilespmem:s20+$0x10] =	vst v17  }
0x255: {  	v17 =	vand.u32 $0xFFFFFFFE, v18;
	v16 =	vmul.f32 v16, v6;
	[tilespmem:s25+$0x70] =	vst v7  }
0x256: {  	v14 =	vmul.f32 v14, v3;
	v18 =	vld [tilespmem:s19+$0x10];
	v7 =	vbroadcast v17, $0x0;
	[tilespmem:s20+$0xFFFFFFC0] =	vst v19  }
0x257: {  	v12 =	vunpack.i.l.bf16.f32 v12;
	v13 =	vmul.f32 v13, v3;
	[tilespmem:s20+$0xFFFFFFD0] =	vst v16  }
0x258: {  	v12 =	vmul.f32 v12, v5;
	[tilespmem:s20+$0xFFFFFF80] =	vst v14;
	v14 =	vld [tilespmem:s19+$0xFFFFFFF0]  }
0x259: {  	v16 =	vunpack.i.l.bf16.f32 v11;
	v15 =	vmul.f32 v15, v5;
	[tilespmem:s20+$0xFFFFFF90] =	vst v13  }
0x25a: {  	s1 =	sadd.s32 $0x80, s19;
	v11 =	vunpack.i.u.bf16.f32 v11;
	v13 =	vmul.f32 v16, v1;
	[tilespmem:s20+$0x40] =	vst v12  }
0x25b: {  	v1 =	vmul.f32 v11, v1;
	v12 =	vld [tilespmem:s1+$0x0];
	[tilespmem:s20+$0x50] =	vst v15;
	v16 =	vunpack.i.u.bf16.f32 v18  }
0x25c: {  	[tilespmem:s30+$0xFFFFFFA0] =	vst v13;
	v17 =	vunpack.i.l.bf16.f32 v18;
	v16 =	vmul.f32 v16, v4;
	v7 =	vld.idx.msk [tilespmem:v7+s0+$0x0], $0xffff  }
0x25d: {  	s2 =	sadd.s32 $0x3, s9;
	[tilespmem:s30+$0xFFFFFFB0] =	vst v1;
	v4 =	vmul.f32 v17, v4;
	v11 =	vunpack.i.l.bf16.f32 v14  }
0x25e: {  	v15 =	vld [tilespmem:s1+$0xFFFFFFE0];
	v13 =	vmov s2;
	v14 =	vunpack.i.u.bf16.f32 v14;
	[tilespmem:s20+$0x30] =	vst v16;
	v11 =	vmul.f32 v11, v6  }
0x25f: {  	v8 =	vld.idx.msk [tilespmem:v8+s0+$0x0], $0xffff;
	[tilespmem:s20+$0x20] =	vst v4;
	v4 =	vunpack.i.l.bf16.f32 v9;
	v6 =	vmul.f32 v14, v6  }
0x260: {  	v14 =	vunpack.i.l.bf16.f32 v12;
	v1 =	vmul.f32 v4, v2;
	v4 =	vld [tilespmem:s1+$0xFFFFFFC0];
	[tilespmem:s20+$0xFFFFFFE0] =	vst v11  }
0x261: {  	v10 =	vld.idx.msk [tilespmem:v10+s0+$0x0], $0xffff;
	v11 =	vunpack.i.u.bf16.f32 v12;
	[tilespmem:s20+$0xFFFFFFF0] =	vst v6;
	v12 =	vmul.f32 v14, v7  }
0x262: {  	s25 =	sadd.s32 $0x100, s20;
	v6 =	vunpack.i.u.bf16.f32 v9;
	v9 =	vld [tilespmem:s1+$0x20];
	v11 =	vmul.f32 v11, v7;
	[tilespmem:s30+$0x60] =	vst v1  }
0x263: {  	v1 =	vmul.f32 v6, v2;
	v2 =	vld.idx.msk [tilespmem:v13+s0+$0x0], $0xffff;
	v6 =	vunpack.i.l.bf16.f32 v15;
	[tilespmem:s25+$0x0] =	vst v12  }
0x264: {  	v13 =	vunpack.i.u.bf16.f32 v15;
	v6 =	vmul.f32 v6, v8;
	v12 =	vld [tilespmem:s31+$0xFFFFFFD0];
	[tilespmem:s25+$0x10] =	vst v11  }
0x265: {  	v13 =	vmul.f32 v13, v8;
	[tilespmem:s30+$0x70] =	vst v1;
	v11 =	vunpack.i.l.bf16.f32 v4  }
0x266: {  	v14 =	vld [tilespmem:s1+$0x10];
	v1 =	vunpack.i.u.bf16.f32 v4;
	[tilespmem:s25+$0xFFFFFFC0] =	vst v6;
	v4 =	vmul.f32 v11, v10  }
0x267: {  	[tilespmem:s25+$0xFFFFFFD0] =	vst v13;
	v6 =	vunpack.i.l.bf16.f32 v9;
	v1 =	vmul.f32 v1, v10;
	v9 =	vunpack.i.u.bf16.f32 v9  }
0x268: {  	v9 =	vmul.f32 v9, v2;
	[tilespmem:s25+$0xFFFFFF80] =	vst v4;
	v4 =	vld [tilespmem:s1+$0xFFFFFFF0]  }
0x269: {  	v6 =	vmul.f32 v6, v2;
	[tilespmem:s25+$0xFFFFFF90] =	vst v1;
	v11 =	vunpack.i.l.bf16.f32 v12  }
0x26a: {  	v1 =	vld [tilespmem:s31+$0x30];
	[tilespmem:s25+$0x50] =	vst v9;
	v9 =	vunpack.i.u.bf16.f32 v12;
	v11 =	vmul.f32 v11, v3  }
0x26b: {  	[tilespmem:s25+$0x40] =	vst v6;
	v13 =	vunpack.i.u.bf16.f32 v14;
	v6 =	vunpack.i.l.bf16.f32 v14;
	v3 =	vmul.f32 v9, v3  }
0x26c: {  	v13 =	vmul.f32 v13, v7;
	v6 =	vmul.f32 v6, v7;
	v7 =	vld [tilespmem:s1+$0xFFFFFFD0];
	[tilespmem:s20+$0xFFFFFFA0] =	vst v11  }
0x26d: {  	[tilespmem:s20+$0xFFFFFFB0] =	vst v3;
	v9 =	vunpack.i.l.bf16.f32 v4  }
0x26e: {  	v4 =	vunpack.i.u.bf16.f32 v4;
	[tilespmem:s25+$0x20] =	vst v6;
	v6 =	vld [tilespmem:s1+$0x30];
	v9 =	vmul.f32 v9, v8  }
0x26f: {  	[tilespmem:s25+$0x30] =	vst v13;
	v11 =	vunpack.i.l.bf16.f32 v1;
	v4 =	vmul.f32 v4, v8  }
0x270: {  	v1 =	vunpack.i.u.bf16.f32 v1;
	v3 =	vmul.f32 v11, v5;
	[tilespmem:s25+$0xFFFFFFE0] =	vst v9  }
0x271: {  	v1 =	vmul.f32 v1, v5;
	[tilespmem:s25+$0xFFFFFFF0] =	vst v4;
	v4 =	vunpack.i.l.bf16.f32 v7  }
0x272: {  	[tilespmem:s20+$0x60] =	vst v3;
	v3 =	vunpack.i.u.bf16.f32 v7;
	v4 =	vmul.f32 v4, v10  }
0x273: {  	[tilespmem:s20+$0x70] =	vst v1;
	v1 =	vmul.f32 v3, v10;
	v3 =	vunpack.i.l.bf16.f32 v6  }
0x274: {  	v5 =	vunpack.i.u.bf16.f32 v6;
	v3 =	vmul.f32 v3, v2;
	[tilespmem:s25+$0xFFFFFFA0] =	vst v4  }
0x275: {  	v2 =	vmul.f32 v5, v2;
	[tilespmem:s25+$0xFFFFFFB0] =	vst v1  }
0x276: {  	[tilespmem:s25+$0x60] =	vst v3  }
0x277: {  	s9 =	simm.s32 $0x13E80;
	s2 =	simm.s32 $0x17300;
	[tilespmem:s25+$0x70] =	vst v2  }
0x278: {  	[spmem:s22] =	stream.indirect.scatter.add.f32 [tilespmem:s2], [sflag:$0xA], $0x40, s9, s17, $0xb8;
	[tilespmem:$0x1D300] =	vst v63  }
0x279: {  	s1 =	rddreg [dreg:$0x18]  }
0x27a: {  	s19 =	simm.s32 $0xC;
	s1 =	sadd.s32 @!p1 s14, s1  }
0x27b: {  	s20 =	simm.s32 @!p1 $0x13B00;
	_ =	swait.ge [sflag:s19], $0x2000;
	p2 =	slt.u32 @!p1 s1, $0x4E200  }
0x27c: {  	s9 =	smov.u32 s3;
	[sflag:s19] =	ssyncset.done $0x0;
	p3 =	por p2, p1  }
0x27d: {  	p2 =	por !p2, p1;
	[sflag:s19] =	ssyncadd.s32 $0xFFFFE000;
	s2 =	sadd.s32 @!p3 $0xFFFB1E00, s1  }
0x27e: {  	s19 =	rddreg [dreg:$0x2];
	s1 =	smov.u32 @p2 s2;
	s2 =	smov.u32 s4  }
0x27f: {  	s25 =	rddreg [dreg:$0x1];
	s2 =	smov.u32 @p2 s5;
	s1 =	sshrl.u32 @!p1 s1, $0x3  }
0x280: {  	s9 =	smov.u32 @p2 s19;
	s19 =	simm.s32 @!p1 $0x0;
	s2 =	sadd.s32 @!p1 s2, s1  }
0x281: {  	[tilespmem:s20], [sflag:$0x3] =	stream.linear.gather @!p1 [hbm4b:s2+s19], $0x80, $0x38;
	[tilespmem:$0x1D300] =	vst v63  }
0x282: {  	s25 =	smov.u32 @p2 s6;
	s2 =	sadd.s32 @!p1 s9, s1;
	s9 =	simm.s32 @!p1 $0x13E00  }
0x283: {  	[tilespmem:s9], [sflag:$0x3] =	stream.linear.gather @!p1 [hbm4b:s2+s19], $0x80, $0x38;
	[tilespmem:$0x1D300] =	vst v63  }
0x284: {  	s1 =	sadd.s32 @!p1 s25, s1;
	s2 =	simm.s32 @!p1 $0x14100  }
0x285: {  	[tilespmem:s2], [sflag:$0x3] =	stream.linear.gather @!p1 [hbm4b:s1+s19], $0x80, $0x38;
	[tilespmem:$0x1D300] =	vst v63  }
0x286: {  	s1 =	simm.s32 @!p1 $0x1  }
0x287: {  	_ =	swait.ge @!p1 [sflag:s1], $0x80  }
0x288: {  	[sflag:s1] =	ssyncset.done @!p1 $0x0  }
0x289: {  	[sflag:s1] =	ssyncadd.s32 @!p1 $0xFFFFFF80  }
0x28a: {  	_ =	swait.ge @!p1 [sflag:s1], $0x80  }
0x28b: {  	[sflag:s1] =	ssyncset.done @!p1 $0x0  }
0x28c: {  	s20 =	simm.s32 $0x2;
	[sflag:s1] =	ssyncadd.s32 @!p1 $0xFFFFFF80  }
0x28d: {  	v1 =	vmov s20;
	_ =	swait.ge @!p1 [sflag:s1], $0x80  }
0x28e: {  	s25 =	simm.s32 $0x1;
	v1 =	vand.u32 $0xFFFFFFFE, v1;
	s9 =	simm.s32 @!p1 $0x13A00;
	[sflag:s1] =	ssyncset.done @!p1 $0x0  }
0x28f: {  	v2 =	vmov s25;
	v1 =	vbroadcast v1, $0x0;
	s2 =	simm.s32 @!p1 $0x80;
	s19 =	simm.s32 @!p1 $0x14300;
	[sflag:s1] =	ssyncadd.s32 @!p1 $0xFFFFFF80  }
0x290: {  	v2 =	vand.u32 $0xFFFFFFFD, v2;
	[tilespmem:s19], [sflag:$0x7] =	stream.indirect.gather @!p1 [hbm4b:s23+s2], $0x20, s9, s2, $0xb8;
	[tilespmem:$0x1D300] =	vst v63  }
0x291: {  	v2 =	vbroadcast v2, $0x0;
	_ =	swait.ge [sflag:s16], $0x1000  }
0x292: {  	[sflag:s16] =	ssyncset.done $0x0  }
0x293: {  	s1 =	simm.s32 $0x15340;
	s19 =	simm.s32 $0x0;
	[sflag:s16] =	ssyncadd.s32 $0xFFFFF000  }
0x294: {  	s25 =	simm.s32 $0x3;
	v3 =	vmov s19;
	v4 =	vld [tilespmem:s1+$0x0]  }
0x295: {  	v6 =	vmov s25;
	v3 =	vand.u32 $0xFFFFFFFC, v3;
	v5 =	vld.idx.msk [tilespmem:v1+s21+$0x0], $0xffff  }
0x296: {  	v3 =	vbroadcast v3, $0x0;
	v1 =	vld [tilespmem:s1+$0xFFFFFFE0]  }
0x297: {  	s20 =	simm.s32 $0x4;
	v2 =	vld.idx.msk [tilespmem:v2+s21+$0x0], $0xffff  }
0x298: {  	v7 =	vmov s20  }
0x299: {  	v7 =	vand.u32 $0xFFFFFFFC, v7;
	s19 =	simm.s32 $0x6;
	v12 =	vld [tilespmem:s1+$0x20];
	v8 =	vunpack.i.l.bf16.f32 v4  }
0x29a: {  	v10 =	vmov s19;
	v6 =	vld.idx.msk [tilespmem:v6+s21+$0x0], $0xffff;
	v4 =	vunpack.i.u.bf16.f32 v4;
	v8 =	vmul.f32 v8, v5  }
0x29b: {  	s25 =	simm.s32 $0x19380;
	v9 =	vld [tilespmem:s1+$0xFFFFFFC0];
	v11 =	vunpack.i.l.bf16.f32 v1;
	v1 =	vunpack.i.u.bf16.f32 v1;
	v4 =	vmul.f32 v4, v5  }
0x29c: {  	s20 =	simm.s32 $0x5;
	v7 =	vbroadcast v7, $0x0;
	v10 =	vand.u32 $0xFFFFFFFE, v10;
	v3 =	vld.idx.msk [tilespmem:v3+s21+$0x0], $0xffff;
	v1 =	vmul.f32 v1, v2;
	[tilespmem:s25+$0x0] =	vst v8  }
0x29d: {  	v10 =	vbroadcast v10, $0x0;
	v8 =	vmul.f32 v11, v2;
	v11 =	vmov s20;
	[tilespmem:s25+$0x10] =	vst v4  }
0x29e: {  	v13 =	vunpack.i.l.bf16.f32 v12;
	[tilespmem:s25+$0xFFFFFFD0] =	vst v1;
	v4 =	vand.u32 $0xFFFFFFFD, v11;
	v11 =	vld [tilespmem:s1+$0x10]  }
0x29f: {  	v13 =	vmul.f32 v13, v6;
	[tilespmem:s25+$0xFFFFFFC0] =	vst v8  }
0x2a0: {  	v1 =	vunpack.i.u.bf16.f32 v9;
	s20 =	simm.s32 $0x153C0;
	v4 =	vbroadcast v4, $0x0;
	v8 =	vunpack.i.l.bf16.f32 v9;
	v9 =	vld [tilespmem:s1+$0xFFFFFFF0]  }
0x2a1: {  	v15 =	vld [tilespmem:s20+$0x0];
	v8 =	vmul.f32 v8, v3  }
0x2a2: {  	v12 =	vunpack.i.u.bf16.f32 v12;
	[tilespmem:s25+$0x40] =	vst v13;
	v14 =	vmul.f32 v1, v3;
	v1 =	vld.idx.msk [tilespmem:v7+s21+$0x0], $0xffff  }
0x2a3: {  	v7 =	vmul.f32 v12, v6;
	[tilespmem:s25+$0xFFFFFF80] =	vst v8;
	v8 =	vld.idx.msk [tilespmem:v10+s21+$0x0], $0xffff;
	v10 =	vunpack.i.u.bf16.f32 v11;
	v11 =	vunpack.i.l.bf16.f32 v11  }
0x2a4: {  	s9 =	simm.s32 $0x7;
	v12 =	vld [tilespmem:s20+$0xFFFFFFE0];
	[tilespmem:s25+$0xFFFFFF90] =	vst v14;
	v11 =	vmul.f32 v11, v5;
	v5 =	vmul.f32 v10, v5  }
0x2a5: {  	s19 =	simm.s32 $0x8;
	[tilespmem:s25+$0x50] =	vst v7;
	v14 =	vld [tilespmem:s20+$0xFFFFFFC0];
	v10 =	vmov s9;
	v7 =	vunpack.i.u.bf16.f32 v9;
	v9 =	vunpack.i.l.bf16.f32 v9  }
0x2a6: {  	v16 =	vunpack.i.l.bf16.f32 v15;
	s9 =	simm.s32 $0x9;
	v13 =	vld.idx.msk [tilespmem:v4+s21+$0x0], $0xffff;
	v4 =	vmov s19;
	[tilespmem:s25+$0x30] =	vst v5;
	v9 =	vmul.f32 v9, v2  }
0x2a7: {  	v5 =	vmov s9;
	v7 =	vmul.f32 v7, v2;
	[tilespmem:s25+$0x20] =	vst v11;
	v2 =	vunpack.i.u.bf16.f32 v15  }
0x2a8: {  	v17 =	vld [tilespmem:s20+$0x20];
	s19 =	simm.s32 $0xA;
	v4 =	vand.u32 $0xFFFFFFFC, v4;
	v11 =	vmul.f32 v16, v8;
	v5 =	vand.u32 $0xFFFFFFFD, v5;
	[tilespmem:s25+$0xFFFFFFE0] =	vst v9  }
0x2a9: {  	s30 =	simm.s32 $0x19480;
	v15 =	vld [tilespmem:s1+$0xFFFFFFD0];
	v16 =	vbroadcast v4, $0x0;
	v4 =	vmov s19;
	v9 =	vmul.f32 v2, v8;
	[tilespmem:s25+$0xFFFFFFF0] =	vst v7  }
0x2aa: {  	v4 =	vand.u32 $0xFFFFFFFE, v4;
	v7 =	vunpack.i.l.bf16.f32 v14;
	v2 =	vld.idx.msk [tilespmem:v10+s21+$0x0], $0xffff;
	v10 =	vunpack.i.l.bf16.f32 v12;
	[tilespmem:s30+$0x0] =	vst v11  }
0x2ab: {  	v5 =	vbroadcast v5, $0x0;
	v11 =	vld [tilespmem:s1+$0x30];
	v12 =	vunpack.i.u.bf16.f32 v12;
	v10 =	vmul.f32 v10, v13;
	[tilespmem:s30+$0x10] =	vst v9  }
0x2ac: {  	v14 =	vunpack.i.u.bf16.f32 v14;
	v4 =	vbroadcast v4, $0x0;
	v9 =	vmul.f32 v12, v13;
	v12 =	vld [tilespmem:s20+$0x10]  }
0x2ad: {  	v7 =	vmul.f32 v7, v1;
	v14 =	vmul.f32 v14, v1;
	[tilespmem:s30+$0xFFFFFFC0] =	vst v10  }
0x2ae: {  	v10 =	vunpack.i.u.bf16.f32 v17;
	[tilespmem:s30+$0xFFFFFFD0] =	vst v9;
	v9 =	vunpack.i.u.bf16.f32 v15;
	v15 =	vunpack.i.l.bf16.f32 v15  }
0x2af: {  	s19 =	simm.s32 $0x15440;
	[tilespmem:s30+$0xFFFFFF80] =	vst v7;
	v17 =	vunpack.i.l.bf16.f32 v17;
	v18 =	vld [tilespmem:s20+$0xFFFFFFF0];
	v15 =	vmul.f32 v15, v3;
	v9 =	vmul.f32 v9, v3  }
0x2b0: {  	v20 =	vld [tilespmem:s19+$0xFFFFFFE0];
	[tilespmem:s30+$0xFFFFFF90] =	vst v14;
	v17 =	vmul.f32 v17, v2;
	v7 =	vmul.f32 v10, v2  }
0x2b1: {  	v14 =	vld [tilespmem:s19+$0x0];
	v10 =	vunpack.i.u.bf16.f32 v11;
	v3 =	vunpack.i.l.bf16.f32 v11;
	[tilespmem:s25+$0xFFFFFFA0] =	vst v15;
	v11 =	vunpack.i.u.bf16.f32 v12  }
0x2b2: {  	s2 =	simm.s32 $0xB;
	v19 =	vmul.f32 v3, v6;
	v4 =	vld.idx.msk [tilespmem:v4+s21+$0x0], $0xffff;
	[tilespmem:s30+$0x40] =	vst v17;
	v3 =	vunpack.i.l.bf16.f32 v12;
	v11 =	vmul.f32 v11, v8  }
0x2b3: {  	s9 =	simm.s32 $0xC;
	v15 =	vmov s2;
	[tilespmem:s30+$0x50] =	vst v7;
	v17 =	vld [tilespmem:s19+$0xFFFFFFC0];
	v3 =	vmul.f32 v3, v8  }
0x2b4: {  	s2 =	simm.s32 $0xD;
	v7 =	vmul.f32 v10, v6;
	v6 =	vmov s9;
	v12 =	vld [tilespmem:s19+$0x20];
	v8 =	vunpack.i.l.bf16.f32 v18;
	[tilespmem:s30+$0x30] =	vst v11  }
0x2b5: {  	v10 =	vunpack.i.u.bf16.f32 v18;
	v11 =	vmov s2;
	v18 =	vmul.f32 v8, v13;
	[tilespmem:s30+$0x20] =	vst v3;
	v3 =	vld.idx.msk [tilespmem:v16+s21+$0x0], $0xffff  }
0x2b6: {  	[tilespmem:s25+$0xFFFFFFB0] =	vst v9;
	v16 =	vmul.f32 v10, v13;
	v8 =	vand.u32 $0xFFFFFFFC, v6;
	v6 =	vld.idx.msk [tilespmem:v5+s21+$0x0], $0xffff;
	v11 =	vand.u32 $0xFFFFFFFD, v11  }
0x2b7: {  	[tilespmem:s25+$0x60] =	vst v19;
	v5 =	vunpack.i.l.bf16.f32 v14;
	v10 =	vbroadcast v8, $0x0;
	v8 =	vbroadcast v11, $0x0;
	v11 =	vld [tilespmem:s20+$0xFFFFFFD0]  }
0x2b8: {  	v9 =	vld [tilespmem:s20+$0x30];
	v19 =	vunpack.i.l.bf16.f32 v20;
	v21 =	vmul.f32 v5, v4;
	[tilespmem:s30+$0xFFFFFFE0] =	vst v18;
	v18 =	vunpack.i.u.bf16.f32 v14  }
0x2b9: {  	s2 =	simm.s32 $0xE;
	v5 =	vld.idx.msk [tilespmem:v15+s21+$0x0], $0xffff;
	v13 =	vunpack.i.u.bf16.f32 v17;
	[tilespmem:s30+$0xFFFFFFF0] =	vst v16;
	v14 =	vunpack.i.l.bf16.f32 v17;
	s20 =	simm.s32 $0x19580;
	v17 =	vmul.f32 v18, v4  }
0x2ba: {  	s31 =	simm.s32 $0x15440;
	s1 =	simm.s32 $0x10;
	v16 =	vunpack.i.u.bf16.f32 v20;
	v15 =	vunpack.i.u.bf16.f32 v12;
	v18 =	vmov s2;
	[tilespmem:s20+$0x0] =	vst v21  }
.LBB2_13:
0x2bb: {  	p2 =	slt.u32 s1, $0x7C;
	v18 =	vand.u32 $0xFFFFFFFE, v18;
	v19 =	vmul.f32 v19, v6;
	[tilespmem:s20+$0x10] =	vst v17;
	v12 =	vunpack.i.l.bf16.f32 v12  }
0x2bc: {  	v16 =	vmul.f32 v16, v6;
	v20 =	vunpack.i.u.bf16.f32 v11;
	v17 =	vbroadcast v18, $0x0;
	v18 =	vld [tilespmem:s19+$0x10];
	[tilespmem:s25+$0x70] =	vst v7;
	s25 =	smov.u32 s30;
	s30 =	smov.u32 s20  }
0x2bd: {  	v13 =	vmul.f32 v13, v3;
	v11 =	vunpack.i.l.bf16.f32 v11;
	v7 =	vmul.f32 v14, v3;
	[tilespmem:s20+$0xFFFFFFC0] =	vst v19  }
0x2be: {  	v12 =	vmul.f32 v12, v5;
	v14 =	vmul.f32 v15, v5;
	v15 =	vunpack.i.u.bf16.f32 v9;
	v10 =	vld.idx.msk [tilespmem:v10+s21+$0x0], $0xffff;
	[tilespmem:s20+$0xFFFFFFD0] =	vst v16  }
0x2bf: {  	v11 =	vmul.f32 v11, v1;
	v19 =	vmul.f32 v20, v1;
	v1 =	vmovc v3;
	[tilespmem:s20+$0xFFFFFF80] =	vst v7;
	v16 =	vld [tilespmem:s19+$0xFFFFFFF0];
	v7 =	vunpack.i.l.bf16.f32 v9  }
0x2c0: {  	s19 =	sadd.s32 $0x80, s19;
	v8 =	vld.idx.msk [tilespmem:v8+s21+$0x0], $0xffff;
	[tilespmem:s20+$0xFFFFFF90] =	vst v13;
	v20 =	vmul.f32 v7, v2;
	v7 =	vmul.f32 v15, v2;
	v2 =	vmov v5  }
0x2c1: {  	v5 =	vld [tilespmem:s19+$0x0];
	v3 =	vunpack.i.u.bf16.f32 v18;
	v9 =	vunpack.i.l.bf16.f32 v18;
	[tilespmem:s20+$0x40] =	vst v12  }
0x2c2: {  	s2 =	sadd.s32 $0x3, s9;
	s9 =	smov.u32 s1;
	v9 =	vmul.f32 v9, v4;
	v12 =	vmul.f32 v3, v4;
	v4 =	vld.idx.msk [tilespmem:v17+s21+$0x0], $0xffff;
	[tilespmem:s20+$0x50] =	vst v14  }
0x2c3: {  	v15 =	vmov s2;
	v14 =	vld [tilespmem:s19+$0xFFFFFFC0];
	[tilespmem:s25+$0xFFFFFFA0] =	vst v11  }
0x2c4: {  	s2 =	sadd.s32 $0x1, s1;
	v11 =	vmov s1;
	v21 =	vld [tilespmem:s19+$0xFFFFFFE0];
	v13 =	vunpack.i.u.bf16.f32 v16;
	v16 =	vunpack.i.l.bf16.f32 v16;
	[tilespmem:s20+$0x30] =	vst v12;
	v3 =	vmovc v10  }
0x2c5: {  	v10 =	vmov s2;
	v12 =	vld [tilespmem:s19+$0x20];
	v16 =	vmul.f32 v16, v6;
	v17 =	vmul.f32 v13, v6;
	[tilespmem:s20+$0x20] =	vst v9  }
.Ltmp5:
0x2c6: {  	v9 =	vand.u32 $0xFFFFFFFC, v11;
	v13 =	vand.u32 $0xFFFFFFFD, v10;
	v6 =	vmov v8;
	v11 =	vld [tilespmem:s31+$0xFFFFFFD0];
	[tilespmem:s25+$0xFFFFFFB0] =	vst v19;
	(pc) =	sbr.rel @p2 .LBB2_13-.Ltmp5, $4  }
0x2c7: {  	v10 =	vbroadcast v9, $0x0;
	v8 =	vbroadcast v13, $0x0;
	v18 =	vunpack.i.l.bf16.f32 v5;
	[tilespmem:s20+$0xFFFFFFE0] =	vst v16;
	v9 =	vld [tilespmem:s31+$0x30];
	s31 =	smov.u32 s19  }
0x2c8: {  	v19 =	vunpack.i.u.bf16.f32 v5;
	v22 =	vmul.f32 v18, v4;
	v13 =	vunpack.i.u.bf16.f32 v14;
	v5 =	vld.idx.msk [tilespmem:v15+s21+$0x0], $0xffff;
	[tilespmem:s20+$0xFFFFFFF0] =	vst v17  }
0x2c9: {  	s2 =	sadd.s32 $0x2, s1;
	v14 =	vunpack.i.l.bf16.f32 v14;
	v17 =	vmul.f32 v19, v4;
	s20 =	sadd.s32 $0x100, s20;
	v16 =	vunpack.i.u.bf16.f32 v21;
	[tilespmem:s25+$0x60] =	vst v20  }
0x2ca: {  	s1 =	sadd.s32 $0x4, s1;
	v18 =	vmov s2;
	v19 =	vunpack.i.l.bf16.f32 v21;
	[tilespmem:s20+$0x0] =	vst v22;
	v15 =	vunpack.i.u.bf16.f32 v12  }
0x2cb: {  	v19 =	vmul.f32 v19, v6;
	[tilespmem:s20+$0x10] =	vst v17  }
0x2cc: {  	v17 =	vand.u32 $0xFFFFFFFE, v18;
	v16 =	vmul.f32 v16, v6;
	[tilespmem:s25+$0x70] =	vst v7  }
0x2cd: {  	v14 =	vmul.f32 v14, v3;
	v18 =	vld [tilespmem:s19+$0x10];
	v7 =	vbroadcast v17, $0x0;
	[tilespmem:s20+$0xFFFFFFC0] =	vst v19  }
0x2ce: {  	v12 =	vunpack.i.l.bf16.f32 v12;
	v13 =	vmul.f32 v13, v3;
	[tilespmem:s20+$0xFFFFFFD0] =	vst v16  }
0x2cf: {  	v12 =	vmul.f32 v12, v5;
	[tilespmem:s20+$0xFFFFFF80] =	vst v14;
	v14 =	vld [tilespmem:s19+$0xFFFFFFF0]  }
0x2d0: {  	v16 =	vunpack.i.l.bf16.f32 v11;
	v15 =	vmul.f32 v15, v5;
	[tilespmem:s20+$0xFFFFFF90] =	vst v13  }
0x2d1: {  	s1 =	sadd.s32 $0x80, s19;
	v11 =	vunpack.i.u.bf16.f32 v11;
	v13 =	vmul.f32 v16, v1;
	[tilespmem:s20+$0x40] =	vst v12  }
0x2d2: {  	v1 =	vmul.f32 v11, v1;
	v12 =	vld [tilespmem:s1+$0x0];
	[tilespmem:s20+$0x50] =	vst v15;
	v16 =	vunpack.i.u.bf16.f32 v18  }
0x2d3: {  	[tilespmem:s30+$0xFFFFFFA0] =	vst v13;
	v17 =	vunpack.i.l.bf16.f32 v18;
	v16 =	vmul.f32 v16, v4;
	v7 =	vld.idx.msk [tilespmem:v7+s21+$0x0], $0xffff  }
0x2d4: {  	s2 =	sadd.s32 $0x3, s9;
	[tilespmem:s30+$0xFFFFFFB0] =	vst v1;
	v4 =	vmul.f32 v17, v4;
	v11 =	vunpack.i.l.bf16.f32 v14  }
0x2d5: {  	v15 =	vld [tilespmem:s1+$0xFFFFFFE0];
	v13 =	vmov s2;
	v14 =	vunpack.i.u.bf16.f32 v14;
	[tilespmem:s20+$0x30] =	vst v16;
	v11 =	vmul.f32 v11, v6  }
0x2d6: {  	v8 =	vld.idx.msk [tilespmem:v8+s21+$0x0], $0xffff;
	[tilespmem:s20+$0x20] =	vst v4;
	v4 =	vunpack.i.l.bf16.f32 v9;
	v6 =	vmul.f32 v14, v6  }
0x2d7: {  	v14 =	vunpack.i.l.bf16.f32 v12;
	v1 =	vmul.f32 v4, v2;
	v4 =	vld [tilespmem:s1+$0xFFFFFFC0];
	[tilespmem:s20+$0xFFFFFFE0] =	vst v11  }
0x2d8: {  	v10 =	vld.idx.msk [tilespmem:v10+s21+$0x0], $0xffff;
	v11 =	vunpack.i.u.bf16.f32 v12;
	[tilespmem:s20+$0xFFFFFFF0] =	vst v6;
	v12 =	vmul.f32 v14, v7  }
0x2d9: {  	s2 =	sadd.s32 $0x100, s20;
	v6 =	vunpack.i.u.bf16.f32 v9;
	v9 =	vld [tilespmem:s1+$0x20];
	v11 =	vmul.f32 v11, v7;
	[tilespmem:s30+$0x60] =	vst v1  }
0x2da: {  	v1 =	vmul.f32 v6, v2;
	v2 =	vld.idx.msk [tilespmem:v13+s21+$0x0], $0xffff;
	v6 =	vunpack.i.l.bf16.f32 v15;
	[tilespmem:s2+$0x0] =	vst v12  }
0x2db: {  	v13 =	vunpack.i.u.bf16.f32 v15;
	v6 =	vmul.f32 v6, v8;
	v12 =	vld [tilespmem:s31+$0xFFFFFFD0];
	[tilespmem:s2+$0x10] =	vst v11  }
0x2dc: {  	v13 =	vmul.f32 v13, v8;
	[tilespmem:s30+$0x70] =	vst v1;
	v11 =	vunpack.i.l.bf16.f32 v4  }
0x2dd: {  	v14 =	vld [tilespmem:s1+$0x10];
	v1 =	vunpack.i.u.bf16.f32 v4;
	[tilespmem:s2+$0xFFFFFFC0] =	vst v6;
	v4 =	vmul.f32 v11, v10  }
0x2de: {  	[tilespmem:s2+$0xFFFFFFD0] =	vst v13;
	v6 =	vunpack.i.l.bf16.f32 v9;
	v1 =	vmul.f32 v1, v10;
	v9 =	vunpack.i.u.bf16.f32 v9  }
0x2df: {  	v9 =	vmul.f32 v9, v2;
	[tilespmem:s2+$0xFFFFFF80] =	vst v4;
	v4 =	vld [tilespmem:s1+$0xFFFFFFF0]  }
0x2e0: {  	v6 =	vmul.f32 v6, v2;
	[tilespmem:s2+$0xFFFFFF90] =	vst v1;
	v11 =	vunpack.i.l.bf16.f32 v12  }
0x2e1: {  	v1 =	vld [tilespmem:s31+$0x30];
	[tilespmem:s2+$0x50] =	vst v9;
	v9 =	vunpack.i.u.bf16.f32 v12;
	v11 =	vmul.f32 v11, v3  }
0x2e2: {  	[tilespmem:s2+$0x40] =	vst v6;
	v13 =	vunpack.i.u.bf16.f32 v14;
	v6 =	vunpack.i.l.bf16.f32 v14;
	v3 =	vmul.f32 v9, v3  }
0x2e3: {  	v13 =	vmul.f32 v13, v7;
	v6 =	vmul.f32 v6, v7;
	v7 =	vld [tilespmem:s1+$0xFFFFFFD0];
	[tilespmem:s20+$0xFFFFFFA0] =	vst v11  }
0x2e4: {  	[tilespmem:s20+$0xFFFFFFB0] =	vst v3;
	v9 =	vunpack.i.l.bf16.f32 v4  }
0x2e5: {  	v4 =	vunpack.i.u.bf16.f32 v4;
	[tilespmem:s2+$0x20] =	vst v6;
	v6 =	vld [tilespmem:s1+$0x30];
	v9 =	vmul.f32 v9, v8  }
0x2e6: {  	[tilespmem:s2+$0x30] =	vst v13;
	v11 =	vunpack.i.l.bf16.f32 v1;
	v4 =	vmul.f32 v4, v8  }
0x2e7: {  	v1 =	vunpack.i.u.bf16.f32 v1;
	v3 =	vmul.f32 v11, v5;
	[tilespmem:s2+$0xFFFFFFE0] =	vst v9  }
0x2e8: {  	v1 =	vmul.f32 v1, v5;
	[tilespmem:s2+$0xFFFFFFF0] =	vst v4;
	v4 =	vunpack.i.l.bf16.f32 v7  }
0x2e9: {  	[tilespmem:s20+$0x60] =	vst v3;
	v3 =	vunpack.i.u.bf16.f32 v7;
	v4 =	vmul.f32 v4, v10  }
0x2ea: {  	[tilespmem:s20+$0x70] =	vst v1;
	v1 =	vmul.f32 v3, v10;
	v3 =	vunpack.i.l.bf16.f32 v6  }
0x2eb: {  	v5 =	vunpack.i.u.bf16.f32 v6;
	v3 =	vmul.f32 v3, v2;
	[tilespmem:s2+$0xFFFFFFA0] =	vst v4  }
0x2ec: {  	v2 =	vmul.f32 v5, v2;
	[tilespmem:s2+$0xFFFFFFB0] =	vst v1  }
0x2ed: {  	[tilespmem:s2+$0x60] =	vst v3  }
0x2ee: {  	s19 =	simm.s32 $0x19300;
	s31 =	simm.s32 $0x13F00;
	[tilespmem:s2+$0x70] =	vst v2  }
0x2ef: {  	[spmem:s22] =	stream.indirect.scatter.add.f32 [tilespmem:s19], [sflag:$0xB], $0x40, s31, s17, $0xb8;
	[tilespmem:$0x1D300] =	vst v63  }
0x2f0: {  	s1 =	rddreg [dreg:$0x19]  }
0x2f1: {  	s1 =	sadd.s32 @!p1 s14, s1  }
0x2f2: {  	s9 =	smov.u32 s3;
	_ =	swait.ge [sflag:s26], $0x2000;
	p2 =	slt.u32 @!p1 s1, $0x4E200  }
0x2f3: {  	s19 =	simm.s32 @!p1 $0x13B80;
	[sflag:s26] =	ssyncset.done $0x0;
	p3 =	por p2, p1  }
0x2f4: {  	p2 =	por !p2, p1;
	[sflag:s26] =	ssyncadd.s32 $0xFFFFE000;
	s2 =	sadd.s32 @!p3 $0xFFFB1E00, s1  }
0x2f5: {  	s14 =	rddreg [dreg:$0x2];
	s1 =	smov.u32 @p2 s2;
	s2 =	smov.u32 s4  }
0x2f6: {  	s20 =	rddreg [dreg:$0x1];
	s2 =	smov.u32 @p2 s5;
	s1 =	sshrl.u32 @!p1 s1, $0x3  }
0x2f7: {  	s9 =	smov.u32 @p2 s14;
	s14 =	simm.s32 @!p1 $0x0;
	s2 =	sadd.s32 @!p1 s2, s1  }
0x2f8: {  	[tilespmem:s19], [sflag:$0x4] =	stream.linear.gather @!p1 [hbm4b:s2+s14], $0x80, $0x38;
	[tilespmem:$0x1D300] =	vst v63  }
0x2f9: {  	s20 =	smov.u32 @p2 s6;
	s2 =	sadd.s32 @!p1 s9, s1;
	s9 =	simm.s32 @!p1 $0x13E80  }
0x2fa: {  	[tilespmem:s9], [sflag:$0x4] =	stream.linear.gather @!p1 [hbm4b:s2+s14], $0x80, $0x38;
	[tilespmem:$0x1D300] =	vst v63  }
0x2fb: {  	s1 =	sadd.s32 @!p1 s20, s1;
	s2 =	simm.s32 @!p1 $0x14180  }
0x2fc: {  	[tilespmem:s2], [sflag:$0x4] =	stream.linear.gather @!p1 [hbm4b:s1+s14], $0x80, $0x38;
	[tilespmem:$0x1D300] =	vst v63  }
0x2fd: {  	s1 =	simm.s32 @!p1 $0x2  }
0x2fe: {  	_ =	swait.ge @!p1 [sflag:s1], $0x80  }
0x2ff: {  	[sflag:s1] =	ssyncset.done @!p1 $0x0  }
0x300: {  	[sflag:s1] =	ssyncadd.s32 @!p1 $0xFFFFFF80  }
0x301: {  	_ =	swait.ge @!p1 [sflag:s1], $0x80  }
0x302: {  	[sflag:s1] =	ssyncset.done @!p1 $0x0  }
0x303: {  	s20 =	simm.s32 $0x2;
	[sflag:s1] =	ssyncadd.s32 @!p1 $0xFFFFFF80  }
0x304: {  	v1 =	vmov s20;
	_ =	swait.ge @!p1 [sflag:s1], $0x80  }
0x305: {  	s25 =	simm.s32 $0x1;
	v1 =	vand.u32 $0xFFFFFFFE, v1;
	s9 =	simm.s32 @!p1 $0x13A80;
	[sflag:s1] =	ssyncset.done @!p1 $0x0  }
0x306: {  	v2 =	vmov s25;
	v1 =	vbroadcast v1, $0x0;
	s2 =	simm.s32 @!p1 $0x80;
	s14 =	simm.s32 @!p1 $0x15300;
	[sflag:s1] =	ssyncadd.s32 @!p1 $0xFFFFFF80  }
0x307: {  	v2 =	vand.u32 $0xFFFFFFFD, v2;
	[tilespmem:s14], [sflag:$0x8] =	stream.indirect.gather @!p1 [hbm4b:s23+s2], $0x20, s9, s2, $0xb8;
	[tilespmem:$0x1D300] =	vst v63  }
0x308: {  	v2 =	vbroadcast v2, $0x0;
	_ =	swait.ge [sflag:s29], $0x1000  }
0x309: {  	[sflag:s29] =	ssyncset.done $0x0  }
0x30a: {  	s1 =	simm.s32 $0x16340;
	s14 =	simm.s32 $0x0;
	[sflag:s29] =	ssyncadd.s32 $0xFFFFF000  }
0x30b: {  	s20 =	simm.s32 $0x3;
	v3 =	vmov s14;
	v4 =	vld [tilespmem:s1+$0x0]  }
0x30c: {  	v6 =	vmov s20;
	v3 =	vand.u32 $0xFFFFFFFC, v3;
	v5 =	vld.idx.msk [tilespmem:v1+s15+$0x0], $0xffff  }
0x30d: {  	v3 =	vbroadcast v3, $0x0;
	v1 =	vld [tilespmem:s1+$0xFFFFFFE0]  }
0x30e: {  	v2 =	vld.idx.msk [tilespmem:v2+s15+$0x0], $0xffff  }
0x30f: {  	s25 =	simm.s32 $0x6;
	s19 =	simm.s32 $0x4  }
0x310: {  	v10 =	vmov s25;
	v7 =	vmov s19;
	v12 =	vld [tilespmem:s1+$0x20];
	v8 =	vunpack.i.l.bf16.f32 v4  }
0x311: {  	v7 =	vand.u32 $0xFFFFFFFC, v7;
	v6 =	vld.idx.msk [tilespmem:v6+s15+$0x0], $0xffff;
	v4 =	vunpack.i.u.bf16.f32 v4;
	v8 =	vmul.f32 v8, v5  }
0x312: {  	s14 =	simm.s32 $0x1B380;
	v9 =	vld [tilespmem:s1+$0xFFFFFFC0];
	v11 =	vunpack.i.l.bf16.f32 v1;
	v1 =	vunpack.i.u.bf16.f32 v1;
	v4 =	vmul.f32 v4, v5  }
0x313: {  	v10 =	vand.u32 $0xFFFFFFFE, v10;
	v7 =	vbroadcast v7, $0x0;
	s9 =	simm.s32 $0x5;
	v3 =	vld.idx.msk [tilespmem:v3+s15+$0x0], $0xffff;
	v1 =	vmul.f32 v1, v2;
	[tilespmem:s14+$0x0] =	vst v8  }
0x314: {  	v10 =	vbroadcast v10, $0x0;
	v8 =	vmul.f32 v11, v2;
	v11 =	vmov s9;
	[tilespmem:s14+$0x10] =	vst v4  }
0x315: {  	v13 =	vunpack.i.l.bf16.f32 v12;
	[tilespmem:s14+$0xFFFFFFD0] =	vst v1;
	v4 =	vand.u32 $0xFFFFFFFD, v11;
	v11 =	vld [tilespmem:s1+$0x10]  }
0x316: {  	v13 =	vmul.f32 v13, v6;
	[tilespmem:s14+$0xFFFFFFC0] =	vst v8  }
0x317: {  	s20 =	simm.s32 $0x163C0;
	v1 =	vunpack.i.u.bf16.f32 v9;
	v4 =	vbroadcast v4, $0x0;
	v8 =	vunpack.i.l.bf16.f32 v9;
	v9 =	vld [tilespmem:s1+$0xFFFFFFF0]  }
0x318: {  	v15 =	vld [tilespmem:s20+$0x0];
	v8 =	vmul.f32 v8, v3  }
0x319: {  	v12 =	vunpack.i.u.bf16.f32 v12;
	[tilespmem:s14+$0x40] =	vst v13;
	v14 =	vmul.f32 v1, v3;
	v1 =	vld.idx.msk [tilespmem:v7+s15+$0x0], $0xffff  }
0x31a: {  	v7 =	vmul.f32 v12, v6;
	[tilespmem:s14+$0xFFFFFF80] =	vst v8;
	v8 =	vld.idx.msk [tilespmem:v10+s15+$0x0], $0xffff;
	v10 =	vunpack.i.u.bf16.f32 v11;
	v11 =	vunpack.i.l.bf16.f32 v11  }
0x31b: {  	s19 =	simm.s32 $0x7;
	v12 =	vld [tilespmem:s20+$0xFFFFFFE0];
	[tilespmem:s14+$0xFFFFFF90] =	vst v14;
	v11 =	vmul.f32 v11, v5;
	v5 =	vmul.f32 v10, v5  }
0x31c: {  	s25 =	simm.s32 $0x8;
	[tilespmem:s14+$0x50] =	vst v7;
	v14 =	vld [tilespmem:s20+$0xFFFFFFC0];
	v10 =	vmov s19;
	v7 =	vunpack.i.u.bf16.f32 v9;
	v9 =	vunpack.i.l.bf16.f32 v9  }
0x31d: {  	v16 =	vunpack.i.l.bf16.f32 v15;
	s9 =	simm.s32 $0x9;
	v13 =	vld.idx.msk [tilespmem:v4+s15+$0x0], $0xffff;
	v4 =	vmov s25;
	[tilespmem:s14+$0x30] =	vst v5;
	v9 =	vmul.f32 v9, v2  }
0x31e: {  	v5 =	vmov s9;
	v7 =	vmul.f32 v7, v2;
	[tilespmem:s14+$0x20] =	vst v11;
	v2 =	vunpack.i.u.bf16.f32 v15  }
0x31f: {  	v17 =	vld [tilespmem:s20+$0x20];
	s19 =	simm.s32 $0xA;
	v4 =	vand.u32 $0xFFFFFFFC, v4;
	v11 =	vmul.f32 v16, v8;
	v5 =	vand.u32 $0xFFFFFFFD, v5;
	[tilespmem:s14+$0xFFFFFFE0] =	vst v9  }
0x320: {  	s25 =	simm.s32 $0x1B480;
	v15 =	vld [tilespmem:s1+$0xFFFFFFD0];
	v16 =	vbroadcast v4, $0x0;
	v4 =	vmov s19;
	v9 =	vmul.f32 v2, v8;
	[tilespmem:s14+$0xFFFFFFF0] =	vst v7  }
0x321: {  	v4 =	vand.u32 $0xFFFFFFFE, v4;
	v7 =	vunpack.i.l.bf16.f32 v14;
	v2 =	vld.idx.msk [tilespmem:v10+s15+$0x0], $0xffff;
	v10 =	vunpack.i.l.bf16.f32 v12;
	[tilespmem:s25+$0x0] =	vst v11  }
0x322: {  	v5 =	vbroadcast v5, $0x0;
	v11 =	vld [tilespmem:s1+$0x30];
	v12 =	vunpack.i.u.bf16.f32 v12;
	v10 =	vmul.f32 v10, v13;
	[tilespmem:s25+$0x10] =	vst v9  }
0x323: {  	v14 =	vunpack.i.u.bf16.f32 v14;
	v4 =	vbroadcast v4, $0x0;
	v9 =	vmul.f32 v12, v13;
	v12 =	vld [tilespmem:s20+$0x10]  }
0x324: {  	v7 =	vmul.f32 v7, v1;
	v14 =	vmul.f32 v14, v1;
	[tilespmem:s25+$0xFFFFFFC0] =	vst v10  }
0x325: {  	v10 =	vunpack.i.u.bf16.f32 v17;
	[tilespmem:s25+$0xFFFFFFD0] =	vst v9;
	v9 =	vunpack.i.u.bf16.f32 v15;
	v15 =	vunpack.i.l.bf16.f32 v15  }
0x326: {  	s19 =	simm.s32 $0x16440;
	[tilespmem:s25+$0xFFFFFF80] =	vst v7;
	v17 =	vunpack.i.l.bf16.f32 v17;
	v18 =	vld [tilespmem:s20+$0xFFFFFFF0];
	v15 =	vmul.f32 v15, v3;
	v9 =	vmul.f32 v9, v3  }
0x327: {  	v20 =	vld [tilespmem:s19+$0xFFFFFFE0];
	[tilespmem:s25+$0xFFFFFF90] =	vst v14;
	v17 =	vmul.f32 v17, v2;
	v7 =	vmul.f32 v10, v2  }
0x328: {  	v14 =	vld [tilespmem:s19+$0x0];
	v10 =	vunpack.i.u.bf16.f32 v11;
	v3 =	vunpack.i.l.bf16.f32 v11;
	[tilespmem:s14+$0xFFFFFFA0] =	vst v15;
	v11 =	vunpack.i.u.bf16.f32 v12  }
0x329: {  	s2 =	simm.s32 $0xB;
	v19 =	vmul.f32 v3, v6;
	v4 =	vld.idx.msk [tilespmem:v4+s15+$0x0], $0xffff;
	[tilespmem:s25+$0x40] =	vst v17;
	v3 =	vunpack.i.l.bf16.f32 v12;
	v11 =	vmul.f32 v11, v8  }
0x32a: {  	s9 =	simm.s32 $0xC;
	v15 =	vmov s2;
	[tilespmem:s25+$0x50] =	vst v7;
	v17 =	vld [tilespmem:s19+$0xFFFFFFC0];
	v3 =	vmul.f32 v3, v8  }
0x32b: {  	s2 =	simm.s32 $0xD;
	v7 =	vmul.f32 v10, v6;
	v6 =	vmov s9;
	v12 =	vld [tilespmem:s19+$0x20];
	v8 =	vunpack.i.l.bf16.f32 v18;
	[tilespmem:s25+$0x30] =	vst v11  }
0x32c: {  	v10 =	vunpack.i.u.bf16.f32 v18;
	v11 =	vmov s2;
	v18 =	vmul.f32 v8, v13;
	[tilespmem:s25+$0x20] =	vst v3;
	v3 =	vld.idx.msk [tilespmem:v16+s15+$0x0], $0xffff  }
0x32d: {  	[tilespmem:s14+$0xFFFFFFB0] =	vst v9;
	v16 =	vmul.f32 v10, v13;
	v8 =	vand.u32 $0xFFFFFFFC, v6;
	v6 =	vld.idx.msk [tilespmem:v5+s15+$0x0], $0xffff;
	v11 =	vand.u32 $0xFFFFFFFD, v11  }
0x32e: {  	[tilespmem:s14+$0x60] =	vst v19;
	v5 =	vunpack.i.l.bf16.f32 v14;
	v10 =	vbroadcast v8, $0x0;
	v8 =	vbroadcast v11, $0x0;
	v11 =	vld [tilespmem:s20+$0xFFFFFFD0]  }
0x32f: {  	v9 =	vld [tilespmem:s20+$0x30];
	v19 =	vunpack.i.l.bf16.f32 v20;
	v21 =	vmul.f32 v5, v4;
	[tilespmem:s25+$0xFFFFFFE0] =	vst v18;
	v18 =	vunpack.i.u.bf16.f32 v14  }
0x330: {  	s2 =	simm.s32 $0xE;
	v5 =	vld.idx.msk [tilespmem:v15+s15+$0x0], $0xffff;
	v13 =	vunpack.i.u.bf16.f32 v17;
	[tilespmem:s25+$0xFFFFFFF0] =	vst v16;
	v14 =	vunpack.i.l.bf16.f32 v17;
	s20 =	simm.s32 $0x1B580;
	v17 =	vmul.f32 v18, v4  }
0x331: {  	s30 =	simm.s32 $0x16440;
	s1 =	simm.s32 $0x10;
	v16 =	vunpack.i.u.bf16.f32 v20;
	v15 =	vunpack.i.u.bf16.f32 v12;
	v18 =	vmov s2;
	[tilespmem:s20+$0x0] =	vst v21  }
.LBB2_15:
0x332: {  	p1 =	slt.u32 s1, $0x7C;
	v18 =	vand.u32 $0xFFFFFFFE, v18;
	v19 =	vmul.f32 v19, v6;
	[tilespmem:s20+$0x10] =	vst v17;
	v12 =	vunpack.i.l.bf16.f32 v12  }
0x333: {  	v16 =	vmul.f32 v16, v6;
	v20 =	vunpack.i.u.bf16.f32 v11;
	v17 =	vbroadcast v18, $0x0;
	v18 =	vld [tilespmem:s19+$0x10];
	[tilespmem:s14+$0x70] =	vst v7;
	s14 =	smov.u32 s25;
	s25 =	smov.u32 s20  }
0x334: {  	v13 =	vmul.f32 v13, v3;
	v11 =	vunpack.i.l.bf16.f32 v11;
	v7 =	vmul.f32 v14, v3;
	[tilespmem:s20+$0xFFFFFFC0] =	vst v19  }
0x335: {  	v12 =	vmul.f32 v12, v5;
	v14 =	vmul.f32 v15, v5;
	v15 =	vunpack.i.u.bf16.f32 v9;
	v10 =	vld.idx.msk [tilespmem:v10+s15+$0x0], $0xffff;
	[tilespmem:s20+$0xFFFFFFD0] =	vst v16  }
0x336: {  	v11 =	vmul.f32 v11, v1;
	v19 =	vmul.f32 v20, v1;
	v1 =	vmovc v3;
	[tilespmem:s20+$0xFFFFFF80] =	vst v7;
	v16 =	vld [tilespmem:s19+$0xFFFFFFF0];
	v7 =	vunpack.i.l.bf16.f32 v9  }
0x337: {  	s19 =	sadd.s32 $0x80, s19;
	v8 =	vld.idx.msk [tilespmem:v8+s15+$0x0], $0xffff;
	[tilespmem:s20+$0xFFFFFF90] =	vst v13;
	v20 =	vmul.f32 v7, v2;
	v7 =	vmul.f32 v15, v2;
	v2 =	vmov v5  }
0x338: {  	v5 =	vld [tilespmem:s19+$0x0];
	v3 =	vunpack.i.u.bf16.f32 v18;
	v9 =	vunpack.i.l.bf16.f32 v18;
	[tilespmem:s20+$0x40] =	vst v12  }
0x339: {  	s2 =	sadd.s32 $0x3, s9;
	s9 =	smov.u32 s1;
	v9 =	vmul.f32 v9, v4;
	v12 =	vmul.f32 v3, v4;
	v4 =	vld.idx.msk [tilespmem:v17+s15+$0x0], $0xffff;
	[tilespmem:s20+$0x50] =	vst v14  }
0x33a: {  	v15 =	vmov s2;
	v14 =	vld [tilespmem:s19+$0xFFFFFFC0];
	[tilespmem:s14+$0xFFFFFFA0] =	vst v11  }
0x33b: {  	s2 =	sadd.s32 $0x1, s1;
	v11 =	vmov s1;
	v21 =	vld [tilespmem:s19+$0xFFFFFFE0];
	v13 =	vunpack.i.u.bf16.f32 v16;
	v16 =	vunpack.i.l.bf16.f32 v16;
	[tilespmem:s20+$0x30] =	vst v12;
	v3 =	vmovc v10  }
0x33c: {  	v10 =	vmov s2;
	v12 =	vld [tilespmem:s19+$0x20];
	v16 =	vmul.f32 v16, v6;
	v17 =	vmul.f32 v13, v6;
	[tilespmem:s20+$0x20] =	vst v9  }
.Ltmp6:
0x33d: {  	v9 =	vand.u32 $0xFFFFFFFC, v11;
	v13 =	vand.u32 $0xFFFFFFFD, v10;
	v6 =	vmov v8;
	v11 =	vld [tilespmem:s30+$0xFFFFFFD0];
	[tilespmem:s14+$0xFFFFFFB0] =	vst v19;
	(pc) =	sbr.rel @p1 .LBB2_15-.Ltmp6, $4  }
0x33e: {  	v10 =	vbroadcast v9, $0x0;
	v8 =	vbroadcast v13, $0x0;
	v18 =	vunpack.i.l.bf16.f32 v5;
	[tilespmem:s20+$0xFFFFFFE0] =	vst v16;
	v9 =	vld [tilespmem:s30+$0x30];
	s30 =	smov.u32 s19  }
0x33f: {  	v19 =	vunpack.i.u.bf16.f32 v5;
	v22 =	vmul.f32 v18, v4;
	v13 =	vunpack.i.u.bf16.f32 v14;
	v5 =	vld.idx.msk [tilespmem:v15+s15+$0x0], $0xffff;
	[tilespmem:s20+$0xFFFFFFF0] =	vst v17  }
0x340: {  	s2 =	sadd.s32 $0x2, s1;
	v14 =	vunpack.i.l.bf16.f32 v14;
	v17 =	vmul.f32 v19, v4;
	s20 =	sadd.s32 $0x100, s20;
	v16 =	vunpack.i.u.bf16.f32 v21;
	[tilespmem:s14+$0x60] =	vst v20  }
0x341: {  	s1 =	sadd.s32 $0x4, s1;
	v18 =	vmov s2;
	v19 =	vunpack.i.l.bf16.f32 v21;
	[tilespmem:s20+$0x0] =	vst v22;
	v15 =	vunpack.i.u.bf16.f32 v12  }
0x342: {  	v19 =	vmul.f32 v19, v6;
	[tilespmem:s20+$0x10] =	vst v17  }
0x343: {  	v16 =	vmul.f32 v16, v6;
	[tilespmem:s14+$0x70] =	vst v7  }
0x344: {  	v14 =	vmul.f32 v14, v3;
	[tilespmem:s20+$0xFFFFFFC0] =	vst v19  }
0x345: {  	v13 =	vmul.f32 v13, v3;
	v28 =	vunpack.i.l.bf16.f32 v11;
	[tilespmem:s20+$0xFFFFFFD0] =	vst v16  }
0x346: {  	v33 =	vunpack.i.u.bf16.f32 v11;
	v25 =	vld [tilespmem:s19+$0x10];
	v29 =	vmul.f32 v28, v1;
	[tilespmem:s20+$0xFFFFFF80] =	vst v14  }
0x347: {  	v12 =	vunpack.i.l.bf16.f32 v12;
	s1 =	sadd.s32 $0x80, s19;
	v8 =	vld.idx.msk [tilespmem:v8+s15+$0x0], $0xffff;
	v1 =	vmul.f32 v33, v1;
	[tilespmem:s20+$0xFFFFFF90] =	vst v13  }
0x348: {  	v37 =	vld [tilespmem:s1+$0xFFFFFFE0];
	v38 =	vunpack.i.l.bf16.f32 v9;
	v12 =	vmul.f32 v12, v5;
	[tilespmem:s25+$0xFFFFFFA0] =	vst v29  }
0x349: {  	v24 =	vand.u32 $0xFFFFFFFE, v18;
	s2 =	sadd.s32 $0x3, s9;
	v40 =	vld [tilespmem:s1+$0xFFFFFFC0];
	[tilespmem:s25+$0xFFFFFFB0] =	vst v1;
	v1 =	vmul.f32 v38, v2  }
0x34a: {  	v10 =	vld.idx.msk [tilespmem:v10+s15+$0x0], $0xffff;
	v36 =	vmov s2;
	v44 =	vunpack.i.u.bf16.f32 v9;
	v15 =	vmul.f32 v15, v5;
	[tilespmem:s20+$0x40] =	vst v12  }
0x34b: {  	v26 =	vbroadcast v24, $0x0;
	v27 =	vld [tilespmem:s19+$0xFFFFFFF0];
	[tilespmem:s25+$0x60] =	vst v1;
	v1 =	vmul.f32 v44, v2;
	v30 =	vunpack.i.u.bf16.f32 v25  }
0x34c: {  	[tilespmem:s20+$0x50] =	vst v15;
	v32 =	vunpack.i.l.bf16.f32 v25;
	v16 =	vmul.f32 v30, v4  }
0x34d: {  	v48 =	vunpack.i.u.bf16.f32 v37;
	v34 =	vmul.f32 v32, v4;
	[tilespmem:s25+$0x70] =	vst v1  }
0x34e: {  	v45 =	vld [tilespmem:s1+$0x20];
	v49 =	vunpack.i.l.bf16.f32 v40;
	v13 =	vmul.f32 v48, v8;
	[tilespmem:s20+$0x30] =	vst v16  }
0x34f: {  	s19 =	sadd.s32 $0x100, s20;
	v2 =	vld.idx.msk [tilespmem:v36+s15+$0x0], $0xffff;
	v1 =	vunpack.i.u.bf16.f32 v40;
	v51 =	vmul.f32 v49, v10;
	[tilespmem:s20+$0x20] =	vst v34  }
0x350: {  	v31 =	vld [tilespmem:s1+$0x0];
	v35 =	vunpack.i.l.bf16.f32 v27;
	v1 =	vmul.f32 v1, v10;
	[tilespmem:s19+$0xFFFFFFD0] =	vst v13  }
0x351: {  	v46 =	vunpack.i.l.bf16.f32 v37;
	v7 =	vld.idx.msk [tilespmem:v26+s15+$0x0], $0xffff;
	v14 =	vunpack.i.u.bf16.f32 v27;
	v11 =	vmul.f32 v35, v6;
	[tilespmem:s19+$0xFFFFFF80] =	vst v51  }
0x352: {  	v47 =	vld [tilespmem:s30+$0xFFFFFFD0];
	v39 =	vmul.f32 v14, v6;
	v6 =	vmul.f32 v46, v8;
	[tilespmem:s19+$0xFFFFFF90] =	vst v1  }
0x353: {  	v52 =	vunpack.i.l.bf16.f32 v45;
	[tilespmem:s20+$0xFFFFFFE0] =	vst v11  }
0x354: {  	v9 =	vunpack.i.u.bf16.f32 v45;
	v1 =	vld [tilespmem:s30+$0x30];
	[tilespmem:s19+$0xFFFFFFC0] =	vst v6;
	v6 =	vmul.f32 v52, v2  }
0x355: {  	v42 =	vunpack.i.u.bf16.f32 v31;
	[tilespmem:s20+$0xFFFFFFF0] =	vst v39;
	v9 =	vmul.f32 v9, v2  }
0x356: {  	v41 =	vunpack.i.l.bf16.f32 v31;
	v11 =	vmul.f32 v42, v7;
	v53 =	vld [tilespmem:s1+$0xFFFFFFF0];
	[tilespmem:s19+$0x40] =	vst v6  }
0x357: {  	v54 =	vunpack.i.l.bf16.f32 v47;
	v57 =	vunpack.i.u.bf16.f32 v47;
	v43 =	vmul.f32 v41, v7;
	[tilespmem:s19+$0x50] =	vst v9  }
0x358: {  	v58 =	vld [tilespmem:s1+$0xFFFFFFD0];
	[tilespmem:s19+$0x10] =	vst v11;
	v11 =	vmul.f32 v54, v3;
	v3 =	vmul.f32 v57, v3  }
0x359: {  	[tilespmem:s19+$0x0] =	vst v43;
	v61 =	vunpack.i.l.bf16.f32 v1  }
0x35a: {  	v60 =	vld [tilespmem:s1+$0x30];
	v1 =	vunpack.i.u.bf16.f32 v1;
	[tilespmem:s20+$0xFFFFFFB0] =	vst v3;
	v3 =	vmul.f32 v61, v5  }
0x35b: {  	[tilespmem:s20+$0xFFFFFFA0] =	vst v11;
	v1 =	vmul.f32 v1, v5;
	v59 =	vunpack.i.l.bf16.f32 v53  }
0x35c: {  	v50 =	vld [tilespmem:s1+$0x10];
	v4 =	vunpack.i.u.bf16.f32 v53;
	v9 =	vmul.f32 v59, v8;
	[tilespmem:s20+$0x60] =	vst v3  }
0x35d: {  	v4 =	vmul.f32 v4, v8;
	v3 =	vunpack.i.u.bf16.f32 v58;
	[tilespmem:s20+$0x70] =	vst v1  }
0x35e: {  	v62 =	vunpack.i.l.bf16.f32 v58;
	v1 =	vmul.f32 v3, v10;
	[tilespmem:s19+$0xFFFFFFE0] =	vst v9  }
0x35f: {  	v3 =	vunpack.i.l.bf16.f32 v60;
	[tilespmem:s19+$0xFFFFFFF0] =	vst v4;
	v4 =	vmul.f32 v62, v10  }
0x360: {  	s12 =	sadd.s32 $0x1, s12;
	v63 =	vunpack.i.u.bf16.f32 v60;
	v3 =	vmul.f32 v3, v2;
	[tilespmem:s19+$0xFFFFFFB0] =	vst v1  }
0x361: {  	p1 =	sne.s32 s12, $0x4B;
	v55 =	vunpack.i.u.bf16.f32 v50;
	v2 =	vmul.f32 v63, v2;
	[tilespmem:s19+$0xFFFFFFA0] =	vst v4  }
.Ltmp7:
0x362: {  	v56 =	vunpack.i.l.bf16.f32 v50;
	v13 =	vmul.f32 v55, v7;
	[tilespmem:s19+$0x60] =	vst v3;
	(pc) =	sbr.rel @p1 .LBB2_4-.Ltmp7, $4  }
0x363: {  	v6 =	vmul.f32 v56, v7;
	[tilespmem:s19+$0x70] =	vst v2  }
0x364: {  	[tilespmem:s19+$0x30] =	vst v13  }
0x365: {  	s25 =	simm.s32 $0x13F80;
	s30 =	simm.s32 $0x1B300;
	[tilespmem:s19+$0x20] =	vst v6  }
0x366: {  	[spmem:s22] =	stream.indirect.scatter.add.f32 [tilespmem:s30], [sflag:$0xC], $0x40, s25, s17, $0xb8;
	[tilespmem:$0x1D300] =	vst v63  }
0x367: {  	s1 =	simm.s32 $0xB  }
0x368: {  	_ =	swait.ge [sflag:s1], $0x2000  }
0x369: {  	[sflag:s1] =	ssyncset.done $0x0  }
0x36a: {  	s20 =	simm.s32 $0xC;
	[sflag:s1] =	ssyncadd.s32 $0xFFFFE000  }
0x36b: {  	_ =	swait.ge [sflag:s20], $0x2000  }
0x36c: {  	[sflag:s20] =	ssyncset.done $0x0  }
0x36d: {  	[sflag:s20] =	ssyncadd.s32 $0xFFFFE000  }
0x36e: {  	s19 =	stileid.u32;
	s2 =	simm.s32 @p0 $0x1;
	[bflag:$0x0] =	sbarrier.arrive $0xFFFF  }
0x36f: {  	s9 =	simm.s32 @p0 $0x20;
	s1 =	sshll.u32 @p0 s19, $0x6;
	s14 =	rddreg [dreg:$0x1a]  }
0x370: {  	s12 =	simm.s32 @p0 $0x8;
	s1 =	sor.u32 @p0 $0x1C0D, s1;
	s20 =	rddreg [dreg:$0x1c]  }
0x371: {  	[hbm:s14@s9], [sflag:s1] =	dma.strided @p0 [spmem:s20@s12], $0x25C0, s2, $0x8   }
0x372: {  	s1 =	simm.s32 @p0 $0xD  }
0x373: {  	_ =	swait.ge @p0 [sflag:s1], $0x25C0  }
0x374: {  	s2 =	sshll.u32 @!p0 s19, $0x6;
	s9 =	simm.s32 @!p0 $0x20;
	s19 =	rddreg [dreg:$0x12]  }
0x375: {  	s12 =	simm.s32 @!p0 $0x8;
	[sflag:s1] =	ssyncset.done @p0 $0x0;
	s20 =	rddreg [dreg:$0x1d]  }
0x376: {  	[sflag:s1] =	ssyncadd.s32 @p0 $0xFFFFDA40;
	s1 =	sor.u32 @!p0 $0x1C0D, s2;
	s2 =	simm.s32 @!p0 $0x1  }
0x377: {  	[hbm:s19@s9], [sflag:s1] =	dma.strided @!p0 [spmem:s20@s12], $0x2740, s2, $0x8   }
0x378: {  	s1 =	simm.s32 @!p0 $0xD  }
0x379: {  	_ =	swait.ge @!p0 [sflag:s1], $0x2740  }
0x37a: {  	s25 =	rddreg [dreg:$0x11]  }
0x37b: {  	s30 =	rddreg [dreg:$0x1b];
	s19 =	sadd.s32 $0x1, s25  }
0x37c: {  	p1 =	sne.s32 s19, s30  }
.Ltmp8:
0x37d: {  	_ = 	snop;
	(pc) =	sbr.rel @p1 .LBB2_1-.Ltmp8, $3  }
0x37e: {  	_ =	sdelay $0x1  }
0x37f: {  	[sflag:s1] =	ssyncset.done @!p0 $0x0  }
0x380: {  	s14 =	stileid.u32;
	[sflag:s1] =	ssyncadd.s32 @!p0 $0xFFFFD8C0  }
0x381: {  	_ =	sfence.sel $0x180000  }
0x382: {  	[bflag:$0x0] =	sbarrier.arrive $0xFFFF  }
0x383: {  	_ =	strace $0x90000047  }
0x384: {  	[bflag:$0x2] =	sbarrier.arrive $0xFFFF  }
0x385: {  	p0 =	sne.s32 s14, $0x0;
	s0 =	rddreg [dreg:$0x4]  }
0x386: {  	s0 =	sadd.s32 @!p0 $0x100000, s0  }
0x387: {  	[sflag:s0] =	ssyncadd.tile.s32 @!p0 $0x1;
	_ =	shalt  }
.Lfunc_end2:
_tile_overlayer_lowered:
.L_overlay_start_2:
0x388: {  	(tag) =	ssettag $0x2  }
0x389: {  	s0 =	rddreg [dreg:$0x0];
	s2 =	stileid.u32  }
0x38a: {  	s1 =	rddreg [dreg:$0x1];
	p0 =	sne.s32 s2, $0x0  }
0x38b: {  	s3 =	rddreg [dreg:$0x2];
	[bflag:$0x3] =	sbarrier.arrive $0xFFFF;
	s2 =	simm.s32 @!p0 $0x1C0D  }
0x38c: {  	[timem:s3], [sflag:s2] =	dma.local @!p0 [hbm:s0], s1  }
0x38d: {  	s0 =	simm.s32 @!p0 $0xD  }
0x38e: {  	_ =	swait.ge @!p0 [sflag:s0], s1  }
0x38f: {  	s1 =	ssub.s32 @!p0 $0x0, s1;
	[sflag:s0] =	ssyncset.done @!p0 $0x0  }
0x390: {  	[sflag:s0] =	ssyncadd.s32 @!p0 s1  }
0x391: {  	[bflag:$0x3] =	sbarrier.arrive $0xFFFF  }
0x392: {  	_ =	shalt  }

</sc_bundles>
